<compile_context>
chip_gen: v7x
topology: tpu7x:2x2x1
jax: 0.10.2.dev20260603
libtpu: 0.0.44.dev20260713+nightly
codegen_flags: <defaults>
</compile_context>

<pallas_src>
import jax
import jax.numpy as jnp
from jax import lax
from jax.experimental import pallas as pl
from jax.experimental.pallas import tpu as pltpu
from jax.experimental.pallas import tpu_sc as plsc

N = 10000
R = 4
D = 128
L = 2
E = 160000
C = 2 * R
CHUNK = 128
NUM_CHUNKS = E // CHUNK
NUM_WORKERS = 32
ROWS_PER_TILE = 624
ROWS_TAIL = N - 16 * ROWS_PER_TILE


BN = 10000


def _coef(c):
    expn = 8 - 2 * (c % R) - (c // R)
    return lax.shift_left(1, expn).astype(jnp.float32)


_x_spec = pl.BlockSpec((BN, D), lambda i, c: (i, 0))
_y_spec = pl.BlockSpec((1, BN, D), lambda i, c: (c, i, 0))
_y_shape = jax.ShapeDtypeStruct((C, N, D), jnp.float32)


def _w_spec(l):
    return pl.BlockSpec((1, 1, D, D), lambda i, c: (l, c, 0, 0))


def _b_spec(l):
    return pl.BlockSpec((1, 1, 1, D), lambda i, c: (l, c, 0, 0))


def _transform_body(x_ref, w_ref, b_ref, y_ref):
    c = pl.program_id(1)
    y = jnp.dot(x_ref[...], w_ref[0, 0], preferred_element_type=jnp.float32)
    y_ref[0] = (y + b_ref[0, 0, 0]) * _coef(c)


def _transform_relu_body(ha_ref, hb_ref, w_ref, b_ref, y_ref):
    c = pl.program_id(1)
    x = jnp.maximum(ha_ref[...] + hb_ref[...], 0.0)
    y = jnp.dot(x, w_ref[0, 0], preferred_element_type=jnp.float32)
    y_ref[0] = (y + b_ref[0, 0, 0]) * _coef(c)


_transform = pl.pallas_call(
    _transform_body,
    grid=(N // BN, C),
    in_specs=[_x_spec, _w_spec(0), _b_spec(0)],
    out_specs=_y_spec,
    out_shape=_y_shape,
)

_transform_relu = pl.pallas_call(
    _transform_relu_body,
    grid=(N // BN, C),
    in_specs=[_x_spec, _x_spec, _w_spec(1), _b_spec(1)],
    out_specs=_y_spec,
    out_shape=_y_shape,
)


def _add_body(a_ref, b_ref, o_ref):
    o_ref[...] = a_ref[...] + b_ref[...]

_add = pl.pallas_call(
    _add_body,
    grid=(N // BN,),
    in_specs=[pl.BlockSpec((BN, D), lambda i: (i, 0))] * 2,
    out_specs=pl.BlockSpec((BN, D), lambda i: (i, 0)),
    out_shape=jax.ShapeDtypeStruct((N, D), jnp.float32),
)


NK_LO = NUM_CHUNKS // NUM_WORKERS
NUM_HI = NUM_CHUNKS - NK_LO * NUM_WORKERS
E_LO = NK_LO * CHUNK


def _sc_body(y_hbm, ei_hbm, et_hbm, zeros_hbm, out0_hbm, out1_hbm,
             e0_s, e1_s, et_s,
             gi0, gi1, di0, di1, r0, r1, acc, gsem, ssem):
    core = lax.axis_index("c")
    sub = lax.axis_index("s")
    wid = sub * 2 + core

    base = sub * ROWS_PER_TILE
    pltpu.sync_copy(zeros_hbm.at[pl.ds(0, ROWS_PER_TILE)],
                    acc.at[pl.ds(base, ROWS_PER_TILE)])

    @pl.when(sub == 15)
    def _():
        pltpu.sync_copy(zeros_hbm.at[pl.ds(0, ROWS_TAIL)],
                        acc.at[pl.ds(16 * ROWS_PER_TILE, ROWS_TAIL)])

    is_hi = wid < NUM_HI
    nk = jnp.where(is_hi, NK_LO + 1, NK_LO)
    start = jnp.where(is_hi, wid * (NK_LO + 1),
                      NUM_HI * (NK_LO + 1) + (wid - NUM_HI) * NK_LO)
    ebase = pl.multiple_of(start * CHUNK, CHUNK)
    pltpu.sync_copy(ei_hbm.at[0, pl.ds(ebase, E_LO)], e0_s.at[pl.ds(0, E_LO)])
    pltpu.sync_copy(ei_hbm.at[1, pl.ds(ebase, E_LO)], e1_s.at[pl.ds(0, E_LO)])
    pltpu.sync_copy(et_hbm.at[pl.ds(ebase, E_LO)], et_s.at[pl.ds(0, E_LO)])

    @pl.when(is_hi)
    def _():
        off = pl.multiple_of(ebase + E_LO, CHUNK)
        pltpu.sync_copy(ei_hbm.at[0, pl.ds(off, CHUNK)],
                        e0_s.at[pl.ds(E_LO, CHUNK)])
        pltpu.sync_copy(ei_hbm.at[1, pl.ds(off, CHUNK)],
                        e1_s.at[pl.ds(E_LO, CHUNK)])
        pltpu.sync_copy(et_hbm.at[pl.ds(off, CHUNK)],
                        et_s.at[pl.ds(E_LO, CHUNK)])

    plsc.subcore_barrier()

    gis = [gi0, gi1]
    dis = [di0, di1]
    rows = [r0, r1]

    def build(k, d):
        koff = k * CHUNK
        for j in range(CHUNK // 16):
            sl = pl.ds(16 * j, 16)
            ksl = pl.ds(koff + 16 * j, 16)
            t = et_s[ksl]
            a = e0_s[ksl]
            bb = e1_s[ksl]
            if d == 0:
                gis[0][sl] = t * N + bb
                dis[0][sl] = a
            else:
                gis[1][sl] = (t + R) * N + a
                dis[1][sl] = bb

    def gissue(d):
        pltpu.async_copy(y_hbm.at[gis[d]], rows[d], gsem)

    def gwait(d):
        pltpu.make_async_copy(y_hbm.at[gis[d]], rows[d], gsem).wait()

    def sissue(d):
        pltpu.async_copy(rows[d], acc.at[dis[d]], ssem, add=True)

    def swait(d):
        pltpu.make_async_copy(rows[d], acc.at[dis[d]], ssem).wait()

    nu = 2 * nk
    build(0, 0)
    gissue(0)

    def pair_body(m, carry):
        for b in (0, 1):
            u = 2 * m + b
            un = u + 1
            nb = 1 - b

            @pl.when(jnp.logical_and(un < nu, un >= 2))
            def _():
                swait(nb)

            @pl.when(un < nu)
            def _():
                build(m + b, nb)
                gissue(nb)

            @pl.when(u < nu)
            def _():
                gwait(b)
                sissue(b)

        return carry

    lax.fori_loop(0, NK_LO + 1, pair_body, 0)
    swait(0)
    swait(1)
    plsc.subcore_barrier()

    @pl.when(core == 0)
    def _():
        pltpu.sync_copy(acc.at[pl.ds(base, ROWS_PER_TILE)],
                        out0_hbm.at[pl.ds(base, ROWS_PER_TILE)])

        @pl.when(sub == 15)
        def _():
            pltpu.sync_copy(acc.at[pl.ds(16 * ROWS_PER_TILE, ROWS_TAIL)],
                            out0_hbm.at[pl.ds(16 * ROWS_PER_TILE, ROWS_TAIL)])

    @pl.when(core == 1)
    def _():
        pltpu.sync_copy(acc.at[pl.ds(base, ROWS_PER_TILE)],
                        out1_hbm.at[pl.ds(base, ROWS_PER_TILE)])

        @pl.when(sub == 15)
        def _():
            pltpu.sync_copy(acc.at[pl.ds(16 * ROWS_PER_TILE, ROWS_TAIL)],
                            out1_hbm.at[pl.ds(16 * ROWS_PER_TILE, ROWS_TAIL)])


_sc_scatter = pl.kernel(
    _sc_body,
    out_type=(jax.ShapeDtypeStruct((N, D), jnp.float32),
              jax.ShapeDtypeStruct((N, D), jnp.float32)),
    mesh=plsc.VectorSubcoreMesh(core_axis_name="c", subcore_axis_name="s"),
    scratch_types=[
        pltpu.VMEM((E_LO + CHUNK,), jnp.int32),
        pltpu.VMEM((E_LO + CHUNK,), jnp.int32),
        pltpu.VMEM((E_LO + CHUNK,), jnp.int32),
        pltpu.VMEM((CHUNK,), jnp.int32),
        pltpu.VMEM((CHUNK,), jnp.int32),
        pltpu.VMEM((CHUNK,), jnp.int32),
        pltpu.VMEM((CHUNK,), jnp.int32),
        pltpu.VMEM((CHUNK, D), jnp.float32),
        pltpu.VMEM((CHUNK, D), jnp.float32),
        pltpu.VMEM_SHARED((N, D), jnp.float32),
        pltpu.SemaphoreType.DMA,
        pltpu.SemaphoreType.DMA,
    ],
)


@jax.jit
def kernel(edge_index, edge_type, embeddings, W, b):
    zeros = jnp.zeros((ROWS_PER_TILE, D), jnp.float32)
    b4 = b.reshape(L, C, 1, D)

    y = _transform(embeddings, W, b4)
    ha, hb = _sc_scatter(y.reshape(C * N, D), edge_index, edge_type, zeros)

    y = _transform_relu(ha, hb, W, b4)
    ha, hb = _sc_scatter(y.reshape(C * N, D), edge_index, edge_type, zeros)

    return _add(ha, hb)

# --- scband reference (transcript-rebuilt; emitter-appended) ---
"""Pipeline reference for scband-rgcnencoder-44727789421145 (READ-ONLY COPY).

The authoritative reference and input builder live on the scoring server;
editing this copy changes nothing except your own understanding.
"""

import jax, jax.numpy as jnp
import numpy as np

N = 10000
R = 4
D = 128
L = 2
EDGES = 160000


def setup_inputs(seed: int = 0) -> dict:
    key = jax.random.key(seed)
    k1, k2, k3, k4, k5 = jax.random.split(key, 5)
    edge_index = jax.random.randint(k1, (2, EDGES), 0, N, dtype=jnp.int64 if jax.config.jax_enable_x64 else jnp.int32).astype(jnp.int32)
    edge_type = jax.random.randint(k2, (EDGES,), 0, R).astype(jnp.int32)
    # learned parameters per init_kwargs
    embeddings = jax.random.normal(k3, (N, D), dtype=jnp.float32)
    # torch.rand init (uniform); scaled down for numerical stability across layers
    W = jax.random.uniform(k4, (L, R * 2, D, D), dtype=jnp.float32) * 0.05
    b = jax.random.uniform(k5, (L, R * 2, D), dtype=jnp.float32) * 0.05
    return {"edge_index": edge_index, "edge_type": edge_type, "embeddings": embeddings, "W": W, "b": b}


def reference(edge_index, edge_type, embeddings, W, b):
    # Faithful translation of RGCNEncoder.forward.
    # Note the original does: torch_scatter.scatter_sum(m, d, out=hidden) followed by
    # hidden += <that same buffer>, i.e. hidden = 2 * (hidden + segment_sum(messages)).
    output = embeddings
    for l in range(L):
        hidden = jnp.zeros((N, D), dtype=jnp.float32)
        for r in range(R):
            for inverse in (0, 1):
                mask = (edge_type == r).astype(jnp.float32)
                dst = edge_index[inverse]
                src = edge_index[1 - inverse]
                msgs = (jnp.take(output, src, axis=0) @ W[l, r + R * inverse] + b[l, r + R * inverse]) * mask[:, None]
                seg = jax.ops.segment_sum(msgs, dst, num_segments=N)
                hidden = hidden + seg          # in-place scatter_sum(out=hidden)
                hidden = hidden + hidden       # hidden += hidden
        if l + 1 < L:
            hidden = jax.nn.relu(hidden)
        output = hidden
    return output

if __name__ == "__main__":
    import jax
    _d = setup_inputs()
    print(jax.jit(kernel)(*tuple(_d.values())))

</pallas_src>

<mosaic_0001>
#map = affine_map<(d0, d1) -> (0, 0)>
#map1 = affine_map<(d0, d1) -> (0)>
module attributes {stable_mosaic.version = 14 : i64} {
  func.func @_sc_body(%arg0: i32, %arg1: i32, %arg2: memref<80000x128xf32, #tpu.memory_space<hbm>>, %arg3: memref<2x160000xi32, #tpu.memory_space<hbm>>, %arg4: memref<160000xi32, #tpu.memory_space<hbm>>, %arg5: memref<624x128xf32, #tpu.memory_space<hbm>>, %arg6: memref<10000x128xf32, #tpu.memory_space<hbm>>, %arg7: memref<10000x128xf32, #tpu.memory_space<hbm>>, %arg8: memref<5120xi32, #tpu.memory_space<vmem>>, %arg9: memref<5120xi32, #tpu.memory_space<vmem>>, %arg10: memref<5120xi32, #tpu.memory_space<vmem>>, %arg11: memref<128xi32, #tpu.memory_space<vmem>>, %arg12: memref<128xi32, #tpu.memory_space<vmem>>, %arg13: memref<128xi32, #tpu.memory_space<vmem>>, %arg14: memref<128xi32, #tpu.memory_space<vmem>>, %arg15: memref<128x128xf32, #tpu.memory_space<vmem>>, %arg16: memref<128x128xf32, #tpu.memory_space<vmem>>, %arg17: memref<10000x128xf32, #tpu.memory_space<vmem_shared>>, %arg18: memref<!tpu.dma_semaphore, #tpu.memory_space<semaphore_mem>>, %arg19: memref<!tpu.dma_semaphore, #tpu.memory_space<semaphore_mem>>) attributes {dimension_semantics = [#tpu.dimension_semantics<core_parallel>, #tpu.dimension_semantics<subcore_parallel>], iteration_bounds = array<i64: 2, 16>, scalar_prefetch = 0 : i64, scratch_operands = 12 : i64, tpu.core_type = #tpu.core_type<sc_vector_subcore>, window_params = [{transform_indices = #map}, {transform_indices = #map}, {transform_indices = #map1}, {transform_indices = #map}, {transform_indices = #map}, {transform_indices = #map}]} {
    %mul3A = arith.constant 2 : i32
    %mul3A_0 = arith.muli %arg1, %mul3A : i32
    %add3A = arith.addi %mul3A_0, %arg0 : i32
    %mul3A_1 = arith.constant 624 : i32
    %mul3A_2 = arith.muli %arg1, %mul3A_1 : i32
    "tpu.region"() ({
      %run_scoped3A_212 = tpu.sem_alloc : memref<!tpu.dma_semaphore, #tpu.memory_space<semaphore_mem>>
      %dma_start3A_213 = arith.constant 0 : i32
      %dma_start3A_214 = tpu.memref_slice %arg17[%mul3A_2, %dma_start3A_213] : memref<10000x128xf32, #tpu.memory_space<vmem_shared>> -> memref<624x128xf32, #tpu.memory_space<vmem_shared>>
      %dma_start3A_215 = arith.constant 0 : i32
      %dma_start3A_216 = arith.constant 0 : i32
      %dma_start3A_217 = tpu.memref_slice %arg5[%dma_start3A_215, %dma_start3A_216] : memref<624x128xf32, #tpu.memory_space<hbm>> -> memref<624x128xf32, #tpu.memory_space<hbm>>
      tpu.enqueue_dma source(%dma_start3A_217 : memref<624x128xf32, #tpu.memory_space<hbm>>) target(%dma_start3A_214 : memref<624x128xf32, #tpu.memory_space<vmem_shared>>) target_semaphore(%run_scoped3A_212 : memref<!tpu.dma_semaphore, #tpu.memory_space<semaphore_mem>>)
      %dma_wait3A_218 = arith.constant 0 : i32
      %dma_wait3A_219 = tpu.memref_slice %arg17[%mul3A_2, %dma_wait3A_218] : memref<10000x128xf32, #tpu.memory_space<vmem_shared>> -> memref<624x128xf32, #tpu.memory_space<vmem_shared>>
      %dma_wait3A_220 = arith.constant 0 : i32
      %dma_wait3A_221 = arith.constant 0 : i32
      %dma_wait3A_222 = tpu.memref_slice %arg5[%dma_wait3A_220, %dma_wait3A_221] : memref<624x128xf32, #tpu.memory_space<hbm>> -> memref<624x128xf32, #tpu.memory_space<hbm>>
      tpu.wait_dma2 semaphore(%run_scoped3A_212 : memref<!tpu.dma_semaphore, #tpu.memory_space<semaphore_mem>>) src(%dma_wait3A_222 : memref<624x128xf32, #tpu.memory_space<hbm>>) dst(%dma_wait3A_219 : memref<624x128xf32, #tpu.memory_space<vmem_shared>>)
      tpu.yield
    }) : () -> ()
    %eq3A = arith.constant 15 : i32
    %eq3A_3 = arith.cmpi eq, %arg1, %eq3A : i32
    %convert_element_type3A = arith.extui %eq3A_3 : i1 to i32
    %cond3A = arith.constant 0 : i32
    %cond3A_4 = arith.cmpi ne, %convert_element_type3A, %cond3A : i32
    scf.if %cond3A_4 {
      "tpu.region"() ({
        %run_scoped3A_212 = tpu.sem_alloc : memref<!tpu.dma_semaphore, #tpu.memory_space<semaphore_mem>>
        %dma_start3A_213 = arith.constant 9984 : i32
        %dma_start3A_214 = arith.constant 0 : i32
        %dma_start3A_215 = tpu.memref_slice %arg17[%dma_start3A_213, %dma_start3A_214] : memref<10000x128xf32, #tpu.memory_space<vmem_shared>> -> memref<16x128xf32, #tpu.memory_space<vmem_shared>>
        %dma_start3A_216 = arith.constant 0 : i32
        %dma_start3A_217 = arith.constant 0 : i32
        %dma_start3A_218 = tpu.memref_slice %arg5[%dma_start3A_216, %dma_start3A_217] : memref<624x128xf32, #tpu.memory_space<hbm>> -> memref<16x128xf32, #tpu.memory_space<hbm>>
        tpu.enqueue_dma source(%dma_start3A_218 : memref<16x128xf32, #tpu.memory_space<hbm>>) target(%dma_start3A_215 : memref<16x128xf32, #tpu.memory_space<vmem_shared>>) target_semaphore(%run_scoped3A_212 : memref<!tpu.dma_semaphore, #tpu.memory_space<semaphore_mem>>)
        %dma_wait3A_219 = arith.constant 9984 : i32
        %dma_wait3A_220 = arith.constant 0 : i32
        %dma_wait3A_221 = tpu.memref_slice %arg17[%dma_wait3A_219, %dma_wait3A_220] : memref<10000x128xf32, #tpu.memory_space<vmem_shared>> -> memref<16x128xf32, #tpu.memory_space<vmem_shared>>
        %dma_wait3A_222 = arith.constant 0 : i32
        %dma_wait3A_223 = arith.constant 0 : i32
        %dma_wait3A_224 = tpu.memref_slice %arg5[%dma_wait3A_222, %dma_wait3A_223] : memref<624x128xf32, #tpu.memory_space<hbm>> -> memref<16x128xf32, #tpu.memory_space<hbm>>
        tpu.wait_dma2 semaphore(%run_scoped3A_212 : memref<!tpu.dma_semaphore, #tpu.memory_space<semaphore_mem>>) src(%dma_wait3A_224 : memref<16x128xf32, #tpu.memory_space<hbm>>) dst(%dma_wait3A_221 : memref<16x128xf32, #tpu.memory_space<vmem_shared>>)
        tpu.yield
      }) : () -> ()
    } else {
    }
    %lt3A = arith.constant 2 : i32
    %lt3A_5 = arith.cmpi slt, %add3A, %lt3A : i32
    %jit3A = arith.constant 40 : i32
    %jit3A_6 = arith.constant 39 : i32
    %select_n3A = arith.select %lt3A_5, %jit3A, %jit3A_6 : i32
    %mul3A_7 = arith.constant 40 : i32
    %mul3A_8 = arith.muli %add3A, %mul3A_7 : i32
    %sub3A = arith.constant 2 : i32
    %sub3A_9 = arith.subi %add3A, %sub3A : i32
    %mul3A_10 = arith.constant 39 : i32
    %mul3A_11 = arith.muli %sub3A_9, %mul3A_10 : i32
    %add3A_12 = arith.constant 80 : i32
    %add3A_13 = arith.addi %add3A_12, %mul3A_11 : i32
    %select_n3A_14 = arith.select %lt3A_5, %mul3A_8, %add3A_13 : i32
    %mul3A_15 = arith.constant 128 : i32
    %mul3A_16 = arith.muli %select_n3A_14, %mul3A_15 : i32
    %multiple_of3A = tpu.assume_multiple %mul3A_16, 128 : i32
    %run_scoped3A = arith.constant 0 : i32
    "tpu.region"() ({
      %run_scoped3A_212 = tpu.sem_alloc : memref<!tpu.dma_semaphore, #tpu.memory_space<semaphore_mem>>
      %dma_start3A_213 = arith.constant 0 : i32
      %dma_start3A_214 = tpu.memref_slice %arg8[%dma_start3A_213] : memref<5120xi32, #tpu.memory_space<vmem>> -> memref<4992xi32, #tpu.memory_space<vmem>>
      %dma_start3A_215 = tpu.memref_slice %arg3[%run_scoped3A, %multiple_of3A] : memref<2x160000xi32, #tpu.memory_space<hbm>> -> memref<1x4992xi32, #tpu.memory_space<hbm>>
      %dma_start3A_216 = tpu.memref_squeeze %dma_start3A_215 : memref<1x4992xi32, #tpu.memory_space<hbm>> -> memref<4992xi32, #tpu.memory_space<hbm>>
      %dma_start3A_217 = arith.constant 0 : i32
      %dma_start3A_218 = tpu.memref_slice %arg8[%dma_start3A_217] : memref<5120xi32, #tpu.memory_space<vmem>> -> memref<4992xi32, #tpu.memory_space<vmem>>
      %dma_start3A_219 = tpu.memref_slice %arg3[%run_scoped3A, %multiple_of3A] : memref<2x160000xi32, #tpu.memory_space<hbm>> -> memref<1x4992xi32, #tpu.memory_space<hbm>>
      %dma_start3A_220 = tpu.memref_squeeze %dma_start3A_219 : memref<1x4992xi32, #tpu.memory_space<hbm>> -> memref<4992xi32, #tpu.memory_space<hbm>>
      tpu.enqueue_dma source(%dma_start3A_220 : memref<4992xi32, #tpu.memory_space<hbm>>) target(%dma_start3A_218 : memref<4992xi32, #tpu.memory_space<vmem>>) target_semaphore(%run_scoped3A_212 : memref<!tpu.dma_semaphore, #tpu.memory_space<semaphore_mem>>)
      %dma_wait3A_221 = arith.constant 0 : i32
      %dma_wait3A_222 = tpu.memref_slice %arg8[%dma_wait3A_221] : memref<5120xi32, #tpu.memory_space<vmem>> -> memref<4992xi32, #tpu.memory_space<vmem>>
      %dma_wait3A_223 = tpu.memref_slice %arg3[%run_scoped3A, %multiple_of3A] : memref<2x160000xi32, #tpu.memory_space<hbm>> -> memref<1x4992xi32, #tpu.memory_space<hbm>>
      %dma_wait3A_224 = tpu.memref_squeeze %dma_wait3A_223 : memref<1x4992xi32, #tpu.memory_space<hbm>> -> memref<4992xi32, #tpu.memory_space<hbm>>
      %dma_wait3A_225 = arith.constant 0 : i32
      %dma_wait3A_226 = tpu.memref_slice %arg8[%dma_wait3A_225] : memref<5120xi32, #tpu.memory_space<vmem>> -> memref<4992xi32, #tpu.memory_space<vmem>>
      %dma_wait3A_227 = tpu.memref_slice %arg3[%run_scoped3A, %multiple_of3A] : memref<2x160000xi32, #tpu.memory_space<hbm>> -> memref<1x4992xi32, #tpu.memory_space<hbm>>
      %dma_wait3A_228 = tpu.memref_squeeze %dma_wait3A_227 : memref<1x4992xi32, #tpu.memory_space<hbm>> -> memref<4992xi32, #tpu.memory_space<hbm>>
      tpu.wait_dma2 semaphore(%run_scoped3A_212 : memref<!tpu.dma_semaphore, #tpu.memory_space<semaphore_mem>>) src(%dma_wait3A_228 : memref<4992xi32, #tpu.memory_space<hbm>>) dst(%dma_wait3A_226 : memref<4992xi32, #tpu.memory_space<vmem>>)
      tpu.yield
    }) : () -> ()
    %run_scoped3A_17 = arith.constant 1 : i32
    "tpu.region"() ({
      %run_scoped3A_212 = tpu.sem_alloc : memref<!tpu.dma_semaphore, #tpu.memory_space<semaphore_mem>>
      %dma_start3A_213 = arith.constant 0 : i32
      %dma_start3A_214 = tpu.memref_slice %arg9[%dma_start3A_213] : memref<5120xi32, #tpu.memory_space<vmem>> -> memref<4992xi32, #tpu.memory_space<vmem>>
      %dma_start3A_215 = tpu.memref_slice %arg3[%run_scoped3A_17, %multiple_of3A] : memref<2x160000xi32, #tpu.memory_space<hbm>> -> memref<1x4992xi32, #tpu.memory_space<hbm>>
      %dma_start3A_216 = tpu.memref_squeeze %dma_start3A_215 : memref<1x4992xi32, #tpu.memory_space<hbm>> -> memref<4992xi32, #tpu.memory_space<hbm>>
      %dma_start3A_217 = arith.constant 0 : i32
      %dma_start3A_218 = tpu.memref_slice %arg9[%dma_start3A_217] : memref<5120xi32, #tpu.memory_space<vmem>> -> memref<4992xi32, #tpu.memory_space<vmem>>
      %dma_start3A_219 = tpu.memref_slice %arg3[%run_scoped3A_17, %multiple_of3A] : memref<2x160000xi32, #tpu.memory_space<hbm>> -> memref<1x4992xi32, #tpu.memory_space<hbm>>
      %dma_start3A_220 = tpu.memref_squeeze %dma_start3A_219 : memref<1x4992xi32, #tpu.memory_space<hbm>> -> memref<4992xi32, #tpu.memory_space<hbm>>
      tpu.enqueue_dma source(%dma_start3A_220 : memref<4992xi32, #tpu.memory_space<hbm>>) target(%dma_start3A_218 : memref<4992xi32, #tpu.memory_space<vmem>>) target_semaphore(%run_scoped3A_212 : memref<!tpu.dma_semaphore, #tpu.memory_space<semaphore_mem>>)
      %dma_wait3A_221 = arith.constant 0 : i32
      %dma_wait3A_222 = tpu.memref_slice %arg9[%dma_wait3A_221] : memref<5120xi32, #tpu.memory_space<vmem>> -> memref<4992xi32, #tpu.memory_space<vmem>>
      %dma_wait3A_223 = tpu.memref_slice %arg3[%run_scoped3A_17, %multiple_of3A] : memref<2x160000xi32, #tpu.memory_space<hbm>> -> memref<1x4992xi32, #tpu.memory_space<hbm>>
      %dma_wait3A_224 = tpu.memref_squeeze %dma_wait3A_223 : memref<1x4992xi32, #tpu.memory_space<hbm>> -> memref<4992xi32, #tpu.memory_space<hbm>>
      %dma_wait3A_225 = arith.constant 0 : i32
      %dma_wait3A_226 = tpu.memref_slice %arg9[%dma_wait3A_225] : memref<5120xi32, #tpu.memory_space<vmem>> -> memref<4992xi32, #tpu.memory_space<vmem>>
      %dma_wait3A_227 = tpu.memref_slice %arg3[%run_scoped3A_17, %multiple_of3A] : memref<2x160000xi32, #tpu.memory_space<hbm>> -> memref<1x4992xi32, #tpu.memory_space<hbm>>
      %dma_wait3A_228 = tpu.memref_squeeze %dma_wait3A_227 : memref<1x4992xi32, #tpu.memory_space<hbm>> -> memref<4992xi32, #tpu.memory_space<hbm>>
      tpu.wait_dma2 semaphore(%run_scoped3A_212 : memref<!tpu.dma_semaphore, #tpu.memory_space<semaphore_mem>>) src(%dma_wait3A_228 : memref<4992xi32, #tpu.memory_space<hbm>>) dst(%dma_wait3A_226 : memref<4992xi32, #tpu.memory_space<vmem>>)
      tpu.yield
    }) : () -> ()
    "tpu.region"() ({
      %run_scoped3A_212 = tpu.sem_alloc : memref<!tpu.dma_semaphore, #tpu.memory_space<semaphore_mem>>
      %dma_start3A_213 = arith.constant 0 : i32
      %dma_start3A_214 = tpu.memref_slice %arg10[%dma_start3A_213] : memref<5120xi32, #tpu.memory_space<vmem>> -> memref<4992xi32, #tpu.memory_space<vmem>>
      %dma_start3A_215 = tpu.memref_slice %arg4[%multiple_of3A] : memref<160000xi32, #tpu.memory_space<hbm>> -> memref<4992xi32, #tpu.memory_space<hbm>>
      %dma_start3A_216 = arith.constant 0 : i32
      %dma_start3A_217 = tpu.memref_slice %arg10[%dma_start3A_216] : memref<5120xi32, #tpu.memory_space<vmem>> -> memref<4992xi32, #tpu.memory_space<vmem>>
      %dma_start3A_218 = tpu.memref_slice %arg4[%multiple_of3A] : memref<160000xi32, #tpu.memory_space<hbm>> -> memref<4992xi32, #tpu.memory_space<hbm>>
      tpu.enqueue_dma source(%dma_start3A_218 : memref<4992xi32, #tpu.memory_space<hbm>>) target(%dma_start3A_217 : memref<4992xi32, #tpu.memory_space<vmem>>) target_semaphore(%run_scoped3A_212 : memref<!tpu.dma_semaphore, #tpu.memory_space<semaphore_mem>>)
      %dma_wait3A_219 = arith.constant 0 : i32
      %dma_wait3A_220 = tpu.memref_slice %arg10[%dma_wait3A_219] : memref<5120xi32, #tpu.memory_space<vmem>> -> memref<4992xi32, #tpu.memory_space<vmem>>
      %dma_wait3A_221 = tpu.memref_slice %arg4[%multiple_of3A] : memref<160000xi32, #tpu.memory_space<hbm>> -> memref<4992xi32, #tpu.memory_space<hbm>>
      %dma_wait3A_222 = arith.constant 0 : i32
      %dma_wait3A_223 = tpu.memref_slice %arg10[%dma_wait3A_222] : memref<5120xi32, #tpu.memory_space<vmem>> -> memref<4992xi32, #tpu.memory_space<vmem>>
      %dma_wait3A_224 = tpu.memref_slice %arg4[%multiple_of3A] : memref<160000xi32, #tpu.memory_space<hbm>> -> memref<4992xi32, #tpu.memory_space<hbm>>
      tpu.wait_dma2 semaphore(%run_scoped3A_212 : memref<!tpu.dma_semaphore, #tpu.memory_space<semaphore_mem>>) src(%dma_wait3A_224 : memref<4992xi32, #tpu.memory_space<hbm>>) dst(%dma_wait3A_223 : memref<4992xi32, #tpu.memory_space<vmem>>)
      tpu.yield
    }) : () -> ()
    %convert_element_type3A_18 = arith.extui %lt3A_5 : i1 to i32
    %cond3A_19 = arith.constant 0 : i32
    %cond3A_20 = arith.cmpi ne, %convert_element_type3A_18, %cond3A_19 : i32
    scf.if %cond3A_20 {
      %add3A_212 = arith.constant 4992 : i32
      %add3A_213 = arith.addi %multiple_of3A, %add3A_212 : i32
      %multiple_of3A_214 = tpu.assume_multiple %add3A_213, 128 : i32
      %run_scoped3A_215 = arith.constant 0 : i32
      "tpu.region"() ({
        %run_scoped3A_217 = tpu.sem_alloc : memref<!tpu.dma_semaphore, #tpu.memory_space<semaphore_mem>>
        %dma_start3A_218 = arith.constant 4992 : i32
        %dma_start3A_219 = tpu.memref_slice %arg8[%dma_start3A_218] : memref<5120xi32, #tpu.memory_space<vmem>> -> memref<128xi32, #tpu.memory_space<vmem>>
        %dma_start3A_220 = tpu.memref_slice %arg3[%run_scoped3A_215, %multiple_of3A_214] : memref<2x160000xi32, #tpu.memory_space<hbm>> -> memref<1x128xi32, #tpu.memory_space<hbm>>
        %dma_start3A_221 = tpu.memref_squeeze %dma_start3A_220 : memref<1x128xi32, #tpu.memory_space<hbm>> -> memref<128xi32, #tpu.memory_space<hbm>>
        %dma_start3A_222 = arith.constant 4992 : i32
        %dma_start3A_223 = tpu.memref_slice %arg8[%dma_start3A_222] : memref<5120xi32, #tpu.memory_space<vmem>> -> memref<128xi32, #tpu.memory_space<vmem>>
        %dma_start3A_224 = tpu.memref_slice %arg3[%run_scoped3A_215, %multiple_of3A_214] : memref<2x160000xi32, #tpu.memory_space<hbm>> -> memref<1x128xi32, #tpu.memory_space<hbm>>
        %dma_start3A_225 = tpu.memref_squeeze %dma_start3A_224 : memref<1x128xi32, #tpu.memory_space<hbm>> -> memref<128xi32, #tpu.memory_space<hbm>>
        tpu.enqueue_dma source(%dma_start3A_225 : memref<128xi32, #tpu.memory_space<hbm>>) target(%dma_start3A_223 : memref<128xi32, #tpu.memory_space<vmem>>) target_semaphore(%run_scoped3A_217 : memref<!tpu.dma_semaphore, #tpu.memory_space<semaphore_mem>>)
        %dma_wait3A_226 = arith.constant 4992 : i32
        %dma_wait3A_227 = tpu.memref_slice %arg8[%dma_wait3A_226] : memref<5120xi32, #tpu.memory_space<vmem>> -> memref<128xi32, #tpu.memory_space<vmem>>
        %dma_wait3A_228 = tpu.memref_slice %arg3[%run_scoped3A_215, %multiple_of3A_214] : memref<2x160000xi32, #tpu.memory_space<hbm>> -> memref<1x128xi32, #tpu.memory_space<hbm>>
        %dma_wait3A_229 = tpu.memref_squeeze %dma_wait3A_228 : memref<1x128xi32, #tpu.memory_space<hbm>> -> memref<128xi32, #tpu.memory_space<hbm>>
        %dma_wait3A_230 = arith.constant 4992 : i32
        %dma_wait3A_231 = tpu.memref_slice %arg8[%dma_wait3A_230] : memref<5120xi32, #tpu.memory_space<vmem>> -> memref<128xi32, #tpu.memory_space<vmem>>
        %dma_wait3A_232 = tpu.memref_slice %arg3[%run_scoped3A_215, %multiple_of3A_214] : memref<2x160000xi32, #tpu.memory_space<hbm>> -> memref<1x128xi32, #tpu.memory_space<hbm>>
        %dma_wait3A_233 = tpu.memref_squeeze %dma_wait3A_232 : memref<1x128xi32, #tpu.memory_space<hbm>> -> memref<128xi32, #tpu.memory_space<hbm>>
        tpu.wait_dma2 semaphore(%run_scoped3A_217 : memref<!tpu.dma_semaphore, #tpu.memory_space<semaphore_mem>>) src(%dma_wait3A_233 : memref<128xi32, #tpu.memory_space<hbm>>) dst(%dma_wait3A_231 : memref<128xi32, #tpu.memory_space<vmem>>)
        tpu.yield
      }) : () -> ()
      %run_scoped3A_216 = arith.constant 1 : i32
      "tpu.region"() ({
        %run_scoped3A_217 = tpu.sem_alloc : memref<!tpu.dma_semaphore, #tpu.memory_space<semaphore_mem>>
        %dma_start3A_218 = arith.constant 4992 : i32
        %dma_start3A_219 = tpu.memref_slice %arg9[%dma_start3A_218] : memref<5120xi32, #tpu.memory_space<vmem>> -> memref<128xi32, #tpu.memory_space<vmem>>
        %dma_start3A_220 = tpu.memref_slice %arg3[%run_scoped3A_216, %multiple_of3A_214] : memref<2x160000xi32, #tpu.memory_space<hbm>> -> memref<1x128xi32, #tpu.memory_space<hbm>>
        %dma_start3A_221 = tpu.memref_squeeze %dma_start3A_220 : memref<1x128xi32, #tpu.memory_space<hbm>> -> memref<128xi32, #tpu.memory_space<hbm>>
        %dma_start3A_222 = arith.constant 4992 : i32
        %dma_start3A_223 = tpu.memref_slice %arg9[%dma_start3A_222] : memref<5120xi32, #tpu.memory_space<vmem>> -> memref<128xi32, #tpu.memory_space<vmem>>
        %dma_start3A_224 = tpu.memref_slice %arg3[%run_scoped3A_216, %multiple_of3A_214] : memref<2x160000xi32, #tpu.memory_space<hbm>> -> memref<1x128xi32, #tpu.memory_space<hbm>>
        %dma_start3A_225 = tpu.memref_squeeze %dma_start3A_224 : memref<1x128xi32, #tpu.memory_space<hbm>> -> memref<128xi32, #tpu.memory_space<hbm>>
        tpu.enqueue_dma source(%dma_start3A_225 : memref<128xi32, #tpu.memory_space<hbm>>) target(%dma_start3A_223 : memref<128xi32, #tpu.memory_space<vmem>>) target_semaphore(%run_scoped3A_217 : memref<!tpu.dma_semaphore, #tpu.memory_space<semaphore_mem>>)
        %dma_wait3A_226 = arith.constant 4992 : i32
        %dma_wait3A_227 = tpu.memref_slice %arg9[%dma_wait3A_226] : memref<5120xi32, #tpu.memory_space<vmem>> -> memref<128xi32, #tpu.memory_space<vmem>>
        %dma_wait3A_228 = tpu.memref_slice %arg3[%run_scoped3A_216, %multiple_of3A_214] : memref<2x160000xi32, #tpu.memory_space<hbm>> -> memref<1x128xi32, #tpu.memory_space<hbm>>
        %dma_wait3A_229 = tpu.memref_squeeze %dma_wait3A_228 : memref<1x128xi32, #tpu.memory_space<hbm>> -> memref<128xi32, #tpu.memory_space<hbm>>
        %dma_wait3A_230 = arith.constant 4992 : i32
        %dma_wait3A_231 = tpu.memref_slice %arg9[%dma_wait3A_230] : memref<5120xi32, #tpu.memory_space<vmem>> -> memref<128xi32, #tpu.memory_space<vmem>>
        %dma_wait3A_232 = tpu.memref_slice %arg3[%run_scoped3A_216, %multiple_of3A_214] : memref<2x160000xi32, #tpu.memory_space<hbm>> -> memref<1x128xi32, #tpu.memory_space<hbm>>
        %dma_wait3A_233 = tpu.memref_squeeze %dma_wait3A_232 : memref<1x128xi32, #tpu.memory_space<hbm>> -> memref<128xi32, #tpu.memory_space<hbm>>
        tpu.wait_dma2 semaphore(%run_scoped3A_217 : memref<!tpu.dma_semaphore, #tpu.memory_space<semaphore_mem>>) src(%dma_wait3A_233 : memref<128xi32, #tpu.memory_space<hbm>>) dst(%dma_wait3A_231 : memref<128xi32, #tpu.memory_space<vmem>>)
        tpu.yield
      }) : () -> ()
      "tpu.region"() ({
        %run_scoped3A_217 = tpu.sem_alloc : memref<!tpu.dma_semaphore, #tpu.memory_space<semaphore_mem>>
        %dma_start3A_218 = arith.constant 4992 : i32
        %dma_start3A_219 = tpu.memref_slice %arg10[%dma_start3A_218] : memref<5120xi32, #tpu.memory_space<vmem>> -> memref<128xi32, #tpu.memory_space<vmem>>
        %dma_start3A_220 = tpu.memref_slice %arg4[%multiple_of3A_214] : memref<160000xi32, #tpu.memory_space<hbm>> -> memref<128xi32, #tpu.memory_space<hbm>>
        %dma_start3A_221 = arith.constant 4992 : i32
        %dma_start3A_222 = tpu.memref_slice %arg10[%dma_start3A_221] : memref<5120xi32, #tpu.memory_space<vmem>> -> memref<128xi32, #tpu.memory_space<vmem>>
        %dma_start3A_223 = tpu.memref_slice %arg4[%multiple_of3A_214] : memref<160000xi32, #tpu.memory_space<hbm>> -> memref<128xi32, #tpu.memory_space<hbm>>
        tpu.enqueue_dma source(%dma_start3A_223 : memref<128xi32, #tpu.memory_space<hbm>>) target(%dma_start3A_222 : memref<128xi32, #tpu.memory_space<vmem>>) target_semaphore(%run_scoped3A_217 : memref<!tpu.dma_semaphore, #tpu.memory_space<semaphore_mem>>)
        %dma_wait3A_224 = arith.constant 4992 : i32
        %dma_wait3A_225 = tpu.memref_slice %arg10[%dma_wait3A_224] : memref<5120xi32, #tpu.memory_space<vmem>> -> memref<128xi32, #tpu.memory_space<vmem>>
        %dma_wait3A_226 = tpu.memref_slice %arg4[%multiple_of3A_214] : memref<160000xi32, #tpu.memory_space<hbm>> -> memref<128xi32, #tpu.memory_space<hbm>>
        %dma_wait3A_227 = arith.constant 4992 : i32
        %dma_wait3A_228 = tpu.memref_slice %arg10[%dma_wait3A_227] : memref<5120xi32, #tpu.memory_space<vmem>> -> memref<128xi32, #tpu.memory_space<vmem>>
        %dma_wait3A_229 = tpu.memref_slice %arg4[%multiple_of3A_214] : memref<160000xi32, #tpu.memory_space<hbm>> -> memref<128xi32, #tpu.memory_space<hbm>>
        tpu.wait_dma2 semaphore(%run_scoped3A_217 : memref<!tpu.dma_semaphore, #tpu.memory_space<semaphore_mem>>) src(%dma_wait3A_229 : memref<128xi32, #tpu.memory_space<hbm>>) dst(%dma_wait3A_228 : memref<128xi32, #tpu.memory_space<vmem>>)
        tpu.yield
      }) : () -> ()
    } else {
    }
    %barrier3A = arith.constant 0 : index
    tpu.barrier barrier_id(%barrier3A)
    %mul3A_21 = arith.constant 2 : i32
    %mul3A_22 = arith.muli %mul3A_21, %select_n3A : i32
    %get3A = arith.constant 0 : index
    %get3A_23 = tpu.vector_load %arg10[%get3A] {strides = array<i32>} : memref<5120xi32, #tpu.memory_space<vmem>>, vector<16xi32>,
    %get3A_24 = vector.shape_cast %get3A_23 : vector<16xi32> to vector<16xi32>
    %get3A_25 = arith.constant 0 : index
    %get3A_26 = tpu.vector_load %arg8[%get3A_25] {strides = array<i32>} : memref<5120xi32, #tpu.memory_space<vmem>>, vector<16xi32>,
    %get3A_27 = vector.shape_cast %get3A_26 : vector<16xi32> to vector<16xi32>
    %get3A_28 = arith.constant 0 : index
    %get3A_29 = tpu.vector_load %arg9[%get3A_28] {strides = array<i32>} : memref<5120xi32, #tpu.memory_space<vmem>>, vector<16xi32>,
    %get3A_30 = vector.shape_cast %get3A_29 : vector<16xi32> to vector<16xi32>
    %mul3A_31 = arith.constant 10000 : i32
    %mul3A_32 = vector.broadcast %mul3A_31 : i32 to vector<16xi32>
    %mul3A_33 = arith.muli %get3A_24, %mul3A_32 : vector<16xi32>
    %add3A_34 = arith.addi %mul3A_33, %get3A_30 : vector<16xi32>
    %swap3A = arith.constant 0 : index
    %swap3A_35 = tpu.vector_load %arg11[%swap3A] {strides = array<i32>} : memref<128xi32, #tpu.memory_space<vmem>>, vector<16xi32>,
    %swap3A_36 = vector.shape_cast %swap3A_35 : vector<16xi32> to vector<16xi32>
    %swap3A_37 = vector.shape_cast %add3A_34 : vector<16xi32> to vector<16xi32>
    tpu.vector_store %arg11[%swap3A], %swap3A_37 {strides = array<i32>} : memref<128xi32, #tpu.memory_space<vmem>>, vector<16xi32>,
    %swap3A_38 = arith.constant 0 : index
    %swap3A_39 = tpu.vector_load %arg13[%swap3A_38] {strides = array<i32>} : memref<128xi32, #tpu.memory_space<vmem>>, vector<16xi32>,
    %swap3A_40 = vector.shape_cast %swap3A_39 : vector<16xi32> to vector<16xi32>
    %swap3A_41 = vector.shape_cast %get3A_27 : vector<16xi32> to vector<16xi32>
    tpu.vector_store %arg13[%swap3A_38], %swap3A_41 {strides = array<i32>} : memref<128xi32, #tpu.memory_space<vmem>>, vector<16xi32>,
    %get3A_42 = arith.constant 16 : index
    %get3A_43 = tpu.vector_load %arg10[%get3A_42] {strides = array<i32>} : memref<5120xi32, #tpu.memory_space<vmem>>, vector<16xi32>,
    %get3A_44 = vector.shape_cast %get3A_43 : vector<16xi32> to vector<16xi32>
    %get3A_45 = arith.constant 16 : index
    %get3A_46 = tpu.vector_load %arg8[%get3A_45] {strides = array<i32>} : memref<5120xi32, #tpu.memory_space<vmem>>, vector<16xi32>,
    %get3A_47 = vector.shape_cast %get3A_46 : vector<16xi32> to vector<16xi32>
    %get3A_48 = arith.constant 16 : index
    %get3A_49 = tpu.vector_load %arg9[%get3A_48] {strides = array<i32>} : memref<5120xi32, #tpu.memory_space<vmem>>, vector<16xi32>,
    %get3A_50 = vector.shape_cast %get3A_49 : vector<16xi32> to vector<16xi32>
    %mul3A_51 = arith.constant 10000 : i32
    %mul3A_52 = vector.broadcast %mul3A_51 : i32 to vector<16xi32>
    %mul3A_53 = arith.muli %get3A_44, %mul3A_52 : vector<16xi32>
    %add3A_54 = arith.addi %mul3A_53, %get3A_50 : vector<16xi32>
    %swap3A_55 = arith.constant 16 : index
    %swap3A_56 = tpu.vector_load %arg11[%swap3A_55] {strides = array<i32>} : memref<128xi32, #tpu.memory_space<vmem>>, vector<16xi32>,
    %swap3A_57 = vector.shape_cast %swap3A_56 : vector<16xi32> to vector<16xi32>
    %swap3A_58 = vector.shape_cast %add3A_54 : vector<16xi32> to vector<16xi32>
    tpu.vector_store %arg11[%swap3A_55], %swap3A_58 {strides = array<i32>} : memref<128xi32, #tpu.memory_space<vmem>>, vector<16xi32>,
    %swap3A_59 = arith.constant 16 : index
    %swap3A_60 = tpu.vector_load %arg13[%swap3A_59] {strides = array<i32>} : memref<128xi32, #tpu.memory_space<vmem>>, vector<16xi32>,
    %swap3A_61 = vector.shape_cast %swap3A_60 : vector<16xi32> to vector<16xi32>
    %swap3A_62 = vector.shape_cast %get3A_47 : vector<16xi32> to vector<16xi32>
    tpu.vector_store %arg13[%swap3A_59], %swap3A_62 {strides = array<i32>} : memref<128xi32, #tpu.memory_space<vmem>>, vector<16xi32>,
    %get3A_63 = arith.constant 32 : index
    %get3A_64 = tpu.vector_load %arg10[%get3A_63] {strides = array<i32>} : memref<5120xi32, #tpu.memory_space<vmem>>, vector<16xi32>,
    %get3A_65 = vector.shape_cast %get3A_64 : vector<16xi32> to vector<16xi32>
    %get3A_66 = arith.constant 32 : index
    %get3A_67 = tpu.vector_load %arg8[%get3A_66] {strides = array<i32>} : memref<5120xi32, #tpu.memory_space<vmem>>, vector<16xi32>,
    %get3A_68 = vector.shape_cast %get3A_67 : vector<16xi32> to vector<16xi32>
    %get3A_69 = arith.constant 32 : index
    %get3A_70 = tpu.vector_load %arg9[%get3A_69] {strides = array<i32>} : memref<5120xi32, #tpu.memory_space<vmem>>, vector<16xi32>,
    %get3A_71 = vector.shape_cast %get3A_70 : vector<16xi32> to vector<16xi32>
    %mul3A_72 = arith.constant 10000 : i32
    %mul3A_73 = vector.broadcast %mul3A_72 : i32 to vector<16xi32>
    %mul3A_74 = arith.muli %get3A_65, %mul3A_73 : vector<16xi32>
    %add3A_75 = arith.addi %mul3A_74, %get3A_71 : vector<16xi32>
    %swap3A_76 = arith.constant 32 : index
    %swap3A_77 = tpu.vector_load %arg11[%swap3A_76] {strides = array<i32>} : memref<128xi32, #tpu.memory_space<vmem>>, vector<16xi32>,
    %swap3A_78 = vector.shape_cast %swap3A_77 : vector<16xi32> to vector<16xi32>
    %swap3A_79 = vector.shape_cast %add3A_75 : vector<16xi32> to vector<16xi32>
    tpu.vector_store %arg11[%swap3A_76], %swap3A_79 {strides = array<i32>} : memref<128xi32, #tpu.memory_space<vmem>>, vector<16xi32>,
    %swap3A_80 = arith.constant 32 : index
    %swap3A_81 = tpu.vector_load %arg13[%swap3A_80] {strides = array<i32>} : memref<128xi32, #tpu.memory_space<vmem>>, vector<16xi32>,
    %swap3A_82 = vector.shape_cast %swap3A_81 : vector<16xi32> to vector<16xi32>
    %swap3A_83 = vector.shape_cast %get3A_68 : vector<16xi32> to vector<16xi32>
    tpu.vector_store %arg13[%swap3A_80], %swap3A_83 {strides = array<i32>} : memref<128xi32, #tpu.memory_space<vmem>>, vector<16xi32>,
    %get3A_84 = arith.constant 48 : index
    %get3A_85 = tpu.vector_load %arg10[%get3A_84] {strides = array<i32>} : memref<5120xi32, #tpu.memory_space<vmem>>, vector<16xi32>,
    %get3A_86 = vector.shape_cast %get3A_85 : vector<16xi32> to vector<16xi32>
    %get3A_87 = arith.constant 48 : index
    %get3A_88 = tpu.vector_load %arg8[%get3A_87] {strides = array<i32>} : memref<5120xi32, #tpu.memory_space<vmem>>, vector<16xi32>,
    %get3A_89 = vector.shape_cast %get3A_88 : vector<16xi32> to vector<16xi32>
    %get3A_90 = arith.constant 48 : index
    %get3A_91 = tpu.vector_load %arg9[%get3A_90] {strides = array<i32>} : memref<5120xi32, #tpu.memory_space<vmem>>, vector<16xi32>,
    %get3A_92 = vector.shape_cast %get3A_91 : vector<16xi32> to vector<16xi32>
    %mul3A_93 = arith.constant 10000 : i32
    %mul3A_94 = vector.broadcast %mul3A_93 : i32 to vector<16xi32>
    %mul3A_95 = arith.muli %get3A_86, %mul3A_94 : vector<16xi32>
    %add3A_96 = arith.addi %mul3A_95, %get3A_92 : vector<16xi32>
    %swap3A_97 = arith.constant 48 : index
    %swap3A_98 = tpu.vector_load %arg11[%swap3A_97] {strides = array<i32>} : memref<128xi32, #tpu.memory_space<vmem>>, vector<16xi32>,
    %swap3A_99 = vector.shape_cast %swap3A_98 : vector<16xi32> to vector<16xi32>
    %swap3A_100 = vector.shape_cast %add3A_96 : vector<16xi32> to vector<16xi32>
    tpu.vector_store %arg11[%swap3A_97], %swap3A_100 {strides = array<i32>} : memref<128xi32, #tpu.memory_space<vmem>>, vector<16xi32>,
    %swap3A_101 = arith.constant 48 : index
    %swap3A_102 = tpu.vector_load %arg13[%swap3A_101] {strides = array<i32>} : memref<128xi32, #tpu.memory_space<vmem>>, vector<16xi32>,
    %swap3A_103 = vector.shape_cast %swap3A_102 : vector<16xi32> to vector<16xi32>
    %swap3A_104 = vector.shape_cast %get3A_89 : vector<16xi32> to vector<16xi32>
    tpu.vector_store %arg13[%swap3A_101], %swap3A_104 {strides = array<i32>} : memref<128xi32, #tpu.memory_space<vmem>>, vector<16xi32>,
    %get3A_105 = arith.constant 64 : index
    %get3A_106 = tpu.vector_load %arg10[%get3A_105] {strides = array<i32>} : memref<5120xi32, #tpu.memory_space<vmem>>, vector<16xi32>,
    %get3A_107 = vector.shape_cast %get3A_106 : vector<16xi32> to vector<16xi32>
    %get3A_108 = arith.constant 64 : index
    %get3A_109 = tpu.vector_load %arg8[%get3A_108] {strides = array<i32>} : memref<5120xi32, #tpu.memory_space<vmem>>, vector<16xi32>,
    %get3A_110 = vector.shape_cast %get3A_109 : vector<16xi32> to vector<16xi32>
    %get3A_111 = arith.constant 64 : index
    %get3A_112 = tpu.vector_load %arg9[%get3A_111] {strides = array<i32>} : memref<5120xi32, #tpu.memory_space<vmem>>, vector<16xi32>,
    %get3A_113 = vector.shape_cast %get3A_112 : vector<16xi32> to vector<16xi32>
    %mul3A_114 = arith.constant 10000 : i32
    %mul3A_115 = vector.broadcast %mul3A_114 : i32 to vector<16xi32>
    %mul3A_116 = arith.muli %get3A_107, %mul3A_115 : vector<16xi32>
    %add3A_117 = arith.addi %mul3A_116, %get3A_113 : vector<16xi32>
    %swap3A_118 = arith.constant 64 : index
    %swap3A_119 = tpu.vector_load %arg11[%swap3A_118] {strides = array<i32>} : memref<128xi32, #tpu.memory_space<vmem>>, vector<16xi32>,
    %swap3A_120 = vector.shape_cast %swap3A_119 : vector<16xi32> to vector<16xi32>
    %swap3A_121 = vector.shape_cast %add3A_117 : vector<16xi32> to vector<16xi32>
    tpu.vector_store %arg11[%swap3A_118], %swap3A_121 {strides = array<i32>} : memref<128xi32, #tpu.memory_space<vmem>>, vector<16xi32>,
    %swap3A_122 = arith.constant 64 : index
    %swap3A_123 = tpu.vector_load %arg13[%swap3A_122] {strides = array<i32>} : memref<128xi32, #tpu.memory_space<vmem>>, vector<16xi32>,
    %swap3A_124 = vector.shape_cast %swap3A_123 : vector<16xi32> to vector<16xi32>
    %swap3A_125 = vector.shape_cast %get3A_110 : vector<16xi32> to vector<16xi32>
    tpu.vector_store %arg13[%swap3A_122], %swap3A_125 {strides = array<i32>} : memref<128xi32, #tpu.memory_space<vmem>>, vector<16xi32>,
    %get3A_126 = arith.constant 80 : index
    %get3A_127 = tpu.vector_load %arg10[%get3A_126] {strides = array<i32>} : memref<5120xi32, #tpu.memory_space<vmem>>, vector<16xi32>,
    %get3A_128 = vector.shape_cast %get3A_127 : vector<16xi32> to vector<16xi32>
    %get3A_129 = arith.constant 80 : index
    %get3A_130 = tpu.vector_load %arg8[%get3A_129] {strides = array<i32>} : memref<5120xi32, #tpu.memory_space<vmem>>, vector<16xi32>,
    %get3A_131 = vector.shape_cast %get3A_130 : vector<16xi32> to vector<16xi32>
    %get3A_132 = arith.constant 80 : index
    %get3A_133 = tpu.vector_load %arg9[%get3A_132] {strides = array<i32>} : memref<5120xi32, #tpu.memory_space<vmem>>, vector<16xi32>,
    %get3A_134 = vector.shape_cast %get3A_133 : vector<16xi32> to vector<16xi32>
    %mul3A_135 = arith.constant 10000 : i32
    %mul3A_136 = vector.broadcast %mul3A_135 : i32 to vector<16xi32>
    %mul3A_137 = arith.muli %get3A_128, %mul3A_136 : vector<16xi32>
    %add3A_138 = arith.addi %mul3A_137, %get3A_134 : vector<16xi32>
    %swap3A_139 = arith.constant 80 : index
    %swap3A_140 = tpu.vector_load %arg11[%swap3A_139] {strides = array<i32>} : memref<128xi32, #tpu.memory_space<vmem>>, vector<16xi32>,
    %swap3A_141 = vector.shape_cast %swap3A_140 : vector<16xi32> to vector<16xi32>
    %swap3A_142 = vector.shape_cast %add3A_138 : vector<16xi32> to vector<16xi32>
    tpu.vector_store %arg11[%swap3A_139], %swap3A_142 {strides = array<i32>} : memref<128xi32, #tpu.memory_space<vmem>>, vector<16xi32>,
    %swap3A_143 = arith.constant 80 : index
    %swap3A_144 = tpu.vector_load %arg13[%swap3A_143] {strides = array<i32>} : memref<128xi32, #tpu.memory_space<vmem>>, vector<16xi32>,
    %swap3A_145 = vector.shape_cast %swap3A_144 : vector<16xi32> to vector<16xi32>
    %swap3A_146 = vector.shape_cast %get3A_131 : vector<16xi32> to vector<16xi32>
    tpu.vector_store %arg13[%swap3A_143], %swap3A_146 {strides = array<i32>} : memref<128xi32, #tpu.memory_space<vmem>>, vector<16xi32>,
    %get3A_147 = arith.constant 96 : index
    %get3A_148 = tpu.vector_load %arg10[%get3A_147] {strides = array<i32>} : memref<5120xi32, #tpu.memory_space<vmem>>, vector<16xi32>,
    %get3A_149 = vector.shape_cast %get3A_148 : vector<16xi32> to vector<16xi32>
    %get3A_150 = arith.constant 96 : index
    %get3A_151 = tpu.vector_load %arg8[%get3A_150] {strides = array<i32>} : memref<5120xi32, #tpu.memory_space<vmem>>, vector<16xi32>,
    %get3A_152 = vector.shape_cast %get3A_151 : vector<16xi32> to vector<16xi32>
    %get3A_153 = arith.constant 96 : index
    %get3A_154 = tpu.vector_load %arg9[%get3A_153] {strides = array<i32>} : memref<5120xi32, #tpu.memory_space<vmem>>, vector<16xi32>,
    %get3A_155 = vector.shape_cast %get3A_154 : vector<16xi32> to vector<16xi32>
    %mul3A_156 = arith.constant 10000 : i32
    %mul3A_157 = vector.broadcast %mul3A_156 : i32 to vector<16xi32>
    %mul3A_158 = arith.muli %get3A_149, %mul3A_157 : vector<16xi32>
    %add3A_159 = arith.addi %mul3A_158, %get3A_155 : vector<16xi32>
    %swap3A_160 = arith.constant 96 : index
    %swap3A_161 = tpu.vector_load %arg11[%swap3A_160] {strides = array<i32>} : memref<128xi32, #tpu.memory_space<vmem>>, vector<16xi32>,
    %swap3A_162 = vector.shape_cast %swap3A_161 : vector<16xi32> to vector<16xi32>
    %swap3A_163 = vector.shape_cast %add3A_159 : vector<16xi32> to vector<16xi32>
    tpu.vector_store %arg11[%swap3A_160], %swap3A_163 {strides = array<i32>} : memref<128xi32, #tpu.memory_space<vmem>>, vector<16xi32>,
    %swap3A_164 = arith.constant 96 : index
    %swap3A_165 = tpu.vector_load %arg13[%swap3A_164] {strides = array<i32>} : memref<128xi32, #tpu.memory_space<vmem>>, vector<16xi32>,
    %swap3A_166 = vector.shape_cast %swap3A_165 : vector<16xi32> to vector<16xi32>
    %swap3A_167 = vector.shape_cast %get3A_152 : vector<16xi32> to vector<16xi32>
    tpu.vector_store %arg13[%swap3A_164], %swap3A_167 {strides = array<i32>} : memref<128xi32, #tpu.memory_space<vmem>>, vector<16xi32>,
    %get3A_168 = arith.constant 112 : index
    %get3A_169 = tpu.vector_load %arg10[%get3A_168] {strides = array<i32>} : memref<5120xi32, #tpu.memory_space<vmem>>, vector<16xi32>,
    %get3A_170 = vector.shape_cast %get3A_169 : vector<16xi32> to vector<16xi32>
    %get3A_171 = arith.constant 112 : index
    %get3A_172 = tpu.vector_load %arg8[%get3A_171] {strides = array<i32>} : memref<5120xi32, #tpu.memory_space<vmem>>, vector<16xi32>,
    %get3A_173 = vector.shape_cast %get3A_172 : vector<16xi32> to vector<16xi32>
    %get3A_174 = arith.constant 112 : index
    %get3A_175 = tpu.vector_load %arg9[%get3A_174] {strides = array<i32>} : memref<5120xi32, #tpu.memory_space<vmem>>, vector<16xi32>,
    %get3A_176 = vector.shape_cast %get3A_175 : vector<16xi32> to vector<16xi32>
    %mul3A_177 = arith.constant 10000 : i32
    %mul3A_178 = vector.broadcast %mul3A_177 : i32 to vector<16xi32>
    %mul3A_179 = arith.muli %get3A_170, %mul3A_178 : vector<16xi32>
    %add3A_180 = arith.addi %mul3A_179, %get3A_176 : vector<16xi32>
    %swap3A_181 = arith.constant 112 : index
    %swap3A_182 = tpu.vector_load %arg11[%swap3A_181] {strides = array<i32>} : memref<128xi32, #tpu.memory_space<vmem>>, vector<16xi32>,
    %swap3A_183 = vector.shape_cast %swap3A_182 : vector<16xi32> to vector<16xi32>
    %swap3A_184 = vector.shape_cast %add3A_180 : vector<16xi32> to vector<16xi32>
    tpu.vector_store %arg11[%swap3A_181], %swap3A_184 {strides = array<i32>} : memref<128xi32, #tpu.memory_space<vmem>>, vector<16xi32>,
    %swap3A_185 = arith.constant 112 : index
    %swap3A_186 = tpu.vector_load %arg13[%swap3A_185] {strides = array<i32>} : memref<128xi32, #tpu.memory_space<vmem>>, vector<16xi32>,
    %swap3A_187 = vector.shape_cast %swap3A_186 : vector<16xi32> to vector<16xi32>
    %swap3A_188 = vector.shape_cast %get3A_173 : vector<16xi32> to vector<16xi32>
    tpu.vector_store %arg13[%swap3A_185], %swap3A_188 {strides = array<i32>} : memref<128xi32, #tpu.memory_space<vmem>>, vector<16xi32>,
    %dma_start3A = arith.constant 0 : i32
    %dma_start3A_189 = arith.constant 0 : i32
    %dma_start3A_190 = tpu.memref_slice %arg2[%dma_start3A, %dma_start3A_189] : memref<80000x128xf32, #tpu.memory_space<hbm>> -> memref<80000x128xf32, #tpu.memory_space<hbm>>
    tpu.enqueue_indirect_dma source(%dma_start3A_190 : memref<80000x128xf32, #tpu.memory_space<hbm>>) target(%arg15 : memref<128x128xf32, #tpu.memory_space<vmem>>) offsets(%arg11 : memref<128xi32, #tpu.memory_space<vmem>>) semaphore(%arg18 : memref<!tpu.dma_semaphore, #tpu.memory_space<semaphore_mem>>)
    %scan3A = arith.constant 0 : i32
    %scan3A_191 = arith.constant 0 : i32
    %scan3A_192 = arith.constant 40 : i32
    %scan3A_193 = arith.addi %scan3A_191, %scan3A_192 : i32
    %scan3A_194 = arith.constant 1 : i32
    scf.for %scan3A_212 = %scan3A_191 to %scan3A_193 step %scan3A_194  : i32 {
      %mul3A_213 = arith.constant 2 : i32
      %mul3A_214 = arith.muli %mul3A_213, %scan3A_212 : i32
      %add3A_215 = arith.constant 0 : i32
      %add3A_216 = arith.addi %mul3A_214, %add3A_215 : i32
      %add3A_217 = arith.constant 1 : i32
      %add3A_218 = arith.addi %add3A_216, %add3A_217 : i32
      %lt3A_219 = arith.cmpi slt, %add3A_218, %mul3A_22 : i32
      %ge3A = arith.constant 2 : i32
      %ge3A_220 = arith.cmpi sge, %add3A_218, %ge3A : i32
      %and3A = arith.andi %lt3A_219, %ge3A_220 : i1
      %convert_element_type3A_221 = arith.extui %and3A : i1 to i32
      %cond3A_222 = arith.constant 0 : i32
      %cond3A_223 = arith.cmpi ne, %convert_element_type3A_221, %cond3A_222 : i32
      scf.if %cond3A_223 {
        %dma_wait3A_253 = arith.constant 0 : i32
        %dma_wait3A_254 = arith.constant 0 : i32
        %dma_wait3A_255 = tpu.memref_slice %arg17[%dma_wait3A_253, %dma_wait3A_254] : memref<10000x128xf32, #tpu.memory_space<vmem_shared>> -> memref<10000x128xf32, #tpu.memory_space<vmem_shared>>
        tpu.wait_indirect_dma semaphore(%arg19 : memref<!tpu.dma_semaphore, #tpu.memory_space<semaphore_mem>>) src(%arg16 : memref<128x128xf32, #tpu.memory_space<vmem>>) dst(%dma_wait3A_255 : memref<10000x128xf32, #tpu.memory_space<vmem_shared>>)
      } else {
      }
      %lt3A_224 = arith.cmpi slt, %add3A_218, %mul3A_22 : i32
      %convert_element_type3A_225 = arith.extui %lt3A_224 : i1 to i32
      %cond3A_226 = arith.constant 0 : i32
      %cond3A_227 = arith.cmpi ne, %convert_element_type3A_225, %cond3A_226 : i32
      scf.if %cond3A_227 {
        %add3A_253 = arith.constant 0 : i32
        %add3A_254 = arith.addi %scan3A_212, %add3A_253 : i32
        %mul3A_255 = arith.constant 128 : i32
        %mul3A_256 = arith.muli %add3A_254, %mul3A_255 : i32
        %add3A_257 = arith.constant 0 : i32
        %add3A_258 = arith.addi %mul3A_256, %add3A_257 : i32
        %get3A_259 = arith.index_cast %add3A_258 : i32 to index
        %get3A_260 = tpu.vector_load %arg10[%get3A_259] {strides = array<i32>} : memref<5120xi32, #tpu.memory_space<vmem>>, vector<16xi32>,
        %get3A_261 = vector.shape_cast %get3A_260 : vector<16xi32> to vector<16xi32>
        %get3A_262 = arith.index_cast %add3A_258 : i32 to index
        %get3A_263 = tpu.vector_load %arg8[%get3A_262] {strides = array<i32>} : memref<5120xi32, #tpu.memory_space<vmem>>, vector<16xi32>,
        %get3A_264 = vector.shape_cast %get3A_263 : vector<16xi32> to vector<16xi32>
        %get3A_265 = arith.index_cast %add3A_258 : i32 to index
        %get3A_266 = tpu.vector_load %arg9[%get3A_265] {strides = array<i32>} : memref<5120xi32, #tpu.memory_space<vmem>>, vector<16xi32>,
        %get3A_267 = vector.shape_cast %get3A_266 : vector<16xi32> to vector<16xi32>
        %add3A_268 = arith.constant 4 : i32
        %add3A_269 = vector.broadcast %add3A_268 : i32 to vector<16xi32>
        %add3A_270 = arith.addi %get3A_261, %add3A_269 : vector<16xi32>
        %mul3A_271 = arith.constant 10000 : i32
        %mul3A_272 = vector.broadcast %mul3A_271 : i32 to vector<16xi32>
        %mul3A_273 = arith.muli %add3A_270, %mul3A_272 : vector<16xi32>
        %add3A_274 = arith.addi %mul3A_273, %get3A_264 : vector<16xi32>
        %swap3A_275 = arith.constant 0 : index
        %swap3A_276 = tpu.vector_load %arg12[%swap3A_275] {strides = array<i32>} : memref<128xi32, #tpu.memory_space<vmem>>, vector<16xi32>,
        %swap3A_277 = vector.shape_cast %swap3A_276 : vector<16xi32> to vector<16xi32>
        %swap3A_278 = vector.shape_cast %add3A_274 : vector<16xi32> to vector<16xi32>
        tpu.vector_store %arg12[%swap3A_275], %swap3A_278 {strides = array<i32>} : memref<128xi32, #tpu.memory_space<vmem>>, vector<16xi32>,
        %swap3A_279 = arith.constant 0 : index
        %swap3A_280 = tpu.vector_load %arg14[%swap3A_279] {strides = array<i32>} : memref<128xi32, #tpu.memory_space<vmem>>, vector<16xi32>,
        %swap3A_281 = vector.shape_cast %swap3A_280 : vector<16xi32> to vector<16xi32>
        %swap3A_282 = vector.shape_cast %get3A_267 : vector<16xi32> to vector<16xi32>
        tpu.vector_store %arg14[%swap3A_279], %swap3A_282 {strides = array<i32>} : memref<128xi32, #tpu.memory_space<vmem>>, vector<16xi32>,
        %add3A_283 = arith.constant 16 : i32
        %add3A_284 = arith.addi %mul3A_256, %add3A_283 : i32
        %get3A_285 = arith.index_cast %add3A_284 : i32 to index
        %get3A_286 = tpu.vector_load %arg10[%get3A_285] {strides = array<i32>} : memref<5120xi32, #tpu.memory_space<vmem>>, vector<16xi32>,
        %get3A_287 = vector.shape_cast %get3A_286 : vector<16xi32> to vector<16xi32>
        %get3A_288 = arith.index_cast %add3A_284 : i32 to index
        %get3A_289 = tpu.vector_load %arg8[%get3A_288] {strides = array<i32>} : memref<5120xi32, #tpu.memory_space<vmem>>, vector<16xi32>,
        %get3A_290 = vector.shape_cast %get3A_289 : vector<16xi32> to vector<16xi32>
        %get3A_291 = arith.index_cast %add3A_284 : i32 to index
        %get3A_292 = tpu.vector_load %arg9[%get3A_291] {strides = array<i32>} : memref<5120xi32, #tpu.memory_space<vmem>>, vector<16xi32>,
        %get3A_293 = vector.shape_cast %get3A_292 : vector<16xi32> to vector<16xi32>
        %add3A_294 = arith.constant 4 : i32
        %add3A_295 = vector.broadcast %add3A_294 : i32 to vector<16xi32>
        %add3A_296 = arith.addi %get3A_287, %add3A_295 : vector<16xi32>
        %mul3A_297 = arith.constant 10000 : i32
        %mul3A_298 = vector.broadcast %mul3A_297 : i32 to vector<16xi32>
        %mul3A_299 = arith.muli %add3A_296, %mul3A_298 : vector<16xi32>
        %add3A_300 = arith.addi %mul3A_299, %get3A_290 : vector<16xi32>
        %swap3A_301 = arith.constant 16 : index
        %swap3A_302 = tpu.vector_load %arg12[%swap3A_301] {strides = array<i32>} : memref<128xi32, #tpu.memory_space<vmem>>, vector<16xi32>,
        %swap3A_303 = vector.shape_cast %swap3A_302 : vector<16xi32> to vector<16xi32>
        %swap3A_304 = vector.shape_cast %add3A_300 : vector<16xi32> to vector<16xi32>
        tpu.vector_store %arg12[%swap3A_301], %swap3A_304 {strides = array<i32>} : memref<128xi32, #tpu.memory_space<vmem>>, vector<16xi32>,
        %swap3A_305 = arith.constant 16 : index
        %swap3A_306 = tpu.vector_load %arg14[%swap3A_305] {strides = array<i32>} : memref<128xi32, #tpu.memory_space<vmem>>, vector<16xi32>,
        %swap3A_307 = vector.shape_cast %swap3A_306 : vector<16xi32> to vector<16xi32>
        %swap3A_308 = vector.shape_cast %get3A_293 : vector<16xi32> to vector<16xi32>
        tpu.vector_store %arg14[%swap3A_305], %swap3A_308 {strides = array<i32>} : memref<128xi32, #tpu.memory_space<vmem>>, vector<16xi32>,
        %add3A_309 = arith.constant 32 : i32
        %add3A_310 = arith.addi %mul3A_256, %add3A_309 : i32
        %get3A_311 = arith.index_cast %add3A_310 : i32 to index
        %get3A_312 = tpu.vector_load %arg10[%get3A_311] {strides = array<i32>} : memref<5120xi32, #tpu.memory_space<vmem>>, vector<16xi32>,
        %get3A_313 = vector.shape_cast %get3A_312 : vector<16xi32> to vector<16xi32>
        %get3A_314 = arith.index_cast %add3A_310 : i32 to index
        %get3A_315 = tpu.vector_load %arg8[%get3A_314] {strides = array<i32>} : memref<5120xi32, #tpu.memory_space<vmem>>, vector<16xi32>,
        %get3A_316 = vector.shape_cast %get3A_315 : vector<16xi32> to vector<16xi32>
        %get3A_317 = arith.index_cast %add3A_310 : i32 to index
        %get3A_318 = tpu.vector_load %arg9[%get3A_317] {strides = array<i32>} : memref<5120xi32, #tpu.memory_space<vmem>>, vector<16xi32>,
        %get3A_319 = vector.shape_cast %get3A_318 : vector<16xi32> to vector<16xi32>
        %add3A_320 = arith.constant 4 : i32
        %add3A_321 = vector.broadcast %add3A_320 : i32 to vector<16xi32>
        %add3A_322 = arith.addi %get3A_313, %add3A_321 : vector<16xi32>
        %mul3A_323 = arith.constant 10000 : i32
        %mul3A_324 = vector.broadcast %mul3A_323 : i32 to vector<16xi32>
        %mul3A_325 = arith.muli %add3A_322, %mul3A_324 : vector<16xi32>
        %add3A_326 = arith.addi %mul3A_325, %get3A_316 : vector<16xi32>
        %swap3A_327 = arith.constant 32 : index
        %swap3A_328 = tpu.vector_load %arg12[%swap3A_327] {strides = array<i32>} : memref<128xi32, #tpu.memory_space<vmem>>, vector<16xi32>,
        %swap3A_329 = vector.shape_cast %swap3A_328 : vector<16xi32> to vector<16xi32>
        %swap3A_330 = vector.shape_cast %add3A_326 : vector<16xi32> to vector<16xi32>
        tpu.vector_store %arg12[%swap3A_327], %swap3A_330 {strides = array<i32>} : memref<128xi32, #tpu.memory_space<vmem>>, vector<16xi32>,
        %swap3A_331 = arith.constant 32 : index
        %swap3A_332 = tpu.vector_load %arg14[%swap3A_331] {strides = array<i32>} : memref<128xi32, #tpu.memory_space<vmem>>, vector<16xi32>,
        %swap3A_333 = vector.shape_cast %swap3A_332 : vector<16xi32> to vector<16xi32>
        %swap3A_334 = vector.shape_cast %get3A_319 : vector<16xi32> to vector<16xi32>
        tpu.vector_store %arg14[%swap3A_331], %swap3A_334 {strides = array<i32>} : memref<128xi32, #tpu.memory_space<vmem>>, vector<16xi32>,
        %add3A_335 = arith.constant 48 : i32
        %add3A_336 = arith.addi %mul3A_256, %add3A_335 : i32
        %get3A_337 = arith.index_cast %add3A_336 : i32 to index
        %get3A_338 = tpu.vector_load %arg10[%get3A_337] {strides = array<i32>} : memref<5120xi32, #tpu.memory_space<vmem>>, vector<16xi32>,
        %get3A_339 = vector.shape_cast %get3A_338 : vector<16xi32> to vector<16xi32>
        %get3A_340 = arith.index_cast %add3A_336 : i32 to index
        %get3A_341 = tpu.vector_load %arg8[%get3A_340] {strides = array<i32>} : memref<5120xi32, #tpu.memory_space<vmem>>, vector<16xi32>,
        %get3A_342 = vector.shape_cast %get3A_341 : vector<16xi32> to vector<16xi32>
        %get3A_343 = arith.index_cast %add3A_336 : i32 to index
        %get3A_344 = tpu.vector_load %arg9[%get3A_343] {strides = array<i32>} : memref<5120xi32, #tpu.memory_space<vmem>>, vector<16xi32>,
        %get3A_345 = vector.shape_cast %get3A_344 : vector<16xi32> to vector<16xi32>
        %add3A_346 = arith.constant 4 : i32
        %add3A_347 = vector.broadcast %add3A_346 : i32 to vector<16xi32>
        %add3A_348 = arith.addi %get3A_339, %add3A_347 : vector<16xi32>
        %mul3A_349 = arith.constant 10000 : i32
        %mul3A_350 = vector.broadcast %mul3A_349 : i32 to vector<16xi32>
        %mul3A_351 = arith.muli %add3A_348, %mul3A_350 : vector<16xi32>
        %add3A_352 = arith.addi %mul3A_351, %get3A_342 : vector<16xi32>
        %swap3A_353 = arith.constant 48 : index
        %swap3A_354 = tpu.vector_load %arg12[%swap3A_353] {strides = array<i32>} : memref<128xi32, #tpu.memory_space<vmem>>, vector<16xi32>,
        %swap3A_355 = vector.shape_cast %swap3A_354 : vector<16xi32> to vector<16xi32>
        %swap3A_356 = vector.shape_cast %add3A_352 : vector<16xi32> to vector<16xi32>
        tpu.vector_store %arg12[%swap3A_353], %swap3A_356 {strides = array<i32>} : memref<128xi32, #tpu.memory_space<vmem>>, vector<16xi32>,
        %swap3A_357 = arith.constant 48 : index
        %swap3A_358 = tpu.vector_load %arg14[%swap3A_357] {strides = array<i32>} : memref<128xi32, #tpu.memory_space<vmem>>, vector<16xi32>,
        %swap3A_359 = vector.shape_cast %swap3A_358 : vector<16xi32> to vector<16xi32>
        %swap3A_360 = vector.shape_cast %get3A_345 : vector<16xi32> to vector<16xi32>
        tpu.vector_store %arg14[%swap3A_357], %swap3A_360 {strides = array<i32>} : memref<128xi32, #tpu.memory_space<vmem>>, vector<16xi32>,
        %add3A_361 = arith.constant 64 : i32
        %add3A_362 = arith.addi %mul3A_256, %add3A_361 : i32
        %get3A_363 = arith.index_cast %add3A_362 : i32 to index
        %get3A_364 = tpu.vector_load %arg10[%get3A_363] {strides = array<i32>} : memref<5120xi32, #tpu.memory_space<vmem>>, vector<16xi32>,
        %get3A_365 = vector.shape_cast %get3A_364 : vector<16xi32> to vector<16xi32>
        %get3A_366 = arith.index_cast %add3A_362 : i32 to index
        %get3A_367 = tpu.vector_load %arg8[%get3A_366] {strides = array<i32>} : memref<5120xi32, #tpu.memory_space<vmem>>, vector<16xi32>,
        %get3A_368 = vector.shape_cast %get3A_367 : vector<16xi32> to vector<16xi32>
        %get3A_369 = arith.index_cast %add3A_362 : i32 to index
        %get3A_370 = tpu.vector_load %arg9[%get3A_369] {strides = array<i32>} : memref<5120xi32, #tpu.memory_space<vmem>>, vector<16xi32>,
        %get3A_371 = vector.shape_cast %get3A_370 : vector<16xi32> to vector<16xi32>
        %add3A_372 = arith.constant 4 : i32
        %add3A_373 = vector.broadcast %add3A_372 : i32 to vector<16xi32>
        %add3A_374 = arith.addi %get3A_365, %add3A_373 : vector<16xi32>
        %mul3A_375 = arith.constant 10000 : i32
        %mul3A_376 = vector.broadcast %mul3A_375 : i32 to vector<16xi32>
        %mul3A_377 = arith.muli %add3A_374, %mul3A_376 : vector<16xi32>
        %add3A_378 = arith.addi %mul3A_377, %get3A_368 : vector<16xi32>
        %swap3A_379 = arith.constant 64 : index
        %swap3A_380 = tpu.vector_load %arg12[%swap3A_379] {strides = array<i32>} : memref<128xi32, #tpu.memory_space<vmem>>, vector<16xi32>,
        %swap3A_381 = vector.shape_cast %swap3A_380 : vector<16xi32> to vector<16xi32>
        %swap3A_382 = vector.shape_cast %add3A_378 : vector<16xi32> to vector<16xi32>
        tpu.vector_store %arg12[%swap3A_379], %swap3A_382 {strides = array<i32>} : memref<128xi32, #tpu.memory_space<vmem>>, vector<16xi32>,
        %swap3A_383 = arith.constant 64 : index
        %swap3A_384 = tpu.vector_load %arg14[%swap3A_383] {strides = array<i32>} : memref<128xi32, #tpu.memory_space<vmem>>, vector<16xi32>,
        %swap3A_385 = vector.shape_cast %swap3A_384 : vector<16xi32> to vector<16xi32>
        %swap3A_386 = vector.shape_cast %get3A_371 : vector<16xi32> to vector<16xi32>
        tpu.vector_store %arg14[%swap3A_383], %swap3A_386 {strides = array<i32>} : memref<128xi32, #tpu.memory_space<vmem>>, vector<16xi32>,
        %add3A_387 = arith.constant 80 : i32
        %add3A_388 = arith.addi %mul3A_256, %add3A_387 : i32
        %get3A_389 = arith.index_cast %add3A_388 : i32 to index
        %get3A_390 = tpu.vector_load %arg10[%get3A_389] {strides = array<i32>} : memref<5120xi32, #tpu.memory_space<vmem>>, vector<16xi32>,
        %get3A_391 = vector.shape_cast %get3A_390 : vector<16xi32> to vector<16xi32>
        %get3A_392 = arith.index_cast %add3A_388 : i32 to index
        %get3A_393 = tpu.vector_load %arg8[%get3A_392] {strides = array<i32>} : memref<5120xi32, #tpu.memory_space<vmem>>, vector<16xi32>,
        %get3A_394 = vector.shape_cast %get3A_393 : vector<16xi32> to vector<16xi32>
        %get3A_395 = arith.index_cast %add3A_388 : i32 to index
        %get3A_396 = tpu.vector_load %arg9[%get3A_395] {strides = array<i32>} : memref<5120xi32, #tpu.memory_space<vmem>>, vector<16xi32>,
        %get3A_397 = vector.shape_cast %get3A_396 : vector<16xi32> to vector<16xi32>
        %add3A_398 = arith.constant 4 : i32
        %add3A_399 = vector.broadcast %add3A_398 : i32 to vector<16xi32>
        %add3A_400 = arith.addi %get3A_391, %add3A_399 : vector<16xi32>
        %mul3A_401 = arith.constant 10000 : i32
        %mul3A_402 = vector.broadcast %mul3A_401 : i32 to vector<16xi32>
        %mul3A_403 = arith.muli %add3A_400, %mul3A_402 : vector<16xi32>
        %add3A_404 = arith.addi %mul3A_403, %get3A_394 : vector<16xi32>
        %swap3A_405 = arith.constant 80 : index
        %swap3A_406 = tpu.vector_load %arg12[%swap3A_405] {strides = array<i32>} : memref<128xi32, #tpu.memory_space<vmem>>, vector<16xi32>,
        %swap3A_407 = vector.shape_cast %swap3A_406 : vector<16xi32> to vector<16xi32>
        %swap3A_408 = vector.shape_cast %add3A_404 : vector<16xi32> to vector<16xi32>
        tpu.vector_store %arg12[%swap3A_405], %swap3A_408 {strides = array<i32>} : memref<128xi32, #tpu.memory_space<vmem>>, vector<16xi32>,
        %swap3A_409 = arith.constant 80 : index
        %swap3A_410 = tpu.vector_load %arg14[%swap3A_409] {strides = array<i32>} : memref<128xi32, #tpu.memory_space<vmem>>, vector<16xi32>,
        %swap3A_411 = vector.shape_cast %swap3A_410 : vector<16xi32> to vector<16xi32>
        %swap3A_412 = vector.shape_cast %get3A_397 : vector<16xi32> to vector<16xi32>
        tpu.vector_store %arg14[%swap3A_409], %swap3A_412 {strides = array<i32>} : memref<128xi32, #tpu.memory_space<vmem>>, vector<16xi32>,
        %add3A_413 = arith.constant 96 : i32
        %add3A_414 = arith.addi %mul3A_256, %add3A_413 : i32
        %get3A_415 = arith.index_cast %add3A_414 : i32 to index
        %get3A_416 = tpu.vector_load %arg10[%get3A_415] {strides = array<i32>} : memref<5120xi32, #tpu.memory_space<vmem>>, vector<16xi32>,
        %get3A_417 = vector.shape_cast %get3A_416 : vector<16xi32> to vector<16xi32>
        %get3A_418 = arith.index_cast %add3A_414 : i32 to index
        %get3A_419 = tpu.vector_load %arg8[%get3A_418] {strides = array<i32>} : memref<5120xi32, #tpu.memory_space<vmem>>, vector<16xi32>,
        %get3A_420 = vector.shape_cast %get3A_419 : vector<16xi32> to vector<16xi32>
        %get3A_421 = arith.index_cast %add3A_414 : i32 to index
        %get3A_422 = tpu.vector_load %arg9[%get3A_421] {strides = array<i32>} : memref<5120xi32, #tpu.memory_space<vmem>>, vector<16xi32>,
        %get3A_423 = vector.shape_cast %get3A_422 : vector<16xi32> to vector<16xi32>
        %add3A_424 = arith.constant 4 : i32
        %add3A_425 = vector.broadcast %add3A_424 : i32 to vector<16xi32>
        %add3A_426 = arith.addi %get3A_417, %add3A_425 : vector<16xi32>
        %mul3A_427 = arith.constant 10000 : i32
        %mul3A_428 = vector.broadcast %mul3A_427 : i32 to vector<16xi32>
        %mul3A_429 = arith.muli %add3A_426, %mul3A_428 : vector<16xi32>
        %add3A_430 = arith.addi %mul3A_429, %get3A_420 : vector<16xi32>
        %swap3A_431 = arith.constant 96 : index
        %swap3A_432 = tpu.vector_load %arg12[%swap3A_431] {strides = array<i32>} : memref<128xi32, #tpu.memory_space<vmem>>, vector<16xi32>,
        %swap3A_433 = vector.shape_cast %swap3A_432 : vector<16xi32> to vector<16xi32>
        %swap3A_434 = vector.shape_cast %add3A_430 : vector<16xi32> to vector<16xi32>
        tpu.vector_store %arg12[%swap3A_431], %swap3A_434 {strides = array<i32>} : memref<128xi32, #tpu.memory_space<vmem>>, vector<16xi32>,
        %swap3A_435 = arith.constant 96 : index
        %swap3A_436 = tpu.vector_load %arg14[%swap3A_435] {strides = array<i32>} : memref<128xi32, #tpu.memory_space<vmem>>, vector<16xi32>,
        %swap3A_437 = vector.shape_cast %swap3A_436 : vector<16xi32> to vector<16xi32>
        %swap3A_438 = vector.shape_cast %get3A_423 : vector<16xi32> to vector<16xi32>
        tpu.vector_store %arg14[%swap3A_435], %swap3A_438 {strides = array<i32>} : memref<128xi32, #tpu.memory_space<vmem>>, vector<16xi32>,
        %add3A_439 = arith.constant 112 : i32
        %add3A_440 = arith.addi %mul3A_256, %add3A_439 : i32
        %get3A_441 = arith.index_cast %add3A_440 : i32 to index
        %get3A_442 = tpu.vector_load %arg10[%get3A_441] {strides = array<i32>} : memref<5120xi32, #tpu.memory_space<vmem>>, vector<16xi32>,
        %get3A_443 = vector.shape_cast %get3A_442 : vector<16xi32> to vector<16xi32>
        %get3A_444 = arith.index_cast %add3A_440 : i32 to index
        %get3A_445 = tpu.vector_load %arg8[%get3A_444] {strides = array<i32>} : memref<5120xi32, #tpu.memory_space<vmem>>, vector<16xi32>,
        %get3A_446 = vector.shape_cast %get3A_445 : vector<16xi32> to vector<16xi32>
        %get3A_447 = arith.index_cast %add3A_440 : i32 to index
        %get3A_448 = tpu.vector_load %arg9[%get3A_447] {strides = array<i32>} : memref<5120xi32, #tpu.memory_space<vmem>>, vector<16xi32>,
        %get3A_449 = vector.shape_cast %get3A_448 : vector<16xi32> to vector<16xi32>
        %add3A_450 = arith.constant 4 : i32
        %add3A_451 = vector.broadcast %add3A_450 : i32 to vector<16xi32>
        %add3A_452 = arith.addi %get3A_443, %add3A_451 : vector<16xi32>
        %mul3A_453 = arith.constant 10000 : i32
        %mul3A_454 = vector.broadcast %mul3A_453 : i32 to vector<16xi32>
        %mul3A_455 = arith.muli %add3A_452, %mul3A_454 : vector<16xi32>
        %add3A_456 = arith.addi %mul3A_455, %get3A_446 : vector<16xi32>
        %swap3A_457 = arith.constant 112 : index
        %swap3A_458 = tpu.vector_load %arg12[%swap3A_457] {strides = array<i32>} : memref<128xi32, #tpu.memory_space<vmem>>, vector<16xi32>,
        %swap3A_459 = vector.shape_cast %swap3A_458 : vector<16xi32> to vector<16xi32>
        %swap3A_460 = vector.shape_cast %add3A_456 : vector<16xi32> to vector<16xi32>
        tpu.vector_store %arg12[%swap3A_457], %swap3A_460 {strides = array<i32>} : memref<128xi32, #tpu.memory_space<vmem>>, vector<16xi32>,
        %swap3A_461 = arith.constant 112 : index
        %swap3A_462 = tpu.vector_load %arg14[%swap3A_461] {strides = array<i32>} : memref<128xi32, #tpu.memory_space<vmem>>, vector<16xi32>,
        %swap3A_463 = vector.shape_cast %swap3A_462 : vector<16xi32> to vector<16xi32>
        %swap3A_464 = vector.shape_cast %get3A_449 : vector<16xi32> to vector<16xi32>
        tpu.vector_store %arg14[%swap3A_461], %swap3A_464 {strides = array<i32>} : memref<128xi32, #tpu.memory_space<vmem>>, vector<16xi32>,
        %dma_start3A_465 = arith.constant 0 : i32
        %dma_start3A_466 = arith.constant 0 : i32
        %dma_start3A_467 = tpu.memref_slice %arg2[%dma_start3A_465, %dma_start3A_466] : memref<80000x128xf32, #tpu.memory_space<hbm>> -> memref<80000x128xf32, #tpu.memory_space<hbm>>
        tpu.enqueue_indirect_dma source(%dma_start3A_467 : memref<80000x128xf32, #tpu.memory_space<hbm>>) target(%arg16 : memref<128x128xf32, #tpu.memory_space<vmem>>) offsets(%arg12 : memref<128xi32, #tpu.memory_space<vmem>>) semaphore(%arg18 : memref<!tpu.dma_semaphore, #tpu.memory_space<semaphore_mem>>)
      } else {
      }
      %lt3A_228 = arith.cmpi slt, %add3A_216, %mul3A_22 : i32
      %convert_element_type3A_229 = arith.extui %lt3A_228 : i1 to i32
      %cond3A_230 = arith.constant 0 : i32
      %cond3A_231 = arith.cmpi ne, %convert_element_type3A_229, %cond3A_230 : i32
      scf.if %cond3A_231 {
        %dma_wait3A_253 = arith.constant 0 : i32
        %dma_wait3A_254 = arith.constant 0 : i32
        %dma_wait3A_255 = tpu.memref_slice %arg2[%dma_wait3A_253, %dma_wait3A_254] : memref<80000x128xf32, #tpu.memory_space<hbm>> -> memref<80000x128xf32, #tpu.memory_space<hbm>>
        tpu.wait_indirect_dma semaphore(%arg18 : memref<!tpu.dma_semaphore, #tpu.memory_space<semaphore_mem>>) src(%dma_wait3A_255 : memref<80000x128xf32, #tpu.memory_space<hbm>>) dst(%arg15 : memref<128x128xf32, #tpu.memory_space<vmem>>)
        %dma_start3A_256 = arith.constant 0 : i32
        %dma_start3A_257 = arith.constant 0 : i32
        %dma_start3A_258 = tpu.memref_slice %arg17[%dma_start3A_256, %dma_start3A_257] : memref<10000x128xf32, #tpu.memory_space<vmem_shared>> -> memref<10000x128xf32, #tpu.memory_space<vmem_shared>>
        tpu.enqueue_indirect_dma source(%arg15 : memref<128x128xf32, #tpu.memory_space<vmem>>) target(%dma_start3A_258 : memref<10000x128xf32, #tpu.memory_space<vmem_shared>>) offsets(%arg13 : memref<128xi32, #tpu.memory_space<vmem>>) semaphore(%arg19 : memref<!tpu.dma_semaphore, #tpu.memory_space<semaphore_mem>>) {add = true}
      } else {
      }
      %mul3A_232 = arith.constant 2 : i32
      %mul3A_233 = arith.muli %mul3A_232, %scan3A_212 : i32
      %add3A_234 = arith.constant 1 : i32
      %add3A_235 = arith.addi %mul3A_233, %add3A_234 : i32
      %add3A_236 = arith.constant 1 : i32
      %add3A_237 = arith.addi %add3A_235, %add3A_236 : i32
      %lt3A_238 = arith.cmpi slt, %add3A_237, %mul3A_22 : i32
      %ge3A_239 = arith.constant 2 : i32
      %ge3A_240 = arith.cmpi sge, %add3A_237, %ge3A_239 : i32
      %and3A_241 = arith.andi %lt3A_238, %ge3A_240 : i1
      %convert_element_type3A_242 = arith.extui %and3A_241 : i1 to i32
      %cond3A_243 = arith.constant 0 : i32
      %cond3A_244 = arith.cmpi ne, %convert_element_type3A_242, %cond3A_243 : i32
      scf.if %cond3A_244 {
        %dma_wait3A_253 = arith.constant 0 : i32
        %dma_wait3A_254 = arith.constant 0 : i32
        %dma_wait3A_255 = tpu.memref_slice %arg17[%dma_wait3A_253, %dma_wait3A_254] : memref<10000x128xf32, #tpu.memory_space<vmem_shared>> -> memref<10000x128xf32, #tpu.memory_space<vmem_shared>>
        tpu.wait_indirect_dma semaphore(%arg19 : memref<!tpu.dma_semaphore, #tpu.memory_space<semaphore_mem>>) src(%arg15 : memref<128x128xf32, #tpu.memory_space<vmem>>) dst(%dma_wait3A_255 : memref<10000x128xf32, #tpu.memory_space<vmem_shared>>)
      } else {
      }
      %lt3A_245 = arith.cmpi slt, %add3A_237, %mul3A_22 : i32
      %convert_element_type3A_246 = arith.extui %lt3A_245 : i1 to i32
      %cond3A_247 = arith.constant 0 : i32
      %cond3A_248 = arith.cmpi ne, %convert_element_type3A_246, %cond3A_247 : i32
      scf.if %cond3A_248 {
        %add3A_253 = arith.constant 1 : i32
        %add3A_254 = arith.addi %scan3A_212, %add3A_253 : i32
        %mul3A_255 = arith.constant 128 : i32
        %mul3A_256 = arith.muli %add3A_254, %mul3A_255 : i32
        %add3A_257 = arith.constant 0 : i32
        %add3A_258 = arith.addi %mul3A_256, %add3A_257 : i32
        %get3A_259 = arith.index_cast %add3A_258 : i32 to index
        %get3A_260 = tpu.vector_load %arg10[%get3A_259] {strides = array<i32>} : memref<5120xi32, #tpu.memory_space<vmem>>, vector<16xi32>,
        %get3A_261 = vector.shape_cast %get3A_260 : vector<16xi32> to vector<16xi32>
        %get3A_262 = arith.index_cast %add3A_258 : i32 to index
        %get3A_263 = tpu.vector_load %arg8[%get3A_262] {strides = array<i32>} : memref<5120xi32, #tpu.memory_space<vmem>>, vector<16xi32>,
        %get3A_264 = vector.shape_cast %get3A_263 : vector<16xi32> to vector<16xi32>
        %get3A_265 = arith.index_cast %add3A_258 : i32 to index
        %get3A_266 = tpu.vector_load %arg9[%get3A_265] {strides = array<i32>} : memref<5120xi32, #tpu.memory_space<vmem>>, vector<16xi32>,
        %get3A_267 = vector.shape_cast %get3A_266 : vector<16xi32> to vector<16xi32>
        %mul3A_268 = arith.constant 10000 : i32
        %mul3A_269 = vector.broadcast %mul3A_268 : i32 to vector<16xi32>
        %mul3A_270 = arith.muli %get3A_261, %mul3A_269 : vector<16xi32>
        %add3A_271 = arith.addi %mul3A_270, %get3A_267 : vector<16xi32>
        %swap3A_272 = arith.constant 0 : index
        %swap3A_273 = tpu.vector_load %arg11[%swap3A_272] {strides = array<i32>} : memref<128xi32, #tpu.memory_space<vmem>>, vector<16xi32>,
        %swap3A_274 = vector.shape_cast %swap3A_273 : vector<16xi32> to vector<16xi32>
        %swap3A_275 = vector.shape_cast %add3A_271 : vector<16xi32> to vector<16xi32>
        tpu.vector_store %arg11[%swap3A_272], %swap3A_275 {strides = array<i32>} : memref<128xi32, #tpu.memory_space<vmem>>, vector<16xi32>,
        %swap3A_276 = arith.constant 0 : index
        %swap3A_277 = tpu.vector_load %arg13[%swap3A_276] {strides = array<i32>} : memref<128xi32, #tpu.memory_space<vmem>>, vector<16xi32>,
        %swap3A_278 = vector.shape_cast %swap3A_277 : vector<16xi32> to vector<16xi32>
        %swap3A_279 = vector.shape_cast %get3A_264 : vector<16xi32> to vector<16xi32>
        tpu.vector_store %arg13[%swap3A_276], %swap3A_279 {strides = array<i32>} : memref<128xi32, #tpu.memory_space<vmem>>, vector<16xi32>,
        %add3A_280 = arith.constant 16 : i32
        %add3A_281 = arith.addi %mul3A_256, %add3A_280 : i32
        %get3A_282 = arith.index_cast %add3A_281 : i32 to index
        %get3A_283 = tpu.vector_load %arg10[%get3A_282] {strides = array<i32>} : memref<5120xi32, #tpu.memory_space<vmem>>, vector<16xi32>,
        %get3A_284 = vector.shape_cast %get3A_283 : vector<16xi32> to vector<16xi32>
        %get3A_285 = arith.index_cast %add3A_281 : i32 to index
        %get3A_286 = tpu.vector_load %arg8[%get3A_285] {strides = array<i32>} : memref<5120xi32, #tpu.memory_space<vmem>>, vector<16xi32>,
        %get3A_287 = vector.shape_cast %get3A_286 : vector<16xi32> to vector<16xi32>
        %get3A_288 = arith.index_cast %add3A_281 : i32 to index
        %get3A_289 = tpu.vector_load %arg9[%get3A_288] {strides = array<i32>} : memref<5120xi32, #tpu.memory_space<vmem>>, vector<16xi32>,
        %get3A_290 = vector.shape_cast %get3A_289 : vector<16xi32> to vector<16xi32>
        %mul3A_291 = arith.constant 10000 : i32
        %mul3A_292 = vector.broadcast %mul3A_291 : i32 to vector<16xi32>
        %mul3A_293 = arith.muli %get3A_284, %mul3A_292 : vector<16xi32>
        %add3A_294 = arith.addi %mul3A_293, %get3A_290 : vector<16xi32>
        %swap3A_295 = arith.constant 16 : index
        %swap3A_296 = tpu.vector_load %arg11[%swap3A_295] {strides = array<i32>} : memref<128xi32, #tpu.memory_space<vmem>>, vector<16xi32>,
        %swap3A_297 = vector.shape_cast %swap3A_296 : vector<16xi32> to vector<16xi32>
        %swap3A_298 = vector.shape_cast %add3A_294 : vector<16xi32> to vector<16xi32>
        tpu.vector_store %arg11[%swap3A_295], %swap3A_298 {strides = array<i32>} : memref<128xi32, #tpu.memory_space<vmem>>, vector<16xi32>,
        %swap3A_299 = arith.constant 16 : index
        %swap3A_300 = tpu.vector_load %arg13[%swap3A_299] {strides = array<i32>} : memref<128xi32, #tpu.memory_space<vmem>>, vector<16xi32>,
        %swap3A_301 = vector.shape_cast %swap3A_300 : vector<16xi32> to vector<16xi32>
        %swap3A_302 = vector.shape_cast %get3A_287 : vector<16xi32> to vector<16xi32>
        tpu.vector_store %arg13[%swap3A_299], %swap3A_302 {strides = array<i32>} : memref<128xi32, #tpu.memory_space<vmem>>, vector<16xi32>,
        %add3A_303 = arith.constant 32 : i32
        %add3A_304 = arith.addi %mul3A_256, %add3A_303 : i32
        %get3A_305 = arith.index_cast %add3A_304 : i32 to index
        %get3A_306 = tpu.vector_load %arg10[%get3A_305] {strides = array<i32>} : memref<5120xi32, #tpu.memory_space<vmem>>, vector<16xi32>,
        %get3A_307 = vector.shape_cast %get3A_306 : vector<16xi32> to vector<16xi32>
        %get3A_308 = arith.index_cast %add3A_304 : i32 to index
        %get3A_309 = tpu.vector_load %arg8[%get3A_308] {strides = array<i32>} : memref<5120xi32, #tpu.memory_space<vmem>>, vector<16xi32>,
        %get3A_310 = vector.shape_cast %get3A_309 : vector<16xi32> to vector<16xi32>
        %get3A_311 = arith.index_cast %add3A_304 : i32 to index
        %get3A_312 = tpu.vector_load %arg9[%get3A_311] {strides = array<i32>} : memref<5120xi32, #tpu.memory_space<vmem>>, vector<16xi32>,
        %get3A_313 = vector.shape_cast %get3A_312 : vector<16xi32> to vector<16xi32>
        %mul3A_314 = arith.constant 10000 : i32
        %mul3A_315 = vector.broadcast %mul3A_314 : i32 to vector<16xi32>
        %mul3A_316 = arith.muli %get3A_307, %mul3A_315 : vector<16xi32>
        %add3A_317 = arith.addi %mul3A_316, %get3A_313 : vector<16xi32>
        %swap3A_318 = arith.constant 32 : index
        %swap3A_319 = tpu.vector_load %arg11[%swap3A_318] {strides = array<i32>} : memref<128xi32, #tpu.memory_space<vmem>>, vector<16xi32>,
        %swap3A_320 = vector.shape_cast %swap3A_319 : vector<16xi32> to vector<16xi32>
        %swap3A_321 = vector.shape_cast %add3A_317 : vector<16xi32> to vector<16xi32>
        tpu.vector_store %arg11[%swap3A_318], %swap3A_321 {strides = array<i32>} : memref<128xi32, #tpu.memory_space<vmem>>, vector<16xi32>,
        %swap3A_322 = arith.constant 32 : index
        %swap3A_323 = tpu.vector_load %arg13[%swap3A_322] {strides = array<i32>} : memref<128xi32, #tpu.memory_space<vmem>>, vector<16xi32>,
        %swap3A_324 = vector.shape_cast %swap3A_323 : vector<16xi32> to vector<16xi32>
        %swap3A_325 = vector.shape_cast %get3A_310 : vector<16xi32> to vector<16xi32>
        tpu.vector_store %arg13[%swap3A_322], %swap3A_325 {strides = array<i32>} : memref<128xi32, #tpu.memory_space<vmem>>, vector<16xi32>,
        %add3A_326 = arith.constant 48 : i32
        %add3A_327 = arith.addi %mul3A_256, %add3A_326 : i32
        %get3A_328 = arith.index_cast %add3A_327 : i32 to index
        %get3A_329 = tpu.vector_load %arg10[%get3A_328] {strides = array<i32>} : memref<5120xi32, #tpu.memory_space<vmem>>, vector<16xi32>,
        %get3A_330 = vector.shape_cast %get3A_329 : vector<16xi32> to vector<16xi32>
        %get3A_331 = arith.index_cast %add3A_327 : i32 to index
        %get3A_332 = tpu.vector_load %arg8[%get3A_331] {strides = array<i32>} : memref<5120xi32, #tpu.memory_space<vmem>>, vector<16xi32>,
        %get3A_333 = vector.shape_cast %get3A_332 : vector<16xi32> to vector<16xi32>
        %get3A_334 = arith.index_cast %add3A_327 : i32 to index
        %get3A_335 = tpu.vector_load %arg9[%get3A_334] {strides = array<i32>} : memref<5120xi32, #tpu.memory_space<vmem>>, vector<16xi32>,
        %get3A_336 = vector.shape_cast %get3A_335 : vector<16xi32> to vector<16xi32>
        %mul3A_337 = arith.constant 10000 : i32
        %mul3A_338 = vector.broadcast %mul3A_337 : i32 to vector<16xi32>
        %mul3A_339 = arith.muli %get3A_330, %mul3A_338 : vector<16xi32>
        %add3A_340 = arith.addi %mul3A_339, %get3A_336 : vector<16xi32>
        %swap3A_341 = arith.constant 48 : index
        %swap3A_342 = tpu.vector_load %arg11[%swap3A_341] {strides = array<i32>} : memref<128xi32, #tpu.memory_space<vmem>>, vector<16xi32>,
        %swap3A_343 = vector.shape_cast %swap3A_342 : vector<16xi32> to vector<16xi32>
        %swap3A_344 = vector.shape_cast %add3A_340 : vector<16xi32> to vector<16xi32>
        tpu.vector_store %arg11[%swap3A_341], %swap3A_344 {strides = array<i32>} : memref<128xi32, #tpu.memory_space<vmem>>, vector<16xi32>,
        %swap3A_345 = arith.constant 48 : index
        %swap3A_346 = tpu.vector_load %arg13[%swap3A_345] {strides = array<i32>} : memref<128xi32, #tpu.memory_space<vmem>>, vector<16xi32>,
        %swap3A_347 = vector.shape_cast %swap3A_346 : vector<16xi32> to vector<16xi32>
        %swap3A_348 = vector.shape_cast %get3A_333 : vector<16xi32> to vector<16xi32>
        tpu.vector_store %arg13[%swap3A_345], %swap3A_348 {strides = array<i32>} : memref<128xi32, #tpu.memory_space<vmem>>, vector<16xi32>,
        %add3A_349 = arith.constant 64 : i32
        %add3A_350 = arith.addi %mul3A_256, %add3A_349 : i32
        %get3A_351 = arith.index_cast %add3A_350 : i32 to index
        %get3A_352 = tpu.vector_load %arg10[%get3A_351] {strides = array<i32>} : memref<5120xi32, #tpu.memory_space<vmem>>, vector<16xi32>,
        %get3A_353 = vector.shape_cast %get3A_352 : vector<16xi32> to vector<16xi32>
        %get3A_354 = arith.index_cast %add3A_350 : i32 to index
        %get3A_355 = tpu.vector_load %arg8[%get3A_354] {strides = array<i32>} : memref<5120xi32, #tpu.memory_space<vmem>>, vector<16xi32>,
        %get3A_356 = vector.shape_cast %get3A_355 : vector<16xi32> to vector<16xi32>
        %get3A_357 = arith.index_cast %add3A_350 : i32 to index
        %get3A_358 = tpu.vector_load %arg9[%get3A_357] {strides = array<i32>} : memref<5120xi32, #tpu.memory_space<vmem>>, vector<16xi32>,
        %get3A_359 = vector.shape_cast %get3A_358 : vector<16xi32> to vector<16xi32>
        %mul3A_360 = arith.constant 10000 : i32
        %mul3A_361 = vector.broadcast %mul3A_360 : i32 to vector<16xi32>
        %mul3A_362 = arith.muli %get3A_353, %mul3A_361 : vector<16xi32>
        %add3A_363 = arith.addi %mul3A_362, %get3A_359 : vector<16xi32>
        %swap3A_364 = arith.constant 64 : index
        %swap3A_365 = tpu.vector_load %arg11[%swap3A_364] {strides = array<i32>} : memref<128xi32, #tpu.memory_space<vmem>>, vector<16xi32>,
        %swap3A_366 = vector.shape_cast %swap3A_365 : vector<16xi32> to vector<16xi32>
        %swap3A_367 = vector.shape_cast %add3A_363 : vector<16xi32> to vector<16xi32>
        tpu.vector_store %arg11[%swap3A_364], %swap3A_367 {strides = array<i32>} : memref<128xi32, #tpu.memory_space<vmem>>, vector<16xi32>,
        %swap3A_368 = arith.constant 64 : index
        %swap3A_369 = tpu.vector_load %arg13[%swap3A_368] {strides = array<i32>} : memref<128xi32, #tpu.memory_space<vmem>>, vector<16xi32>,
        %swap3A_370 = vector.shape_cast %swap3A_369 : vector<16xi32> to vector<16xi32>
        %swap3A_371 = vector.shape_cast %get3A_356 : vector<16xi32> to vector<16xi32>
        tpu.vector_store %arg13[%swap3A_368], %swap3A_371 {strides = array<i32>} : memref<128xi32, #tpu.memory_space<vmem>>, vector<16xi32>,
        %add3A_372 = arith.constant 80 : i32
        %add3A_373 = arith.addi %mul3A_256, %add3A_372 : i32
        %get3A_374 = arith.index_cast %add3A_373 : i32 to index
        %get3A_375 = tpu.vector_load %arg10[%get3A_374] {strides = array<i32>} : memref<5120xi32, #tpu.memory_space<vmem>>, vector<16xi32>,
        %get3A_376 = vector.shape_cast %get3A_375 : vector<16xi32> to vector<16xi32>
        %get3A_377 = arith.index_cast %add3A_373 : i32 to index
        %get3A_378 = tpu.vector_load %arg8[%get3A_377] {strides = array<i32>} : memref<5120xi32, #tpu.memory_space<vmem>>, vector<16xi32>,
        %get3A_379 = vector.shape_cast %get3A_378 : vector<16xi32> to vector<16xi32>
        %get3A_380 = arith.index_cast %add3A_373 : i32 to index
        %get3A_381 = tpu.vector_load %arg9[%get3A_380] {strides = array<i32>} : memref<5120xi32, #tpu.memory_space<vmem>>, vector<16xi32>,
        %get3A_382 = vector.shape_cast %get3A_381 : vector<16xi32> to vector<16xi32>
        %mul3A_383 = arith.constant 10000 : i32
        %mul3A_384 = vector.broadcast %mul3A_383 : i32 to vector<16xi32>
        %mul3A_385 = arith.muli %get3A_376, %mul3A_384 : vector<16xi32>
        %add3A_386 = arith.addi %mul3A_385, %get3A_382 : vector<16xi32>
        %swap3A_387 = arith.constant 80 : index
        %swap3A_388 = tpu.vector_load %arg11[%swap3A_387] {strides = array<i32>} : memref<128xi32, #tpu.memory_space<vmem>>, vector<16xi32>,
        %swap3A_389 = vector.shape_cast %swap3A_388 : vector<16xi32> to vector<16xi32>
        %swap3A_390 = vector.shape_cast %add3A_386 : vector<16xi32> to vector<16xi32>
        tpu.vector_store %arg11[%swap3A_387], %swap3A_390 {strides = array<i32>} : memref<128xi32, #tpu.memory_space<vmem>>, vector<16xi32>,
        %swap3A_391 = arith.constant 80 : index
        %swap3A_392 = tpu.vector_load %arg13[%swap3A_391] {strides = array<i32>} : memref<128xi32, #tpu.memory_space<vmem>>, vector<16xi32>,
        %swap3A_393 = vector.shape_cast %swap3A_392 : vector<16xi32> to vector<16xi32>
        %swap3A_394 = vector.shape_cast %get3A_379 : vector<16xi32> to vector<16xi32>
        tpu.vector_store %arg13[%swap3A_391], %swap3A_394 {strides = array<i32>} : memref<128xi32, #tpu.memory_space<vmem>>, vector<16xi32>,
        %add3A_395 = arith.constant 96 : i32
        %add3A_396 = arith.addi %mul3A_256, %add3A_395 : i32
        %get3A_397 = arith.index_cast %add3A_396 : i32 to index
        %get3A_398 = tpu.vector_load %arg10[%get3A_397] {strides = array<i32>} : memref<5120xi32, #tpu.memory_space<vmem>>, vector<16xi32>,
        %get3A_399 = vector.shape_cast %get3A_398 : vector<16xi32> to vector<16xi32>
        %get3A_400 = arith.index_cast %add3A_396 : i32 to index
        %get3A_401 = tpu.vector_load %arg8[%get3A_400] {strides = array<i32>} : memref<5120xi32, #tpu.memory_space<vmem>>, vector<16xi32>,
        %get3A_402 = vector.shape_cast %get3A_401 : vector<16xi32> to vector<16xi32>
        %get3A_403 = arith.index_cast %add3A_396 : i32 to index
        %get3A_404 = tpu.vector_load %arg9[%get3A_403] {strides = array<i32>} : memref<5120xi32, #tpu.memory_space<vmem>>, vector<16xi32>,
        %get3A_405 = vector.shape_cast %get3A_404 : vector<16xi32> to vector<16xi32>
        %mul3A_406 = arith.constant 10000 : i32
        %mul3A_407 = vector.broadcast %mul3A_406 : i32 to vector<16xi32>
        %mul3A_408 = arith.muli %get3A_399, %mul3A_407 : vector<16xi32>
        %add3A_409 = arith.addi %mul3A_408, %get3A_405 : vector<16xi32>
        %swap3A_410 = arith.constant 96 : index
        %swap3A_411 = tpu.vector_load %arg11[%swap3A_410] {strides = array<i32>} : memref<128xi32, #tpu.memory_space<vmem>>, vector<16xi32>,
        %swap3A_412 = vector.shape_cast %swap3A_411 : vector<16xi32> to vector<16xi32>
        %swap3A_413 = vector.shape_cast %add3A_409 : vector<16xi32> to vector<16xi32>
        tpu.vector_store %arg11[%swap3A_410], %swap3A_413 {strides = array<i32>} : memref<128xi32, #tpu.memory_space<vmem>>, vector<16xi32>,
        %swap3A_414 = arith.constant 96 : index
        %swap3A_415 = tpu.vector_load %arg13[%swap3A_414] {strides = array<i32>} : memref<128xi32, #tpu.memory_space<vmem>>, vector<16xi32>,
        %swap3A_416 = vector.shape_cast %swap3A_415 : vector<16xi32> to vector<16xi32>
        %swap3A_417 = vector.shape_cast %get3A_402 : vector<16xi32> to vector<16xi32>
        tpu.vector_store %arg13[%swap3A_414], %swap3A_417 {strides = array<i32>} : memref<128xi32, #tpu.memory_space<vmem>>, vector<16xi32>,
        %add3A_418 = arith.constant 112 : i32
        %add3A_419 = arith.addi %mul3A_256, %add3A_418 : i32
        %get3A_420 = arith.index_cast %add3A_419 : i32 to index
        %get3A_421 = tpu.vector_load %arg10[%get3A_420] {strides = array<i32>} : memref<5120xi32, #tpu.memory_space<vmem>>, vector<16xi32>,
        %get3A_422 = vector.shape_cast %get3A_421 : vector<16xi32> to vector<16xi32>
        %get3A_423 = arith.index_cast %add3A_419 : i32 to index
        %get3A_424 = tpu.vector_load %arg8[%get3A_423] {strides = array<i32>} : memref<5120xi32, #tpu.memory_space<vmem>>, vector<16xi32>,
        %get3A_425 = vector.shape_cast %get3A_424 : vector<16xi32> to vector<16xi32>
        %get3A_426 = arith.index_cast %add3A_419 : i32 to index
        %get3A_427 = tpu.vector_load %arg9[%get3A_426] {strides = array<i32>} : memref<5120xi32, #tpu.memory_space<vmem>>, vector<16xi32>,
        %get3A_428 = vector.shape_cast %get3A_427 : vector<16xi32> to vector<16xi32>
        %mul3A_429 = arith.constant 10000 : i32
        %mul3A_430 = vector.broadcast %mul3A_429 : i32 to vector<16xi32>
        %mul3A_431 = arith.muli %get3A_422, %mul3A_430 : vector<16xi32>
        %add3A_432 = arith.addi %mul3A_431, %get3A_428 : vector<16xi32>
        %swap3A_433 = arith.constant 112 : index
        %swap3A_434 = tpu.vector_load %arg11[%swap3A_433] {strides = array<i32>} : memref<128xi32, #tpu.memory_space<vmem>>, vector<16xi32>,
        %swap3A_435 = vector.shape_cast %swap3A_434 : vector<16xi32> to vector<16xi32>
        %swap3A_436 = vector.shape_cast %add3A_432 : vector<16xi32> to vector<16xi32>
        tpu.vector_store %arg11[%swap3A_433], %swap3A_436 {strides = array<i32>} : memref<128xi32, #tpu.memory_space<vmem>>, vector<16xi32>,
        %swap3A_437 = arith.constant 112 : index
        %swap3A_438 = tpu.vector_load %arg13[%swap3A_437] {strides = array<i32>} : memref<128xi32, #tpu.memory_space<vmem>>, vector<16xi32>,
        %swap3A_439 = vector.shape_cast %swap3A_438 : vector<16xi32> to vector<16xi32>
        %swap3A_440 = vector.shape_cast %get3A_425 : vector<16xi32> to vector<16xi32>
        tpu.vector_store %arg13[%swap3A_437], %swap3A_440 {strides = array<i32>} : memref<128xi32, #tpu.memory_space<vmem>>, vector<16xi32>,
        %dma_start3A_441 = arith.constant 0 : i32
        %dma_start3A_442 = arith.constant 0 : i32
        %dma_start3A_443 = tpu.memref_slice %arg2[%dma_start3A_441, %dma_start3A_442] : memref<80000x128xf32, #tpu.memory_space<hbm>> -> memref<80000x128xf32, #tpu.memory_space<hbm>>
        tpu.enqueue_indirect_dma source(%dma_start3A_443 : memref<80000x128xf32, #tpu.memory_space<hbm>>) target(%arg15 : memref<128x128xf32, #tpu.memory_space<vmem>>) offsets(%arg11 : memref<128xi32, #tpu.memory_space<vmem>>) semaphore(%arg18 : memref<!tpu.dma_semaphore, #tpu.memory_space<semaphore_mem>>)
      } else {
      }
      %lt3A_249 = arith.cmpi slt, %add3A_235, %mul3A_22 : i32
      %convert_element_type3A_250 = arith.extui %lt3A_249 : i1 to i32
      %cond3A_251 = arith.constant 0 : i32
      %cond3A_252 = arith.cmpi ne, %convert_element_type3A_250, %cond3A_251 : i32
      scf.if %cond3A_252 {
        %dma_wait3A_253 = arith.constant 0 : i32
        %dma_wait3A_254 = arith.constant 0 : i32
        %dma_wait3A_255 = tpu.memref_slice %arg2[%dma_wait3A_253, %dma_wait3A_254] : memref<80000x128xf32, #tpu.memory_space<hbm>> -> memref<80000x128xf32, #tpu.memory_space<hbm>>
        tpu.wait_indirect_dma semaphore(%arg18 : memref<!tpu.dma_semaphore, #tpu.memory_space<semaphore_mem>>) src(%dma_wait3A_255 : memref<80000x128xf32, #tpu.memory_space<hbm>>) dst(%arg16 : memref<128x128xf32, #tpu.memory_space<vmem>>)
        %dma_start3A_256 = arith.constant 0 : i32
        %dma_start3A_257 = arith.constant 0 : i32
        %dma_start3A_258 = tpu.memref_slice %arg17[%dma_start3A_256, %dma_start3A_257] : memref<10000x128xf32, #tpu.memory_space<vmem_shared>> -> memref<10000x128xf32, #tpu.memory_space<vmem_shared>>
        tpu.enqueue_indirect_dma source(%arg16 : memref<128x128xf32, #tpu.memory_space<vmem>>) target(%dma_start3A_258 : memref<10000x128xf32, #tpu.memory_space<vmem_shared>>) offsets(%arg14 : memref<128xi32, #tpu.memory_space<vmem>>) semaphore(%arg19 : memref<!tpu.dma_semaphore, #tpu.memory_space<semaphore_mem>>) {add = true}
      } else {
      }
    }
    %scan3A_195 = arith.constant 40 : i32
    %dma_wait3A = arith.constant 0 : i32
    %dma_wait3A_196 = arith.constant 0 : i32
    %dma_wait3A_197 = tpu.memref_slice %arg17[%dma_wait3A, %dma_wait3A_196] : memref<10000x128xf32, #tpu.memory_space<vmem_shared>> -> memref<10000x128xf32, #tpu.memory_space<vmem_shared>>
    tpu.wait_indirect_dma semaphore(%arg19 : memref<!tpu.dma_semaphore, #tpu.memory_space<semaphore_mem>>) src(%arg15 : memref<128x128xf32, #tpu.memory_space<vmem>>) dst(%dma_wait3A_197 : memref<10000x128xf32, #tpu.memory_space<vmem_shared>>)
    %dma_wait3A_198 = arith.constant 0 : i32
    %dma_wait3A_199 = arith.constant 0 : i32
    %dma_wait3A_200 = tpu.memref_slice %arg17[%dma_wait3A_198, %dma_wait3A_199] : memref<10000x128xf32, #tpu.memory_space<vmem_shared>> -> memref<10000x128xf32, #tpu.memory_space<vmem_shared>>
    tpu.wait_indirect_dma semaphore(%arg19 : memref<!tpu.dma_semaphore, #tpu.memory_space<semaphore_mem>>) src(%arg16 : memref<128x128xf32, #tpu.memory_space<vmem>>) dst(%dma_wait3A_200 : memref<10000x128xf32, #tpu.memory_space<vmem_shared>>)
    %barrier3A_201 = arith.constant 0 : index
    tpu.barrier barrier_id(%barrier3A_201)
    %eq3A_202 = arith.constant 0 : i32
    %eq3A_203 = arith.cmpi eq, %arg0, %eq3A_202 : i32
    %convert_element_type3A_204 = arith.extui %eq3A_203 : i1 to i32
    %cond3A_205 = arith.constant 0 : i32
    %cond3A_206 = arith.cmpi ne, %convert_element_type3A_204, %cond3A_205 : i32
    scf.if %cond3A_206 {
      "tpu.region"() ({
        %run_scoped3A_217 = tpu.sem_alloc : memref<!tpu.dma_semaphore, #tpu.memory_space<semaphore_mem>>
        %dma_start3A_218 = arith.constant 0 : i32
        %dma_start3A_219 = tpu.memref_slice %arg6[%mul3A_2, %dma_start3A_218] : memref<10000x128xf32, #tpu.memory_space<hbm>> -> memref<624x128xf32, #tpu.memory_space<hbm>>
        %dma_start3A_220 = arith.constant 0 : i32
        %dma_start3A_221 = tpu.memref_slice %arg17[%mul3A_2, %dma_start3A_220] : memref<10000x128xf32, #tpu.memory_space<vmem_shared>> -> memref<624x128xf32, #tpu.memory_space<vmem_shared>>
        tpu.enqueue_dma source(%dma_start3A_221 : memref<624x128xf32, #tpu.memory_space<vmem_shared>>) target(%dma_start3A_219 : memref<624x128xf32, #tpu.memory_space<hbm>>) target_semaphore(%run_scoped3A_217 : memref<!tpu.dma_semaphore, #tpu.memory_space<semaphore_mem>>)
        %dma_wait3A_222 = arith.constant 0 : i32
        %dma_wait3A_223 = tpu.memref_slice %arg6[%mul3A_2, %dma_wait3A_222] : memref<10000x128xf32, #tpu.memory_space<hbm>> -> memref<624x128xf32, #tpu.memory_space<hbm>>
        %dma_wait3A_224 = arith.constant 0 : i32
        %dma_wait3A_225 = tpu.memref_slice %arg17[%mul3A_2, %dma_wait3A_224] : memref<10000x128xf32, #tpu.memory_space<vmem_shared>> -> memref<624x128xf32, #tpu.memory_space<vmem_shared>>
        tpu.wait_dma2 semaphore(%run_scoped3A_217 : memref<!tpu.dma_semaphore, #tpu.memory_space<semaphore_mem>>) src(%dma_wait3A_225 : memref<624x128xf32, #tpu.memory_space<vmem_shared>>) dst(%dma_wait3A_223 : memref<624x128xf32, #tpu.memory_space<hbm>>)
        tpu.yield
      }) : () -> ()
      %eq3A_212 = arith.constant 15 : i32
      %eq3A_213 = arith.cmpi eq, %arg1, %eq3A_212 : i32
      %convert_element_type3A_214 = arith.extui %eq3A_213 : i1 to i32
      %cond3A_215 = arith.constant 0 : i32
      %cond3A_216 = arith.cmpi ne, %convert_element_type3A_214, %cond3A_215 : i32
      scf.if %cond3A_216 {
        "tpu.region"() ({
          %run_scoped3A_217 = tpu.sem_alloc : memref<!tpu.dma_semaphore, #tpu.memory_space<semaphore_mem>>
          %dma_start3A_218 = arith.constant 9984 : i32
          %dma_start3A_219 = arith.constant 0 : i32
          %dma_start3A_220 = tpu.memref_slice %arg6[%dma_start3A_218, %dma_start3A_219] : memref<10000x128xf32, #tpu.memory_space<hbm>> -> memref<16x128xf32, #tpu.memory_space<hbm>>
          %dma_start3A_221 = arith.constant 9984 : i32
          %dma_start3A_222 = arith.constant 0 : i32
          %dma_start3A_223 = tpu.memref_slice %arg17[%dma_start3A_221, %dma_start3A_222] : memref<10000x128xf32, #tpu.memory_space<vmem_shared>> -> memref<16x128xf32, #tpu.memory_space<vmem_shared>>
          tpu.enqueue_dma source(%dma_start3A_223 : memref<16x128xf32, #tpu.memory_space<vmem_shared>>) target(%dma_start3A_220 : memref<16x128xf32, #tpu.memory_space<hbm>>) target_semaphore(%run_scoped3A_217 : memref<!tpu.dma_semaphore, #tpu.memory_space<semaphore_mem>>)
          %dma_wait3A_224 = arith.constant 9984 : i32
          %dma_wait3A_225 = arith.constant 0 : i32
          %dma_wait3A_226 = tpu.memref_slice %arg6[%dma_wait3A_224, %dma_wait3A_225] : memref<10000x128xf32, #tpu.memory_space<hbm>> -> memref<16x128xf32, #tpu.memory_space<hbm>>
          %dma_wait3A_227 = arith.constant 9984 : i32
          %dma_wait3A_228 = arith.constant 0 : i32
          %dma_wait3A_229 = tpu.memref_slice %arg17[%dma_wait3A_227, %dma_wait3A_228] : memref<10000x128xf32, #tpu.memory_space<vmem_shared>> -> memref<16x128xf32, #tpu.memory_space<vmem_shared>>
          tpu.wait_dma2 semaphore(%run_scoped3A_217 : memref<!tpu.dma_semaphore, #tpu.memory_space<semaphore_mem>>) src(%dma_wait3A_229 : memref<16x128xf32, #tpu.memory_space<vmem_shared>>) dst(%dma_wait3A_226 : memref<16x128xf32, #tpu.memory_space<hbm>>)
          tpu.yield
        }) : () -> ()
      } else {
      }
    } else {
    }
    %eq3A_207 = arith.constant 1 : i32
    %eq3A_208 = arith.cmpi eq, %arg0, %eq3A_207 : i32
    %convert_element_type3A_209 = arith.extui %eq3A_208 : i1 to i32
    %cond3A_210 = arith.constant 0 : i32
    %cond3A_211 = arith.cmpi ne, %convert_element_type3A_209, %cond3A_210 : i32
    scf.if %cond3A_211 {
      "tpu.region"() ({
        %run_scoped3A_217 = tpu.sem_alloc : memref<!tpu.dma_semaphore, #tpu.memory_space<semaphore_mem>>
        %dma_start3A_218 = arith.constant 0 : i32
        %dma_start3A_219 = tpu.memref_slice %arg7[%mul3A_2, %dma_start3A_218] : memref<10000x128xf32, #tpu.memory_space<hbm>> -> memref<624x128xf32, #tpu.memory_space<hbm>>
        %dma_start3A_220 = arith.constant 0 : i32
        %dma_start3A_221 = tpu.memref_slice %arg17[%mul3A_2, %dma_start3A_220] : memref<10000x128xf32, #tpu.memory_space<vmem_shared>> -> memref<624x128xf32, #tpu.memory_space<vmem_shared>>
        tpu.enqueue_dma source(%dma_start3A_221 : memref<624x128xf32, #tpu.memory_space<vmem_shared>>) target(%dma_start3A_219 : memref<624x128xf32, #tpu.memory_space<hbm>>) target_semaphore(%run_scoped3A_217 : memref<!tpu.dma_semaphore, #tpu.memory_space<semaphore_mem>>)
        %dma_wait3A_222 = arith.constant 0 : i32
        %dma_wait3A_223 = tpu.memref_slice %arg7[%mul3A_2, %dma_wait3A_222] : memref<10000x128xf32, #tpu.memory_space<hbm>> -> memref<624x128xf32, #tpu.memory_space<hbm>>
        %dma_wait3A_224 = arith.constant 0 : i32
        %dma_wait3A_225 = tpu.memref_slice %arg17[%mul3A_2, %dma_wait3A_224] : memref<10000x128xf32, #tpu.memory_space<vmem_shared>> -> memref<624x128xf32, #tpu.memory_space<vmem_shared>>
        tpu.wait_dma2 semaphore(%run_scoped3A_217 : memref<!tpu.dma_semaphore, #tpu.memory_space<semaphore_mem>>) src(%dma_wait3A_225 : memref<624x128xf32, #tpu.memory_space<vmem_shared>>) dst(%dma_wait3A_223 : memref<624x128xf32, #tpu.memory_space<hbm>>)
        tpu.yield
      }) : () -> ()
      %eq3A_212 = arith.constant 15 : i32
      %eq3A_213 = arith.cmpi eq, %arg1, %eq3A_212 : i32
      %convert_element_type3A_214 = arith.extui %eq3A_213 : i1 to i32
      %cond3A_215 = arith.constant 0 : i32
      %cond3A_216 = arith.cmpi ne, %convert_element_type3A_214, %cond3A_215 : i32
      scf.if %cond3A_216 {
        "tpu.region"() ({
          %run_scoped3A_217 = tpu.sem_alloc : memref<!tpu.dma_semaphore, #tpu.memory_space<semaphore_mem>>
          %dma_start3A_218 = arith.constant 9984 : i32
          %dma_start3A_219 = arith.constant 0 : i32
          %dma_start3A_220 = tpu.memref_slice %arg7[%dma_start3A_218, %dma_start3A_219] : memref<10000x128xf32, #tpu.memory_space<hbm>> -> memref<16x128xf32, #tpu.memory_space<hbm>>
          %dma_start3A_221 = arith.constant 9984 : i32
          %dma_start3A_222 = arith.constant 0 : i32
          %dma_start3A_223 = tpu.memref_slice %arg17[%dma_start3A_221, %dma_start3A_222] : memref<10000x128xf32, #tpu.memory_space<vmem_shared>> -> memref<16x128xf32, #tpu.memory_space<vmem_shared>>
          tpu.enqueue_dma source(%dma_start3A_223 : memref<16x128xf32, #tpu.memory_space<vmem_shared>>) target(%dma_start3A_220 : memref<16x128xf32, #tpu.memory_space<hbm>>) target_semaphore(%run_scoped3A_217 : memref<!tpu.dma_semaphore, #tpu.memory_space<semaphore_mem>>)
          %dma_wait3A_224 = arith.constant 9984 : i32
          %dma_wait3A_225 = arith.constant 0 : i32
          %dma_wait3A_226 = tpu.memref_slice %arg7[%dma_wait3A_224, %dma_wait3A_225] : memref<10000x128xf32, #tpu.memory_space<hbm>> -> memref<16x128xf32, #tpu.memory_space<hbm>>
          %dma_wait3A_227 = arith.constant 9984 : i32
          %dma_wait3A_228 = arith.constant 0 : i32
          %dma_wait3A_229 = tpu.memref_slice %arg17[%dma_wait3A_227, %dma_wait3A_228] : memref<10000x128xf32, #tpu.memory_space<vmem_shared>> -> memref<16x128xf32, #tpu.memory_space<vmem_shared>>
          tpu.wait_dma2 semaphore(%run_scoped3A_217 : memref<!tpu.dma_semaphore, #tpu.memory_space<semaphore_mem>>) src(%dma_wait3A_229 : memref<16x128xf32, #tpu.memory_space<vmem_shared>>) dst(%dma_wait3A_226 : memref<16x128xf32, #tpu.memory_space<hbm>>)
          tpu.yield
        }) : () -> ()
      } else {
      }
    } else {
    }
    return
  }
}

#map = affine_map<(d0, d1) -> (0, 0)>
#map1 = affine_map<(d0, d1) -> (0)>
module attributes {stable_mosaic.version = 14 : i64} {
  func.func @_sc_body(%arg0: i32, %arg1: i32, %arg2: memref<80000x128xf32, #tpu.memory_space<hbm>>, %arg3: memref<2x160000xi32, #tpu.memory_space<hbm>>, %arg4: memref<160000xi32, #tpu.memory_space<hbm>>, %arg5: memref<624x128xf32, #tpu.memory_space<hbm>>, %arg6: memref<10000x128xf32, #tpu.memory_space<hbm>>, %arg7: memref<10000x128xf32, #tpu.memory_space<hbm>>, %arg8: memref<5120xi32, #tpu.memory_space<vmem>>, %arg9: memref<5120xi32, #tpu.memory_space<vmem>>, %arg10: memref<5120xi32, #tpu.memory_space<vmem>>, %arg11: memref<128xi32, #tpu.memory_space<vmem>>, %arg12: memref<128xi32, #tpu.memory_space<vmem>>, %arg13: memref<128xi32, #tpu.memory_space<vmem>>, %arg14: memref<128xi32, #tpu.memory_space<vmem>>, %arg15: memref<128x128xf32, #tpu.memory_space<vmem>>, %arg16: memref<128x128xf32, #tpu.memory_space<vmem>>, %arg17: memref<10000x128xf32, #tpu.memory_space<vmem_shared>>, %arg18: memref<!tpu.dma_semaphore, #tpu.memory_space<semaphore_mem>>, %arg19: memref<!tpu.dma_semaphore, #tpu.memory_space<semaphore_mem>>) attributes {dimension_semantics = [#tpu.dimension_semantics<core_parallel>, #tpu.dimension_semantics<subcore_parallel>], iteration_bounds = array<i64: 2, 16>, scalar_prefetch = 0 : i64, scratch_operands = 12 : i64, tpu.core_type = #tpu.core_type<sc_vector_subcore>, window_params = [{transform_indices = #map}, {transform_indices = #map}, {transform_indices = #map1}, {transform_indices = #map}, {transform_indices = #map}, {transform_indices = #map}]} {
    %mul3A = arith.constant 2 : i32
    %mul3A_0 = arith.muli %arg1, %mul3A : i32
    %add3A = arith.addi %mul3A_0, %arg0 : i32
    %mul3A_1 = arith.constant 624 : i32
    %mul3A_2 = arith.muli %arg1, %mul3A_1 : i32
    "tpu.region"() ({
      %run_scoped3A_212 = tpu.sem_alloc : memref<!tpu.dma_semaphore, #tpu.memory_space<semaphore_mem>>
      %dma_start3A_213 = arith.constant 0 : i32
      %dma_start3A_214 = tpu.memref_slice %arg17[%mul3A_2, %dma_start3A_213] : memref<10000x128xf32, #tpu.memory_space<vmem_shared>> -> memref<624x128xf32, #tpu.memory_space<vmem_shared>>
      %dma_start3A_215 = arith.constant 0 : i32
      %dma_start3A_216 = arith.constant 0 : i32
      %dma_start3A_217 = tpu.memref_slice %arg5[%dma_start3A_215, %dma_start3A_216] : memref<624x128xf32, #tpu.memory_space<hbm>> -> memref<624x128xf32, #tpu.memory_space<hbm>>
      tpu.enqueue_dma source(%dma_start3A_217 : memref<624x128xf32, #tpu.memory_space<hbm>>) target(%dma_start3A_214 : memref<624x128xf32, #tpu.memory_space<vmem_shared>>) target_semaphore(%run_scoped3A_212 : memref<!tpu.dma_semaphore, #tpu.memory_space<semaphore_mem>>)
      %dma_wait3A_218 = arith.constant 0 : i32
      %dma_wait3A_219 = tpu.memref_slice %arg17[%mul3A_2, %dma_wait3A_218] : memref<10000x128xf32, #tpu.memory_space<vmem_shared>> -> memref<624x128xf32, #tpu.memory_space<vmem_shared>>
      %dma_wait3A_220 = arith.constant 0 : i32
      %dma_wait3A_221 = arith.constant 0 : i32
      %dma_wait3A_222 = tpu.memref_slice %arg5[%dma_wait3A_220, %dma_wait3A_221] : memref<624x128xf32, #tpu.memory_space<hbm>> -> memref<624x128xf32, #tpu.memory_space<hbm>>
      tpu.wait_dma2 semaphore(%run_scoped3A_212 : memref<!tpu.dma_semaphore, #tpu.memory_space<semaphore_mem>>) src(%dma_wait3A_222 : memref<624x128xf32, #tpu.memory_space<hbm>>) dst(%dma_wait3A_219 : memref<624x128xf32, #tpu.memory_space<vmem_shared>>)
      tpu.yield
    }) : () -> ()
    %eq3A = arith.constant 15 : i32
    %eq3A_3 = arith.cmpi eq, %arg1, %eq3A : i32
    %convert_element_type3A = arith.extui %eq3A_3 : i1 to i32
    %cond3A = arith.constant 0 : i32
    %cond3A_4 = arith.cmpi ne, %convert_element_type3A, %cond3A : i32
    scf.if %cond3A_4 {
      "tpu.region"() ({
        %run_scoped3A_212 = tpu.sem_alloc : memref<!tpu.dma_semaphore, #tpu.memory_space<semaphore_mem>>
        %dma_start3A_213 = arith.constant 9984 : i32
        %dma_start3A_214 = arith.constant 0 : i32
        %dma_start3A_215 = tpu.memref_slice %arg17[%dma_start3A_213, %dma_start3A_214] : memref<10000x128xf32, #tpu.memory_space<vmem_shared>> -> memref<16x128xf32, #tpu.memory_space<vmem_shared>>
        %dma_start3A_216 = arith.constant 0 : i32
        %dma_start3A_217 = arith.constant 0 : i32
        %dma_start3A_218 = tpu.memref_slice %arg5[%dma_start3A_216, %dma_start3A_217] : memref<624x128xf32, #tpu.memory_space<hbm>> -> memref<16x128xf32, #tpu.memory_space<hbm>>
        tpu.enqueue_dma source(%dma_start3A_218 : memref<16x128xf32, #tpu.memory_space<hbm>>) target(%dma_start3A_215 : memref<16x128xf32, #tpu.memory_space<vmem_shared>>) target_semaphore(%run_scoped3A_212 : memref<!tpu.dma_semaphore, #tpu.memory_space<semaphore_mem>>)
        %dma_wait3A_219 = arith.constant 9984 : i32
        %dma_wait3A_220 = arith.constant 0 : i32
        %dma_wait3A_221 = tpu.memref_slice %arg17[%dma_wait3A_219, %dma_wait3A_220] : memref<10000x128xf32, #tpu.memory_space<vmem_shared>> -> memref<16x128xf32, #tpu.memory_space<vmem_shared>>
        %dma_wait3A_222 = arith.constant 0 : i32
        %dma_wait3A_223 = arith.constant 0 : i32
        %dma_wait3A_224 = tpu.memref_slice %arg5[%dma_wait3A_222, %dma_wait3A_223] : memref<624x128xf32, #tpu.memory_space<hbm>> -> memref<16x128xf32, #tpu.memory_space<hbm>>
        tpu.wait_dma2 semaphore(%run_scoped3A_212 : memref<!tpu.dma_semaphore, #tpu.memory_space<semaphore_mem>>) src(%dma_wait3A_224 : memref<16x128xf32, #tpu.memory_space<hbm>>) dst(%dma_wait3A_221 : memref<16x128xf32, #tpu.memory_space<vmem_shared>>)
        tpu.yield
      }) : () -> ()
    } else {
    }
    %lt3A = arith.constant 2 : i32
    %lt3A_5 = arith.cmpi slt, %add3A, %lt3A : i32
    %jit3A = arith.constant 40 : i32
    %jit3A_6 = arith.constant 39 : i32
    %select_n3A = arith.select %lt3A_5, %jit3A, %jit3A_6 : i32
    %mul3A_7 = arith.constant 40 : i32
    %mul3A_8 = arith.muli %add3A, %mul3A_7 : i32
    %sub3A = arith.constant 2 : i32
    %sub3A_9 = arith.subi %add3A, %sub3A : i32
    %mul3A_10 = arith.constant 39 : i32
    %mul3A_11 = arith.muli %sub3A_9, %mul3A_10 : i32
    %add3A_12 = arith.constant 80 : i32
    %add3A_13 = arith.addi %add3A_12, %mul3A_11 : i32
    %select_n3A_14 = arith.select %lt3A_5, %mul3A_8, %add3A_13 : i32
    %mul3A_15 = arith.constant 128 : i32
    %mul3A_16 = arith.muli %select_n3A_14, %mul3A_15 : i32
    %multiple_of3A = tpu.assume_multiple %mul3A_16, 128 : i32
    %run_scoped3A = arith.constant 0 : i32
    "tpu.region"() ({
      %run_scoped3A_212 = tpu.sem_alloc : memref<!tpu.dma_semaphore, #tpu.memory_space<semaphore_mem>>
      %dma_start3A_213 = arith.constant 0 : i32
      %dma_start3A_214 = tpu.memref_slice %arg8[%dma_start3A_213] : memref<5120xi32, #tpu.memory_space<vmem>> -> memref<4992xi32, #tpu.memory_space<vmem>>
      %dma_start3A_215 = tpu.memref_slice %arg3[%run_scoped3A, %multiple_of3A] : memref<2x160000xi32, #tpu.memory_space<hbm>> -> memref<1x4992xi32, #tpu.memory_space<hbm>>
      %dma_start3A_216 = tpu.memref_squeeze %dma_start3A_215 : memref<1x4992xi32, #tpu.memory_space<hbm>> -> memref<4992xi32, #tpu.memory_space<hbm>>
      %dma_start3A_217 = arith.constant 0 : i32
      %dma_start3A_218 = tpu.memref_slice %arg8[%dma_start3A_217] : memref<5120xi32, #tpu.memory_space<vmem>> -> memref<4992xi32, #tpu.memory_space<vmem>>
      %dma_start3A_219 = tpu.memref_slice %arg3[%run_scoped3A, %multiple_of3A] : memref<2x160000xi32, #tpu.memory_space<hbm>> -> memref<1x4992xi32, #tpu.memory_space<hbm>>
      %dma_start3A_220 = tpu.memref_squeeze %dma_start3A_219 : memref<1x4992xi32, #tpu.memory_space<hbm>> -> memref<4992xi32, #tpu.memory_space<hbm>>
      tpu.enqueue_dma source(%dma_start3A_220 : memref<4992xi32, #tpu.memory_space<hbm>>) target(%dma_start3A_218 : memref<4992xi32, #tpu.memory_space<vmem>>) target_semaphore(%run_scoped3A_212 : memref<!tpu.dma_semaphore, #tpu.memory_space<semaphore_mem>>)
      %dma_wait3A_221 = arith.constant 0 : i32
      %dma_wait3A_222 = tpu.memref_slice %arg8[%dma_wait3A_221] : memref<5120xi32, #tpu.memory_space<vmem>> -> memref<4992xi32, #tpu.memory_space<vmem>>
      %dma_wait3A_223 = tpu.memref_slice %arg3[%run_scoped3A, %multiple_of3A] : memref<2x160000xi32, #tpu.memory_space<hbm>> -> memref<1x4992xi32, #tpu.memory_space<hbm>>
      %dma_wait3A_224 = tpu.memref_squeeze %dma_wait3A_223 : memref<1x4992xi32, #tpu.memory_space<hbm>> -> memref<4992xi32, #tpu.memory_space<hbm>>
      %dma_wait3A_225 = arith.constant 0 : i32
      %dma_wait3A_226 = tpu.memref_slice %arg8[%dma_wait3A_225] : memref<5120xi32, #tpu.memory_space<vmem>> -> memref<4992xi32, #tpu.memory_space<vmem>>
      %dma_wait3A_227 = tpu.memref_slice %arg3[%run_scoped3A, %multiple_of3A] : memref<2x160000xi32, #tpu.memory_space<hbm>> -> memref<1x4992xi32, #tpu.memory_space<hbm>>
      %dma_wait3A_228 = tpu.memref_squeeze %dma_wait3A_227 : memref<1x4992xi32, #tpu.memory_space<hbm>> -> memref<4992xi32, #tpu.memory_space<hbm>>
      tpu.wait_dma2 semaphore(%run_scoped3A_212 : memref<!tpu.dma_semaphore, #tpu.memory_space<semaphore_mem>>) src(%dma_wait3A_228 : memref<4992xi32, #tpu.memory_space<hbm>>) dst(%dma_wait3A_226 : memref<4992xi32, #tpu.memory_space<vmem>>)
      tpu.yield
    }) : () -> ()
    %run_scoped3A_17 = arith.constant 1 : i32
    "tpu.region"() ({
      %run_scoped3A_212 = tpu.sem_alloc : memref<!tpu.dma_semaphore, #tpu.memory_space<semaphore_mem>>
      %dma_start3A_213 = arith.constant 0 : i32
      %dma_start3A_214 = tpu.memref_slice %arg9[%dma_start3A_213] : memref<5120xi32, #tpu.memory_space<vmem>> -> memref<4992xi32, #tpu.memory_space<vmem>>
      %dma_start3A_215 = tpu.memref_slice %arg3[%run_scoped3A_17, %multiple_of3A] : memref<2x160000xi32, #tpu.memory_space<hbm>> -> memref<1x4992xi32, #tpu.memory_space<hbm>>
      %dma_start3A_216 = tpu.memref_squeeze %dma_start3A_215 : memref<1x4992xi32, #tpu.memory_space<hbm>> -> memref<4992xi32, #tpu.memory_space<hbm>>
      %dma_start3A_217 = arith.constant 0 : i32
      %dma_start3A_218 = tpu.memref_slice %arg9[%dma_start3A_217] : memref<5120xi32, #tpu.memory_space<vmem>> -> memref<4992xi32, #tpu.memory_space<vmem>>
      %dma_start3A_219 = tpu.memref_slice %arg3[%run_scoped3A_17, %multiple_of3A] : memref<2x160000xi32, #tpu.memory_space<hbm>> -> memref<1x4992xi32, #tpu.memory_space<hbm>>
      %dma_start3A_220 = tpu.memref_squeeze %dma_start3A_219 : memref<1x4992xi32, #tpu.memory_space<hbm>> -> memref<4992xi32, #tpu.memory_space<hbm>>
      tpu.enqueue_dma source(%dma_start3A_220 : memref<4992xi32, #tpu.memory_space<hbm>>) target(%dma_start3A_218 : memref<4992xi32, #tpu.memory_space<vmem>>) target_semaphore(%run_scoped3A_212 : memref<!tpu.dma_semaphore, #tpu.memory_space<semaphore_mem>>)
      %dma_wait3A_221 = arith.constant 0 : i32
      %dma_wait3A_222 = tpu.memref_slice %arg9[%dma_wait3A_221] : memref<5120xi32, #tpu.memory_space<vmem>> -> memref<4992xi32, #tpu.memory_space<vmem>>
      %dma_wait3A_223 = tpu.memref_slice %arg3[%run_scoped3A_17, %multiple_of3A] : memref<2x160000xi32, #tpu.memory_space<hbm>> -> memref<1x4992xi32, #tpu.memory_space<hbm>>
      %dma_wait3A_224 = tpu.memref_squeeze %dma_wait3A_223 : memref<1x4992xi32, #tpu.memory_space<hbm>> -> memref<4992xi32, #tpu.memory_space<hbm>>
      %dma_wait3A_225 = arith.constant 0 : i32
      %dma_wait3A_226 = tpu.memref_slice %arg9[%dma_wait3A_225] : memref<5120xi32, #tpu.memory_space<vmem>> -> memref<4992xi32, #tpu.memory_space<vmem>>
      %dma_wait3A_227 = tpu.memref_slice %arg3[%run_scoped3A_17, %multiple_of3A] : memref<2x160000xi32, #tpu.memory_space<hbm>> -> memref<1x4992xi32, #tpu.memory_space<hbm>>
      %dma_wait3A_228 = tpu.memref_squeeze %dma_wait3A_227 : memref<1x4992xi32, #tpu.memory_space<hbm>> -> memref<4992xi32, #tpu.memory_space<hbm>>
      tpu.wait_dma2 semaphore(%run_scoped3A_212 : memref<!tpu.dma_semaphore, #tpu.memory_space<semaphore_mem>>) src(%dma_wait3A_228 : memref<4992xi32, #tpu.memory_space<hbm>>) dst(%dma_wait3A_226 : memref<4992xi32, #tpu.memory_space<vmem>>)
      tpu.yield
    }) : () -> ()
    "tpu.region"() ({
      %run_scoped3A_212 = tpu.sem_alloc : memref<!tpu.dma_semaphore, #tpu.memory_space<semaphore_mem>>
      %dma_start3A_213 = arith.constant 0 : i32
      %dma_start3A_214 = tpu.memref_slice %arg10[%dma_start3A_213] : memref<5120xi32, #tpu.memory_space<vmem>> -> memref<4992xi32, #tpu.memory_space<vmem>>
      %dma_start3A_215 = tpu.memref_slice %arg4[%multiple_of3A] : memref<160000xi32, #tpu.memory_space<hbm>> -> memref<4992xi32, #tpu.memory_space<hbm>>
      %dma_start3A_216 = arith.constant 0 : i32
      %dma_start3A_217 = tpu.memref_slice %arg10[%dma_start3A_216] : memref<5120xi32, #tpu.memory_space<vmem>> -> memref<4992xi32, #tpu.memory_space<vmem>>
      %dma_start3A_218 = tpu.memref_slice %arg4[%multiple_of3A] : memref<160000xi32, #tpu.memory_space<hbm>> -> memref<4992xi32, #tpu.memory_space<hbm>>
      tpu.enqueue_dma source(%dma_start3A_218 : memref<4992xi32, #tpu.memory_space<hbm>>) target(%dma_start3A_217 : memref<4992xi32, #tpu.memory_space<vmem>>) target_semaphore(%run_scoped3A_212 : memref<!tpu.dma_semaphore, #tpu.memory_space<semaphore_mem>>)
      %dma_wait3A_219 = arith.constant 0 : i32
      %dma_wait3A_220 = tpu.memref_slice %arg10[%dma_wait3A_219] : memref<5120xi32, #tpu.memory_space<vmem>> -> memref<4992xi32, #tpu.memory_space<vmem>>
      %dma_wait3A_221 = tpu.memref_slice %arg4[%multiple_of3A] : memref<160000xi32, #tpu.memory_space<hbm>> -> memref<4992xi32, #tpu.memory_space<hbm>>
      %dma_wait3A_222 = arith.constant 0 : i32
      %dma_wait3A_223 = tpu.memref_slice %arg10[%dma_wait3A_222] : memref<5120xi32, #tpu.memory_space<vmem>> -> memref<4992xi32, #tpu.memory_space<vmem>>
      %dma_wait3A_224 = tpu.memref_slice %arg4[%multiple_of3A] : memref<160000xi32, #tpu.memory_space<hbm>> -> memref<4992xi32, #tpu.memory_space<hbm>>
      tpu.wait_dma2 semaphore(%run_scoped3A_212 : memref<!tpu.dma_semaphore, #tpu.memory_space<semaphore_mem>>) src(%dma_wait3A_224 : memref<4992xi32, #tpu.memory_space<hbm>>) dst(%dma_wait3A_223 : memref<4992xi32, #tpu.memory_space<vmem>>)
      tpu.yield
    }) : () -> ()
    %convert_element_type3A_18 = arith.extui %lt3A_5 : i1 to i32
    %cond3A_19 = arith.constant 0 : i32
    %cond3A_20 = arith.cmpi ne, %convert_element_type3A_18, %cond3A_19 : i32
    scf.if %cond3A_20 {
      %add3A_212 = arith.constant 4992 : i32
      %add3A_213 = arith.addi %multiple_of3A, %add3A_212 : i32
      %multiple_of3A_214 = tpu.assume_multiple %add3A_213, 128 : i32
      %run_scoped3A_215 = arith.constant 0 : i32
      "tpu.region"() ({
        %run_scoped3A_217 = tpu.sem_alloc : memref<!tpu.dma_semaphore, #tpu.memory_space<semaphore_mem>>
        %dma_start3A_218 = arith.constant 4992 : i32
        %dma_start3A_219 = tpu.memref_slice %arg8[%dma_start3A_218] : memref<5120xi32, #tpu.memory_space<vmem>> -> memref<128xi32, #tpu.memory_space<vmem>>
        %dma_start3A_220 = tpu.memref_slice %arg3[%run_scoped3A_215, %multiple_of3A_214] : memref<2x160000xi32, #tpu.memory_space<hbm>> -> memref<1x128xi32, #tpu.memory_space<hbm>>
        %dma_start3A_221 = tpu.memref_squeeze %dma_start3A_220 : memref<1x128xi32, #tpu.memory_space<hbm>> -> memref<128xi32, #tpu.memory_space<hbm>>
        %dma_start3A_222 = arith.constant 4992 : i32
        %dma_start3A_223 = tpu.memref_slice %arg8[%dma_start3A_222] : memref<5120xi32, #tpu.memory_space<vmem>> -> memref<128xi32, #tpu.memory_space<vmem>>
        %dma_start3A_224 = tpu.memref_slice %arg3[%run_scoped3A_215, %multiple_of3A_214] : memref<2x160000xi32, #tpu.memory_space<hbm>> -> memref<1x128xi32, #tpu.memory_space<hbm>>
        %dma_start3A_225 = tpu.memref_squeeze %dma_start3A_224 : memref<1x128xi32, #tpu.memory_space<hbm>> -> memref<128xi32, #tpu.memory_space<hbm>>
        tpu.enqueue_dma source(%dma_start3A_225 : memref<128xi32, #tpu.memory_space<hbm>>) target(%dma_start3A_223 : memref<128xi32, #tpu.memory_space<vmem>>) target_semaphore(%run_scoped3A_217 : memref<!tpu.dma_semaphore, #tpu.memory_space<semaphore_mem>>)
        %dma_wait3A_226 = arith.constant 4992 : i32
        %dma_wait3A_227 = tpu.memref_slice %arg8[%dma_wait3A_226] : memref<5120xi32, #tpu.memory_space<vmem>> -> memref<128xi32, #tpu.memory_space<vmem>>
        %dma_wait3A_228 = tpu.memref_slice %arg3[%run_scoped3A_215, %multiple_of3A_214] : memref<2x160000xi32, #tpu.memory_space<hbm>> -> memref<1x128xi32, #tpu.memory_space<hbm>>
        %dma_wait3A_229 = tpu.memref_squeeze %dma_wait3A_228 : memref<1x128xi32, #tpu.memory_space<hbm>> -> memref<128xi32, #tpu.memory_space<hbm>>
        %dma_wait3A_230 = arith.constant 4992 : i32
        %dma_wait3A_231 = tpu.memref_slice %arg8[%dma_wait3A_230] : memref<5120xi32, #tpu.memory_space<vmem>> -> memref<128xi32, #tpu.memory_space<vmem>>
        %dma_wait3A_232 = tpu.memref_slice %arg3[%run_scoped3A_215, %multiple_of3A_214] : memref<2x160000xi32, #tpu.memory_space<hbm>> -> memref<1x128xi32, #tpu.memory_space<hbm>>
        %dma_wait3A_233 = tpu.memref_squeeze %dma_wait3A_232 : memref<1x128xi32, #tpu.memory_space<hbm>> -> memref<128xi32, #tpu.memory_space<hbm>>
        tpu.wait_dma2 semaphore(%run_scoped3A_217 : memref<!tpu.dma_semaphore, #tpu.memory_space<semaphore_mem>>) src(%dma_wait3A_233 : memref<128xi32, #tpu.memory_space<hbm>>) dst(%dma_wait3A_231 : memref<128xi32, #tpu.memory_space<vmem>>)
        tpu.yield
      }) : () -> ()
      %run_scoped3A_216 = arith.constant 1 : i32
      "tpu.region"() ({
        %run_scoped3A_217 = tpu.sem_alloc : memref<!tpu.dma_semaphore, #tpu.memory_space<semaphore_mem>>
        %dma_start3A_218 = arith.constant 4992 : i32
        %dma_start3A_219 = tpu.memref_slice %arg9[%dma_start3A_218] : memref<5120xi32, #tpu.memory_space<vmem>> -> memref<128xi32, #tpu.memory_space<vmem>>
        %dma_start3A_220 = tpu.memref_slice %arg3[%run_scoped3A_216, %multiple_of3A_214] : memref<2x160000xi32, #tpu.memory_space<hbm>> -> memref<1x128xi32, #tpu.memory_space<hbm>>
        %dma_start3A_221 = tpu.memref_squeeze %dma_start3A_220 : memref<1x128xi32, #tpu.memory_space<hbm>> -> memref<128xi32, #tpu.memory_space<hbm>>
        %dma_start3A_222 = arith.constant 4992 : i32
        %dma_start3A_223 = tpu.memref_slice %arg9[%dma_start3A_222] : memref<5120xi32, #tpu.memory_space<vmem>> -> memref<128xi32, #tpu.memory_space<vmem>>
        %dma_start3A_224 = tpu.memref_slice %arg3[%run_scoped3A_216, %multiple_of3A_214] : memref<2x160000xi32, #tpu.memory_space<hbm>> -> memref<1x128xi32, #tpu.memory_space<hbm>>
        %dma_start3A_225 = tpu.memref_squeeze %dma_start3A_224 : memref<1x128xi32, #tpu.memory_space<hbm>> -> memref<128xi32, #tpu.memory_space<hbm>>
        tpu.enqueue_dma source(%dma_start3A_225 : memref<128xi32, #tpu.memory_space<hbm>>) target(%dma_start3A_223 : memref<128xi32, #tpu.memory_space<vmem>>) target_semaphore(%run_scoped3A_217 : memref<!tpu.dma_semaphore, #tpu.memory_space<semaphore_mem>>)
        %dma_wait3A_226 = arith.constant 4992 : i32
        %dma_wait3A_227 = tpu.memref_slice %arg9[%dma_wait3A_226] : memref<5120xi32, #tpu.memory_space<vmem>> -> memref<128xi32, #tpu.memory_space<vmem>>
        %dma_wait3A_228 = tpu.memref_slice %arg3[%run_scoped3A_216, %multiple_of3A_214] : memref<2x160000xi32, #tpu.memory_space<hbm>> -> memref<1x128xi32, #tpu.memory_space<hbm>>
        %dma_wait3A_229 = tpu.memref_squeeze %dma_wait3A_228 : memref<1x128xi32, #tpu.memory_space<hbm>> -> memref<128xi32, #tpu.memory_space<hbm>>
        %dma_wait3A_230 = arith.constant 4992 : i32
        %dma_wait3A_231 = tpu.memref_slice %arg9[%dma_wait3A_230] : memref<5120xi32, #tpu.memory_space<vmem>> -> memref<128xi32, #tpu.memory_space<vmem>>
        %dma_wait3A_232 = tpu.memref_slice %arg3[%run_scoped3A_216, %multiple_of3A_214] : memref<2x160000xi32, #tpu.memory_space<hbm>> -> memref<1x128xi32, #tpu.memory_space<hbm>>
        %dma_wait3A_233 = tpu.memref_squeeze %dma_wait3A_232 : memref<1x128xi32, #tpu.memory_space<hbm>> -> memref<128xi32, #tpu.memory_space<hbm>>
        tpu.wait_dma2 semaphore(%run_scoped3A_217 : memref<!tpu.dma_semaphore, #tpu.memory_space<semaphore_mem>>) src(%dma_wait3A_233 : memref<128xi32, #tpu.memory_space<hbm>>) dst(%dma_wait3A_231 : memref<128xi32, #tpu.memory_space<vmem>>)
        tpu.yield
      }) : () -> ()
      "tpu.region"() ({
        %run_scoped3A_217 = tpu.sem_alloc : memref<!tpu.dma_semaphore, #tpu.memory_space<semaphore_mem>>
        %dma_start3A_218 = arith.constant 4992 : i32
        %dma_start3A_219 = tpu.memref_slice %arg10[%dma_start3A_218] : memref<5120xi32, #tpu.memory_space<vmem>> -> memref<128xi32, #tpu.memory_space<vmem>>
        %dma_start3A_220 = tpu.memref_slice %arg4[%multiple_of3A_214] : memref<160000xi32, #tpu.memory_space<hbm>> -> memref<128xi32, #tpu.memory_space<hbm>>
        %dma_start3A_221 = arith.constant 4992 : i32
        %dma_start3A_222 = tpu.memref_slice %arg10[%dma_start3A_221] : memref<5120xi32, #tpu.memory_space<vmem>> -> memref<128xi32, #tpu.memory_space<vmem>>
        %dma_start3A_223 = tpu.memref_slice %arg4[%multiple_of3A_214] : memref<160000xi32, #tpu.memory_space<hbm>> -> memref<128xi32, #tpu.memory_space<hbm>>
        tpu.enqueue_dma source(%dma_start3A_223 : memref<128xi32, #tpu.memory_space<hbm>>) target(%dma_start3A_222 : memref<128xi32, #tpu.memory_space<vmem>>) target_semaphore(%run_scoped3A_217 : memref<!tpu.dma_semaphore, #tpu.memory_space<semaphore_mem>>)
        %dma_wait3A_224 = arith.constant 4992 : i32
        %dma_wait3A_225 = tpu.memref_slice %arg10[%dma_wait3A_224] : memref<5120xi32, #tpu.memory_space<vmem>> -> memref<128xi32, #tpu.memory_space<vmem>>
        %dma_wait3A_226 = tpu.memref_slice %arg4[%multiple_of3A_214] : memref<160000xi32, #tpu.memory_space<hbm>> -> memref<128xi32, #tpu.memory_space<hbm>>
        %dma_wait3A_227 = arith.constant 4992 : i32
        %dma_wait3A_228 = tpu.memref_slice %arg10[%dma_wait3A_227] : memref<5120xi32, #tpu.memory_space<vmem>> -> memref<128xi32, #tpu.memory_space<vmem>>
        %dma_wait3A_229 = tpu.memref_slice %arg4[%multiple_of3A_214] : memref<160000xi32, #tpu.memory_space<hbm>> -> memref<128xi32, #tpu.memory_space<hbm>>
        tpu.wait_dma2 semaphore(%run_scoped3A_217 : memref<!tpu.dma_semaphore, #tpu.memory_space<semaphore_mem>>) src(%dma_wait3A_229 : memref<128xi32, #tpu.memory_space<hbm>>) dst(%dma_wait3A_228 : memref<128xi32, #tpu.memory_space<vmem>>)
        tpu.yield
      }) : () -> ()
    } else {
    }
    %barrier3A = arith.constant 0 : index
    tpu.barrier barrier_id(%barrier3A)
    %mul3A_21 = arith.constant 2 : i32
    %mul3A_22 = arith.muli %mul3A_21, %select_n3A : i32
    %get3A = arith.constant 0 : index
    %get3A_23 = tpu.vector_load %arg10[%get3A] {strides = array<i32>} : memref<5120xi32, #tpu.memory_space<vmem>>, vector<16xi32>,
    %get3A_24 = vector.shape_cast %get3A_23 : vector<16xi32> to vector<16xi32>
    %get3A_25 = arith.constant 0 : index
    %get3A_26 = tpu.vector_load %arg8[%get3A_25] {strides = array<i32>} : memref<5120xi32, #tpu.memory_space<vmem>>, vector<16xi32>,
    %get3A_27 = vector.shape_cast %get3A_26 : vector<16xi32> to vector<16xi32>
    %get3A_28 = arith.constant 0 : index
    %get3A_29 = tpu.vector_load %arg9[%get3A_28] {strides = array<i32>} : memref<5120xi32, #tpu.memory_space<vmem>>, vector<16xi32>,
    %get3A_30 = vector.shape_cast %get3A_29 : vector<16xi32> to vector<16xi32>
    %mul3A_31 = arith.constant 10000 : i32
    %mul3A_32 = vector.broadcast %mul3A_31 : i32 to vector<16xi32>
    %mul3A_33 = arith.muli %get3A_24, %mul3A_32 : vector<16xi32>
    %add3A_34 = arith.addi %mul3A_33, %get3A_30 : vector<16xi32>
    %swap3A = arith.constant 0 : index
    %swap3A_35 = tpu.vector_load %arg11[%swap3A] {strides = array<i32>} : memref<128xi32, #tpu.memory_space<vmem>>, vector<16xi32>,
    %swap3A_36 = vector.shape_cast %swap3A_35 : vector<16xi32> to vector<16xi32>
    %swap3A_37 = vector.shape_cast %add3A_34 : vector<16xi32> to vector<16xi32>
    tpu.vector_store %arg11[%swap3A], %swap3A_37 {strides = array<i32>} : memref<128xi32, #tpu.memory_space<vmem>>, vector<16xi32>,
    %swap3A_38 = arith.constant 0 : index
    %swap3A_39 = tpu.vector_load %arg13[%swap3A_38] {strides = array<i32>} : memref<128xi32, #tpu.memory_space<vmem>>, vector<16xi32>,
    %swap3A_40 = vector.shape_cast %swap3A_39 : vector<16xi32> to vector<16xi32>
    %swap3A_41 = vector.shape_cast %get3A_27 : vector<16xi32> to vector<16xi32>
    tpu.vector_store %arg13[%swap3A_38], %swap3A_41 {strides = array<i32>} : memref<128xi32, #tpu.memory_space<vmem>>, vector<16xi32>,
    %get3A_42 = arith.constant 16 : index
    %get3A_43 = tpu.vector_load %arg10[%get3A_42] {strides = array<i32>} : memref<5120xi32, #tpu.memory_space<vmem>>, vector<16xi32>,
    %get3A_44 = vector.shape_cast %get3A_43 : vector<16xi32> to vector<16xi32>
    %get3A_45 = arith.constant 16 : index
    %get3A_46 = tpu.vector_load %arg8[%get3A_45] {strides = array<i32>} : memref<5120xi32, #tpu.memory_space<vmem>>, vector<16xi32>,
    %get3A_47 = vector.shape_cast %get3A_46 : vector<16xi32> to vector<16xi32>
    %get3A_48 = arith.constant 16 : index
    %get3A_49 = tpu.vector_load %arg9[%get3A_48] {strides = array<i32>} : memref<5120xi32, #tpu.memory_space<vmem>>, vector<16xi32>,
    %get3A_50 = vector.shape_cast %get3A_49 : vector<16xi32> to vector<16xi32>
    %mul3A_51 = arith.constant 10000 : i32
    %mul3A_52 = vector.broadcast %mul3A_51 : i32 to vector<16xi32>
    %mul3A_53 = arith.muli %get3A_44, %mul3A_52 : vector<16xi32>
    %add3A_54 = arith.addi %mul3A_53, %get3A_50 : vector<16xi32>
    %swap3A_55 = arith.constant 16 : index
    %swap3A_56 = tpu.vector_load %arg11[%swap3A_55] {strides = array<i32>} : memref<128xi32, #tpu.memory_space<vmem>>, vector<16xi32>,
    %swap3A_57 = vector.shape_cast %swap3A_56 : vector<16xi32> to vector<16xi32>
    %swap3A_58 = vector.shape_cast %add3A_54 : vector<16xi32> to vector<16xi32>
    tpu.vector_store %arg11[%swap3A_55], %swap3A_58 {strides = array<i32>} : memref<128xi32, #tpu.memory_space<vmem>>, vector<16xi32>,
    %swap3A_59 = arith.constant 16 : index
    %swap3A_60 = tpu.vector_load %arg13[%swap3A_59] {strides = array<i32>} : memref<128xi32, #tpu.memory_space<vmem>>, vector<16xi32>,
    %swap3A_61 = vector.shape_cast %swap3A_60 : vector<16xi32> to vector<16xi32>
    %swap3A_62 = vector.shape_cast %get3A_47 : vector<16xi32> to vector<16xi32>
    tpu.vector_store %arg13[%swap3A_59], %swap3A_62 {strides = array<i32>} : memref<128xi32, #tpu.memory_space<vmem>>, vector<16xi32>,
    %get3A_63 = arith.constant 32 : index
    %get3A_64 = tpu.vector_load %arg10[%get3A_63] {strides = array<i32>} : memref<5120xi32, #tpu.memory_space<vmem>>, vector<16xi32>,
    %get3A_65 = vector.shape_cast %get3A_64 : vector<16xi32> to vector<16xi32>
    %get3A_66 = arith.constant 32 : index
    %get3A_67 = tpu.vector_load %arg8[%get3A_66] {strides = array<i32>} : memref<5120xi32, #tpu.memory_space<vmem>>, vector<16xi32>,
    %get3A_68 = vector.shape_cast %get3A_67 : vector<16xi32> to vector<16xi32>
    %get3A_69 = arith.constant 32 : index
    %get3A_70 = tpu.vector_load %arg9[%get3A_69] {strides = array<i32>} : memref<5120xi32, #tpu.memory_space<vmem>>, vector<16xi32>,
    %get3A_71 = vector.shape_cast %get3A_70 : vector<16xi32> to vector<16xi32>
    %mul3A_72 = arith.constant 10000 : i32
    %mul3A_73 = vector.broadcast %mul3A_72 : i32 to vector<16xi32>
    %mul3A_74 = arith.muli %get3A_65, %mul3A_73 : vector<16xi32>
    %add3A_75 = arith.addi %mul3A_74, %get3A_71 : vector<16xi32>
    %swap3A_76 = arith.constant 32 : index
    %swap3A_77 = tpu.vector_load %arg11[%swap3A_76] {strides = array<i32>} : memref<128xi32, #tpu.memory_space<vmem>>, vector<16xi32>,
    %swap3A_78 = vector.shape_cast %swap3A_77 : vector<16xi32> to vector<16xi32>
    %swap3A_79 = vector.shape_cast %add3A_75 : vector<16xi32> to vector<16xi32>
    tpu.vector_store %arg11[%swap3A_76], %swap3A_79 {strides = array<i32>} : memref<128xi32, #tpu.memory_space<vmem>>, vector<16xi32>,
    %swap3A_80 = arith.constant 32 : index
    %swap3A_81 = tpu.vector_load %arg13[%swap3A_80] {strides = array<i32>} : memref<128xi32, #tpu.memory_space<vmem>>, vector<16xi32>,
    %swap3A_82 = vector.shape_cast %swap3A_81 : vector<16xi32> to vector<16xi32>
    %swap3A_83 = vector.shape_cast %get3A_68 : vector<16xi32> to vector<16xi32>
    tpu.vector_store %arg13[%swap3A_80], %swap3A_83 {strides = array<i32>} : memref<128xi32, #tpu.memory_space<vmem>>, vector<16xi32>,
    %get3A_84 = arith.constant 48 : index
    %get3A_85 = tpu.vector_load %arg10[%get3A_84] {strides = array<i32>} : memref<5120xi32, #tpu.memory_space<vmem>>, vector<16xi32>,
    %get3A_86 = vector.shape_cast %get3A_85 : vector<16xi32> to vector<16xi32>
    %get3A_87 = arith.constant 48 : index
    %get3A_88 = tpu.vector_load %arg8[%get3A_87] {strides = array<i32>} : memref<5120xi32, #tpu.memory_space<vmem>>, vector<16xi32>,
    %get3A_89 = vector.shape_cast %get3A_88 : vector<16xi32> to vector<16xi32>
    %get3A_90 = arith.constant 48 : index
    %get3A_91 = tpu.vector_load %arg9[%get3A_90] {strides = array<i32>} : memref<5120xi32, #tpu.memory_space<vmem>>, vector<16xi32>,
    %get3A_92 = vector.shape_cast %get3A_91 : vector<16xi32> to vector<16xi32>
    %mul3A_93 = arith.constant 10000 : i32
    %mul3A_94 = vector.broadcast %mul3A_93 : i32 to vector<16xi32>
    %mul3A_95 = arith.muli %get3A_86, %mul3A_94 : vector<16xi32>
    %add3A_96 = arith.addi %mul3A_95, %get3A_92 : vector<16xi32>
    %swap3A_97 = arith.constant 48 : index
    %swap3A_98 = tpu.vector_load %arg11[%swap3A_97] {strides = array<i32>} : memref<128xi32, #tpu.memory_space<vmem>>, vector<16xi32>,
    %swap3A_99 = vector.shape_cast %swap3A_98 : vector<16xi32> to vector<16xi32>
    %swap3A_100 = vector.shape_cast %add3A_96 : vector<16xi32> to vector<16xi32>
    tpu.vector_store %arg11[%swap3A_97], %swap3A_100 {strides = array<i32>} : memref<128xi32, #tpu.memory_space<vmem>>, vector<16xi32>,
    %swap3A_101 = arith.constant 48 : index
    %swap3A_102 = tpu.vector_load %arg13[%swap3A_101] {strides = array<i32>} : memref<128xi32, #tpu.memory_space<vmem>>, vector<16xi32>,
    %swap3A_103 = vector.shape_cast %swap3A_102 : vector<16xi32> to vector<16xi32>
    %swap3A_104 = vector.shape_cast %get3A_89 : vector<16xi32> to vector<16xi32>
    tpu.vector_store %arg13[%swap3A_101], %swap3A_104 {strides = array<i32>} : memref<128xi32, #tpu.memory_space<vmem>>, vector<16xi32>,
    %get3A_105 = arith.constant 64 : index
    %get3A_106 = tpu.vector_load %arg10[%get3A_105] {strides = array<i32>} : memref<5120xi32, #tpu.memory_space<vmem>>, vector<16xi32>,
    %get3A_107 = vector.shape_cast %get3A_106 : vector<16xi32> to vector<16xi32>
    %get3A_108 = arith.constant 64 : index
    %get3A_109 = tpu.vector_load %arg8[%get3A_108] {strides = array<i32>} : memref<5120xi32, #tpu.memory_space<vmem>>, vector<16xi32>,
    %get3A_110 = vector.shape_cast %get3A_109 : vector<16xi32> to vector<16xi32>
    %get3A_111 = arith.constant 64 : index
    %get3A_112 = tpu.vector_load %arg9[%get3A_111] {strides = array<i32>} : memref<5120xi32, #tpu.memory_space<vmem>>, vector<16xi32>,
    %get3A_113 = vector.shape_cast %get3A_112 : vector<16xi32> to vector<16xi32>
    %mul3A_114 = arith.constant 10000 : i32
    %mul3A_115 = vector.broadcast %mul3A_114 : i32 to vector<16xi32>
    %mul3A_116 = arith.muli %get3A_107, %mul3A_115 : vector<16xi32>
    %add3A_117 = arith.addi %mul3A_116, %get3A_113 : vector<16xi32>
    %swap3A_118 = arith.constant 64 : index
    %swap3A_119 = tpu.vector_load %arg11[%swap3A_118] {strides = array<i32>} : memref<128xi32, #tpu.memory_space<vmem>>, vector<16xi32>,
    %swap3A_120 = vector.shape_cast %swap3A_119 : vector<16xi32> to vector<16xi32>
    %swap3A_121 = vector.shape_cast %add3A_117 : vector<16xi32> to vector<16xi32>
    tpu.vector_store %arg11[%swap3A_118], %swap3A_121 {strides = array<i32>} : memref<128xi32, #tpu.memory_space<vmem>>, vector<16xi32>,
    %swap3A_122 = arith.constant 64 : index
    %swap3A_123 = tpu.vector_load %arg13[%swap3A_122] {strides = array<i32>} : memref<128xi32, #tpu.memory_space<vmem>>, vector<16xi32>,
    %swap3A_124 = vector.shape_cast %swap3A_123 : vector<16xi32> to vector<16xi32>
    %swap3A_125 = vector.shape_cast %get3A_110 : vector<16xi32> to vector<16xi32>
    tpu.vector_store %arg13[%swap3A_122], %swap3A_125 {strides = array<i32>} : memref<128xi32, #tpu.memory_space<vmem>>, vector<16xi32>,
    %get3A_126 = arith.constant 80 : index
    %get3A_127 = tpu.vector_load %arg10[%get3A_126] {strides = array<i32>} : memref<5120xi32, #tpu.memory_space<vmem>>, vector<16xi32>,
    %get3A_128 = vector.shape_cast %get3A_127 : vector<16xi32> to vector<16xi32>
    %get3A_129 = arith.constant 80 : index
    %get3A_130 = tpu.vector_load %arg8[%get3A_129] {strides = array<i32>} : memref<5120xi32, #tpu.memory_space<vmem>>, vector<16xi32>,
    %get3A_131 = vector.shape_cast %get3A_130 : vector<16xi32> to vector<16xi32>
    %get3A_132 = arith.constant 80 : index
    %get3A_133 = tpu.vector_load %arg9[%get3A_132] {strides = array<i32>} : memref<5120xi32, #tpu.memory_space<vmem>>, vector<16xi32>,
    %get3A_134 = vector.shape_cast %get3A_133 : vector<16xi32> to vector<16xi32>
    %mul3A_135 = arith.constant 10000 : i32
    %mul3A_136 = vector.broadcast %mul3A_135 : i32 to vector<16xi32>
    %mul3A_137 = arith.muli %get3A_128, %mul3A_136 : vector<16xi32>
    %add3A_138 = arith.addi %mul3A_137, %get3A_134 : vector<16xi32>
    %swap3A_139 = arith.constant 80 : index
    %swap3A_140 = tpu.vector_load %arg11[%swap3A_139] {strides = array<i32>} : memref<128xi32, #tpu.memory_space<vmem>>, vector<16xi32>,
    %swap3A_141 = vector.shape_cast %swap3A_140 : vector<16xi32> to vector<16xi32>
    %swap3A_142 = vector.shape_cast %add3A_138 : vector<16xi32> to vector<16xi32>
    tpu.vector_store %arg11[%swap3A_139], %swap3A_142 {strides = array<i32>} : memref<128xi32, #tpu.memory_space<vmem>>, vector<16xi32>,
    %swap3A_143 = arith.constant 80 : index
    %swap3A_144 = tpu.vector_load %arg13[%swap3A_143] {strides = array<i32>} : memref<128xi32, #tpu.memory_space<vmem>>, vector<16xi32>,
    %swap3A_145 = vector.shape_cast %swap3A_144 : vector<16xi32> to vector<16xi32>
    %swap3A_146 = vector.shape_cast %get3A_131 : vector<16xi32> to vector<16xi32>
    tpu.vector_store %arg13[%swap3A_143], %swap3A_146 {strides = array<i32>} : memref<128xi32, #tpu.memory_space<vmem>>, vector<16xi32>,
    %get3A_147 = arith.constant 96 : index
    %get3A_148 = tpu.vector_load %arg10[%get3A_147] {strides = array<i32>} : memref<5120xi32, #tpu.memory_space<vmem>>, vector<16xi32>,
    %get3A_149 = vector.shape_cast %get3A_148 : vector<16xi32> to vector<16xi32>
    %get3A_150 = arith.constant 96 : index
    %get3A_151 = tpu.vector_load %arg8[%get3A_150] {strides = array<i32>} : memref<5120xi32, #tpu.memory_space<vmem>>, vector<16xi32>,
    %get3A_152 = vector.shape_cast %get3A_151 : vector<16xi32> to vector<16xi32>
    %get3A_153 = arith.constant 96 : index
    %get3A_154 = tpu.vector_load %arg9[%get3A_153] {strides = array<i32>} : memref<5120xi32, #tpu.memory_space<vmem>>, vector<16xi32>,
    %get3A_155 = vector.shape_cast %get3A_154 : vector<16xi32> to vector<16xi32>
    %mul3A_156 = arith.constant 10000 : i32
    %mul3A_157 = vector.broadcast %mul3A_156 : i32 to vector<16xi32>
    %mul3A_158 = arith.muli %get3A_149, %mul3A_157 : vector<16xi32>
    %add3A_159 = arith.addi %mul3A_158, %get3A_155 : vector<16xi32>
    %swap3A_160 = arith.constant 96 : index
    %swap3A_161 = tpu.vector_load %arg11[%swap3A_160] {strides = array<i32>} : memref<128xi32, #tpu.memory_space<vmem>>, vector<16xi32>,
    %swap3A_162 = vector.shape_cast %swap3A_161 : vector<16xi32> to vector<16xi32>
    %swap3A_163 = vector.shape_cast %add3A_159 : vector<16xi32> to vector<16xi32>
    tpu.vector_store %arg11[%swap3A_160], %swap3A_163 {strides = array<i32>} : memref<128xi32, #tpu.memory_space<vmem>>, vector<16xi32>,
    %swap3A_164 = arith.constant 96 : index
    %swap3A_165 = tpu.vector_load %arg13[%swap3A_164] {strides = array<i32>} : memref<128xi32, #tpu.memory_space<vmem>>, vector<16xi32>,
    %swap3A_166 = vector.shape_cast %swap3A_165 : vector<16xi32> to vector<16xi32>
    %swap3A_167 = vector.shape_cast %get3A_152 : vector<16xi32> to vector<16xi32>
    tpu.vector_store %arg13[%swap3A_164], %swap3A_167 {strides = array<i32>} : memref<128xi32, #tpu.memory_space<vmem>>, vector<16xi32>,
    %get3A_168 = arith.constant 112 : index
    %get3A_169 = tpu.vector_load %arg10[%get3A_168] {strides = array<i32>} : memref<5120xi32, #tpu.memory_space<vmem>>, vector<16xi32>,
    %get3A_170 = vector.shape_cast %get3A_169 : vector<16xi32> to vector<16xi32>
    %get3A_171 = arith.constant 112 : index
    %get3A_172 = tpu.vector_load %arg8[%get3A_171] {strides = array<i32>} : memref<5120xi32, #tpu.memory_space<vmem>>, vector<16xi32>,
    %get3A_173 = vector.shape_cast %get3A_172 : vector<16xi32> to vector<16xi32>
    %get3A_174 = arith.constant 112 : index
    %get3A_175 = tpu.vector_load %arg9[%get3A_174] {strides = array<i32>} : memref<5120xi32, #tpu.memory_space<vmem>>, vector<16xi32>,
    %get3A_176 = vector.shape_cast %get3A_175 : vector<16xi32> to vector<16xi32>
    %mul3A_177 = arith.constant 10000 : i32
    %mul3A_178 = vector.broadcast %mul3A_177 : i32 to vector<16xi32>
    %mul3A_179 = arith.muli %get3A_170, %mul3A_178 : vector<16xi32>
    %add3A_180 = arith.addi %mul3A_179, %get3A_176 : vector<16xi32>
    %swap3A_181 = arith.constant 112 : index
    %swap3A_182 = tpu.vector_load %arg11[%swap3A_181] {strides = array<i32>} : memref<128xi32, #tpu.memory_space<vmem>>, vector<16xi32>,
    %swap3A_183 = vector.shape_cast %swap3A_182 : vector<16xi32> to vector<16xi32>
    %swap3A_184 = vector.shape_cast %add3A_180 : vector<16xi32> to vector<16xi32>
    tpu.vector_store %arg11[%swap3A_181], %swap3A_184 {strides = array<i32>} : memref<128xi32, #tpu.memory_space<vmem>>, vector<16xi32>,
    %swap3A_185 = arith.constant 112 : index
    %swap3A_186 = tpu.vector_load %arg13[%swap3A_185] {strides = array<i32>} : memref<128xi32, #tpu.memory_space<vmem>>, vector<16xi32>,
    %swap3A_187 = vector.shape_cast %swap3A_186 : vector<16xi32> to vector<16xi32>
    %swap3A_188 = vector.shape_cast %get3A_173 : vector<16xi32> to vector<16xi32>
    tpu.vector_store %arg13[%swap3A_185], %swap3A_188 {strides = array<i32>} : memref<128xi32, #tpu.memory_space<vmem>>, vector<16xi32>,
    %dma_start3A = arith.constant 0 : i32
    %dma_start3A_189 = arith.constant 0 : i32
    %dma_start3A_190 = tpu.memref_slice %arg2[%dma_start3A, %dma_start3A_189] : memref<80000x128xf32, #tpu.memory_space<hbm>> -> memref<80000x128xf32, #tpu.memory_space<hbm>>
    tpu.enqueue_indirect_dma source(%dma_start3A_190 : memref<80000x128xf32, #tpu.memory_space<hbm>>) target(%arg15 : memref<128x128xf32, #tpu.memory_space<vmem>>) offsets(%arg11 : memref<128xi32, #tpu.memory_space<vmem>>) semaphore(%arg18 : memref<!tpu.dma_semaphore, #tpu.memory_space<semaphore_mem>>)
    %scan3A = arith.constant 0 : i32
    %scan3A_191 = arith.constant 0 : i32
    %scan3A_192 = arith.constant 40 : i32
    %scan3A_193 = arith.addi %scan3A_191, %scan3A_192 : i32
    %scan3A_194 = arith.constant 1 : i32
    scf.for %scan3A_212 = %scan3A_191 to %scan3A_193 step %scan3A_194  : i32 {
      %mul3A_213 = arith.constant 2 : i32
      %mul3A_214 = arith.muli %mul3A_213, %scan3A_212 : i32
      %add3A_215 = arith.constant 0 : i32
      %add3A_216 = arith.addi %mul3A_214, %add3A_215 : i32
      %add3A_217 = arith.constant 1 : i32
      %add3A_218 = arith.addi %add3A_216, %add3A_217 : i32
      %lt3A_219 = arith.cmpi slt, %add3A_218, %mul3A_22 : i32
      %ge3A = arith.constant 2 : i32
      %ge3A_220 = arith.cmpi sge, %add3A_218, %ge3A : i32
      %and3A = arith.andi %lt3A_219, %ge3A_220 : i1
      %convert_element_type3A_221 = arith.extui %and3A : i1 to i32
      %cond3A_222 = arith.constant 0 : i32
      %cond3A_223 = arith.cmpi ne, %convert_element_type3A_221, %cond3A_222 : i32
      scf.if %cond3A_223 {
        %dma_wait3A_253 = arith.constant 0 : i32
        %dma_wait3A_254 = arith.constant 0 : i32
        %dma_wait3A_255 = tpu.memref_slice %arg17[%dma_wait3A_253, %dma_wait3A_254] : memref<10000x128xf32, #tpu.memory_space<vmem_shared>> -> memref<10000x128xf32, #tpu.memory_space<vmem_shared>>
        tpu.wait_indirect_dma semaphore(%arg19 : memref<!tpu.dma_semaphore, #tpu.memory_space<semaphore_mem>>) src(%arg16 : memref<128x128xf32, #tpu.memory_space<vmem>>) dst(%dma_wait3A_255 : memref<10000x128xf32, #tpu.memory_space<vmem_shared>>)
      } else {
      }
      %lt3A_224 = arith.cmpi slt, %add3A_218, %mul3A_22 : i32
      %convert_element_type3A_225 = arith.extui %lt3A_224 : i1 to i32
      %cond3A_226 = arith.constant 0 : i32
      %cond3A_227 = arith.cmpi ne, %convert_element_type3A_225, %cond3A_226 : i32
      scf.if %cond3A_227 {
        %add3A_253 = arith.constant 0 : i32
        %add3A_254 = arith.addi %scan3A_212, %add3A_253 : i32
        %mul3A_255 = arith.constant 128 : i32
        %mul3A_256 = arith.muli %add3A_254, %mul3A_255 : i32
        %add3A_257 = arith.constant 0 : i32
        %add3A_258 = arith.addi %mul3A_256, %add3A_257 : i32
        %get3A_259 = arith.index_cast %add3A_258 : i32 to index
        %get3A_260 = tpu.vector_load %arg10[%get3A_259] {strides = array<i32>} : memref<5120xi32, #tpu.memory_space<vmem>>, vector<16xi32>,
        %get3A_261 = vector.shape_cast %get3A_260 : vector<16xi32> to vector<16xi32>
        %get3A_262 = arith.index_cast %add3A_258 : i32 to index
        %get3A_263 = tpu.vector_load %arg8[%get3A_262] {strides = array<i32>} : memref<5120xi32, #tpu.memory_space<vmem>>, vector<16xi32>,
        %get3A_264 = vector.shape_cast %get3A_263 : vector<16xi32> to vector<16xi32>
        %get3A_265 = arith.index_cast %add3A_258 : i32 to index
        %get3A_266 = tpu.vector_load %arg9[%get3A_265] {strides = array<i32>} : memref<5120xi32, #tpu.memory_space<vmem>>, vector<16xi32>,
        %get3A_267 = vector.shape_cast %get3A_266 : vector<16xi32> to vector<16xi32>
        %add3A_268 = arith.constant 4 : i32
        %add3A_269 = vector.broadcast %add3A_268 : i32 to vector<16xi32>
        %add3A_270 = arith.addi %get3A_261, %add3A_269 : vector<16xi32>
        %mul3A_271 = arith.constant 10000 : i32
        %mul3A_272 = vector.broadcast %mul3A_271 : i32 to vector<16xi32>
        %mul3A_273 = arith.muli %add3A_270, %mul3A_272 : vector<16xi32>
        %add3A_274 = arith.addi %mul3A_273, %get3A_264 : vector<16xi32>
        %swap3A_275 = arith.constant 0 : index
        %swap3A_276 = tpu.vector_load %arg12[%swap3A_275] {strides = array<i32>} : memref<128xi32, #tpu.memory_space<vmem>>, vector<16xi32>,
        %swap3A_277 = vector.shape_cast %swap3A_276 : vector<16xi32> to vector<16xi32>
        %swap3A_278 = vector.shape_cast %add3A_274 : vector<16xi32> to vector<16xi32>
        tpu.vector_store %arg12[%swap3A_275], %swap3A_278 {strides = array<i32>} : memref<128xi32, #tpu.memory_space<vmem>>, vector<16xi32>,
        %swap3A_279 = arith.constant 0 : index
        %swap3A_280 = tpu.vector_load %arg14[%swap3A_279] {strides = array<i32>} : memref<128xi32, #tpu.memory_space<vmem>>, vector<16xi32>,
        %swap3A_281 = vector.shape_cast %swap3A_280 : vector<16xi32> to vector<16xi32>
        %swap3A_282 = vector.shape_cast %get3A_267 : vector<16xi32> to vector<16xi32>
        tpu.vector_store %arg14[%swap3A_279], %swap3A_282 {strides = array<i32>} : memref<128xi32, #tpu.memory_space<vmem>>, vector<16xi32>,
        %add3A_283 = arith.constant 16 : i32
        %add3A_284 = arith.addi %mul3A_256, %add3A_283 : i32
        %get3A_285 = arith.index_cast %add3A_284 : i32 to index
        %get3A_286 = tpu.vector_load %arg10[%get3A_285] {strides = array<i32>} : memref<5120xi32, #tpu.memory_space<vmem>>, vector<16xi32>,
        %get3A_287 = vector.shape_cast %get3A_286 : vector<16xi32> to vector<16xi32>
        %get3A_288 = arith.index_cast %add3A_284 : i32 to index
        %get3A_289 = tpu.vector_load %arg8[%get3A_288] {strides = array<i32>} : memref<5120xi32, #tpu.memory_space<vmem>>, vector<16xi32>,
        %get3A_290 = vector.shape_cast %get3A_289 : vector<16xi32> to vector<16xi32>
        %get3A_291 = arith.index_cast %add3A_284 : i32 to index
        %get3A_292 = tpu.vector_load %arg9[%get3A_291] {strides = array<i32>} : memref<5120xi32, #tpu.memory_space<vmem>>, vector<16xi32>,
        %get3A_293 = vector.shape_cast %get3A_292 : vector<16xi32> to vector<16xi32>
        %add3A_294 = arith.constant 4 : i32
        %add3A_295 = vector.broadcast %add3A_294 : i32 to vector<16xi32>
        %add3A_296 = arith.addi %get3A_287, %add3A_295 : vector<16xi32>
        %mul3A_297 = arith.constant 10000 : i32
        %mul3A_298 = vector.broadcast %mul3A_297 : i32 to vector<16xi32>
        %mul3A_299 = arith.muli %add3A_296, %mul3A_298 : vector<16xi32>
        %add3A_300 = arith.addi %mul3A_299, %get3A_290 : vector<16xi32>
        %swap3A_301 = arith.constant 16 : index
        %swap3A_302 = tpu.vector_load %arg12[%swap3A_301] {strides = array<i32>} : memref<128xi32, #tpu.memory_space<vmem>>, vector<16xi32>,
        %swap3A_303 = vector.shape_cast %swap3A_302 : vector<16xi32> to vector<16xi32>
        %swap3A_304 = vector.shape_cast %add3A_300 : vector<16xi32> to vector<16xi32>
        tpu.vector_store %arg12[%swap3A_301], %swap3A_304 {strides = array<i32>} : memref<128xi32, #tpu.memory_space<vmem>>, vector<16xi32>,
        %swap3A_305 = arith.constant 16 : index
        %swap3A_306 = tpu.vector_load %arg14[%swap3A_305] {strides = array<i32>} : memref<128xi32, #tpu.memory_space<vmem>>, vector<16xi32>,
        %swap3A_307 = vector.shape_cast %swap3A_306 : vector<16xi32> to vector<16xi32>
        %swap3A_308 = vector.shape_cast %get3A_293 : vector<16xi32> to vector<16xi32>
        tpu.vector_store %arg14[%swap3A_305], %swap3A_308 {strides = array<i32>} : memref<128xi32, #tpu.memory_space<vmem>>, vector<16xi32>,
        %add3A_309 = arith.constant 32 : i32
        %add3A_310 = arith.addi %mul3A_256, %add3A_309 : i32
        %get3A_311 = arith.index_cast %add3A_310 : i32 to index
        %get3A_312 = tpu.vector_load %arg10[%get3A_311] {strides = array<i32>} : memref<5120xi32, #tpu.memory_space<vmem>>, vector<16xi32>,
        %get3A_313 = vector.shape_cast %get3A_312 : vector<16xi32> to vector<16xi32>
        %get3A_314 = arith.index_cast %add3A_310 : i32 to index
        %get3A_315 = tpu.vector_load %arg8[%get3A_314] {strides = array<i32>} : memref<5120xi32, #tpu.memory_space<vmem>>, vector<16xi32>,
        %get3A_316 = vector.shape_cast %get3A_315 : vector<16xi32> to vector<16xi32>
        %get3A_317 = arith.index_cast %add3A_310 : i32 to index
        %get3A_318 = tpu.vector_load %arg9[%get3A_317] {strides = array<i32>} : memref<5120xi32, #tpu.memory_space<vmem>>, vector<16xi32>,
        %get3A_319 = vector.shape_cast %get3A_318 : vector<16xi32> to vector<16xi32>
        %add3A_320 = arith.constant 4 : i32
        %add3A_321 = vector.broadcast %add3A_320 : i32 to vector<16xi32>
        %add3A_322 = arith.addi %get3A_313, %add3A_321 : vector<16xi32>
        %mul3A_323 = arith.constant 10000 : i32
        %mul3A_324 = vector.broadcast %mul3A_323 : i32 to vector<16xi32>
        %mul3A_325 = arith.muli %add3A_322, %mul3A_324 : vector<16xi32>
        %add3A_326 = arith.addi %mul3A_325, %get3A_316 : vector<16xi32>
        %swap3A_327 = arith.constant 32 : index
        %swap3A_328 = tpu.vector_load %arg12[%swap3A_327] {strides = array<i32>} : memref<128xi32, #tpu.memory_space<vmem>>, vector<16xi32>,
        %swap3A_329 = vector.shape_cast %swap3A_328 : vector<16xi32> to vector<16xi32>
        %swap3A_330 = vector.shape_cast %add3A_326 : vector<16xi32> to vector<16xi32>
        tpu.vector_store %arg12[%swap3A_327], %swap3A_330 {strides = array<i32>} : memref<128xi32, #tpu.memory_space<vmem>>, vector<16xi32>,
        %swap3A_331 = arith.constant 32 : index
        %swap3A_332 = tpu.vector_load %arg14[%swap3A_331] {strides = array<i32>} : memref<128xi32, #tpu.memory_space<vmem>>, vector<16xi32>,
        %swap3A_333 = vector.shape_cast %swap3A_332 : vector<16xi32> to vector<16xi32>
        %swap3A_334 = vector.shape_cast %get3A_319 : vector<16xi32> to vector<16xi32>
        tpu.vector_store %arg14[%swap3A_331], %swap3A_334 {strides = array<i32>} : memref<128xi32, #tpu.memory_space<vmem>>, vector<16xi32>,
        %add3A_335 = arith.constant 48 : i32
        %add3A_336 = arith.addi %mul3A_256, %add3A_335 : i32
        %get3A_337 = arith.index_cast %add3A_336 : i32 to index
        %get3A_338 = tpu.vector_load %arg10[%get3A_337] {strides = array<i32>} : memref<5120xi32, #tpu.memory_space<vmem>>, vector<16xi32>,
        %get3A_339 = vector.shape_cast %get3A_338 : vector<16xi32> to vector<16xi32>
        %get3A_340 = arith.index_cast %add3A_336 : i32 to index
        %get3A_341 = tpu.vector_load %arg8[%get3A_340] {strides = array<i32>} : memref<5120xi32, #tpu.memory_space<vmem>>, vector<16xi32>,
        %get3A_342 = vector.shape_cast %get3A_341 : vector<16xi32> to vector<16xi32>
        %get3A_343 = arith.index_cast %add3A_336 : i32 to index
        %get3A_344 = tpu.vector_load %arg9[%get3A_343] {strides = array<i32>} : memref<5120xi32, #tpu.memory_space<vmem>>, vector<16xi32>,
        %get3A_345 = vector.shape_cast %get3A_344 : vector<16xi32> to vector<16xi32>
        %add3A_346 = arith.constant 4 : i32
        %add3A_347 = vector.broadcast %add3A_346 : i32 to vector<16xi32>
        %add3A_348 = arith.addi %get3A_339, %add3A_347 : vector<16xi32>
        %mul3A_349 = arith.constant 10000 : i32
        %mul3A_350 = vector.broadcast %mul3A_349 : i32 to vector<16xi32>
        %mul3A_351 = arith.muli %add3A_348, %mul3A_350 : vector<16xi32>
        %add3A_352 = arith.addi %mul3A_351, %get3A_342 : vector<16xi32>
        %swap3A_353 = arith.constant 48 : index
        %swap3A_354 = tpu.vector_load %arg12[%swap3A_353] {strides = array<i32>} : memref<128xi32, #tpu.memory_space<vmem>>, vector<16xi32>,
        %swap3A_355 = vector.shape_cast %swap3A_354 : vector<16xi32> to vector<16xi32>
        %swap3A_356 = vector.shape_cast %add3A_352 : vector<16xi32> to vector<16xi32>
        tpu.vector_store %arg12[%swap3A_353], %swap3A_356 {strides = array<i32>} : memref<128xi32, #tpu.memory_space<vmem>>, vector<16xi32>,
        %swap3A_357 = arith.constant 48 : index
        %swap3A_358 = tpu.vector_load %arg14[%swap3A_357] {strides = array<i32>} : memref<128xi32, #tpu.memory_space<vmem>>, vector<16xi32>,
        %swap3A_359 = vector.shape_cast %swap3A_358 : vector<16xi32> to vector<16xi32>
        %swap3A_360 = vector.shape_cast %get3A_345 : vector<16xi32> to vector<16xi32>
        tpu.vector_store %arg14[%swap3A_357], %swap3A_360 {strides = array<i32>} : memref<128xi32, #tpu.memory_space<vmem>>, vector<16xi32>,
        %add3A_361 = arith.constant 64 : i32
        %add3A_362 = arith.addi %mul3A_256, %add3A_361 : i32
        %get3A_363 = arith.index_cast %add3A_362 : i32 to index
        %get3A_364 = tpu.vector_load %arg10[%get3A_363] {strides = array<i32>} : memref<5120xi32, #tpu.memory_space<vmem>>, vector<16xi32>,
        %get3A_365 = vector.shape_cast %get3A_364 : vector<16xi32> to vector<16xi32>
        %get3A_366 = arith.index_cast %add3A_362 : i32 to index
        %get3A_367 = tpu.vector_load %arg8[%get3A_366] {strides = array<i32>} : memref<5120xi32, #tpu.memory_space<vmem>>, vector<16xi32>,
        %get3A_368 = vector.shape_cast %get3A_367 : vector<16xi32> to vector<16xi32>
        %get3A_369 = arith.index_cast %add3A_362 : i32 to index
        %get3A_370 = tpu.vector_load %arg9[%get3A_369] {strides = array<i32>} : memref<5120xi32, #tpu.memory_space<vmem>>, vector<16xi32>,
        %get3A_371 = vector.shape_cast %get3A_370 : vector<16xi32> to vector<16xi32>
        %add3A_372 = arith.constant 4 : i32
        %add3A_373 = vector.broadcast %add3A_372 : i32 to vector<16xi32>
        %add3A_374 = arith.addi %get3A_365, %add3A_373 : vector<16xi32>
        %mul3A_375 = arith.constant 10000 : i32
        %mul3A_376 = vector.broadcast %mul3A_375 : i32 to vector<16xi32>
        %mul3A_377 = arith.muli %add3A_374, %mul3A_376 : vector<16xi32>
        %add3A_378 = arith.addi %mul3A_377, %get3A_368 : vector<16xi32>
        %swap3A_379 = arith.constant 64 : index
        %swap3A_380 = tpu.vector_load %arg12[%swap3A_379] {strides = array<i32>} : memref<128xi32, #tpu.memory_space<vmem>>, vector<16xi32>,
        %swap3A_381 = vector.shape_cast %swap3A_380 : vector<16xi32> to vector<16xi32>
        %swap3A_382 = vector.shape_cast %add3A_378 : vector<16xi32> to vector<16xi32>
        tpu.vector_store %arg12[%swap3A_379], %swap3A_382 {strides = array<i32>} : memref<128xi32, #tpu.memory_space<vmem>>, vector<16xi32>,
        %swap3A_383 = arith.constant 64 : index
        %swap3A_384 = tpu.vector_load %arg14[%swap3A_383] {strides = array<i32>} : memref<128xi32, #tpu.memory_space<vmem>>, vector<16xi32>,
        %swap3A_385 = vector.shape_cast %swap3A_384 : vector<16xi32> to vector<16xi32>
        %swap3A_386 = vector.shape_cast %get3A_371 : vector<16xi32> to vector<16xi32>
        tpu.vector_store %arg14[%swap3A_383], %swap3A_386 {strides = array<i32>} : memref<128xi32, #tpu.memory_space<vmem>>, vector<16xi32>,
        %add3A_387 = arith.constant 80 : i32
        %add3A_388 = arith.addi %mul3A_256, %add3A_387 : i32
        %get3A_389 = arith.index_cast %add3A_388 : i32 to index
        %get3A_390 = tpu.vector_load %arg10[%get3A_389] {strides = array<i32>} : memref<5120xi32, #tpu.memory_space<vmem>>, vector<16xi32>,
        %get3A_391 = vector.shape_cast %get3A_390 : vector<16xi32> to vector<16xi32>
        %get3A_392 = arith.index_cast %add3A_388 : i32 to index
        %get3A_393 = tpu.vector_load %arg8[%get3A_392] {strides = array<i32>} : memref<5120xi32, #tpu.memory_space<vmem>>, vector<16xi32>,
        %get3A_394 = vector.shape_cast %get3A_393 : vector<16xi32> to vector<16xi32>
        %get3A_395 = arith.index_cast %add3A_388 : i32 to index
        %get3A_396 = tpu.vector_load %arg9[%get3A_395] {strides = array<i32>} : memref<5120xi32, #tpu.memory_space<vmem>>, vector<16xi32>,
        %get3A_397 = vector.shape_cast %get3A_396 : vector<16xi32> to vector<16xi32>
        %add3A_398 = arith.constant 4 : i32
        %add3A_399 = vector.broadcast %add3A_398 : i32 to vector<16xi32>
        %add3A_400 = arith.addi %get3A_391, %add3A_399 : vector<16xi32>
        %mul3A_401 = arith.constant 10000 : i32
        %mul3A_402 = vector.broadcast %mul3A_401 : i32 to vector<16xi32>
        %mul3A_403 = arith.muli %add3A_400, %mul3A_402 : vector<16xi32>
        %add3A_404 = arith.addi %mul3A_403, %get3A_394 : vector<16xi32>
        %swap3A_405 = arith.constant 80 : index
        %swap3A_406 = tpu.vector_load %arg12[%swap3A_405] {strides = array<i32>} : memref<128xi32, #tpu.memory_space<vmem>>, vector<16xi32>,
        %swap3A_407 = vector.shape_cast %swap3A_406 : vector<16xi32> to vector<16xi32>
        %swap3A_408 = vector.shape_cast %add3A_404 : vector<16xi32> to vector<16xi32>
        tpu.vector_store %arg12[%swap3A_405], %swap3A_408 {strides = array<i32>} : memref<128xi32, #tpu.memory_space<vmem>>, vector<16xi32>,
        %swap3A_409 = arith.constant 80 : index
        %swap3A_410 = tpu.vector_load %arg14[%swap3A_409] {strides = array<i32>} : memref<128xi32, #tpu.memory_space<vmem>>, vector<16xi32>,
        %swap3A_411 = vector.shape_cast %swap3A_410 : vector<16xi32> to vector<16xi32>
        %swap3A_412 = vector.shape_cast %get3A_397 : vector<16xi32> to vector<16xi32>
        tpu.vector_store %arg14[%swap3A_409], %swap3A_412 {strides = array<i32>} : memref<128xi32, #tpu.memory_space<vmem>>, vector<16xi32>,
        %add3A_413 = arith.constant 96 : i32
        %add3A_414 = arith.addi %mul3A_256, %add3A_413 : i32
        %get3A_415 = arith.index_cast %add3A_414 : i32 to index
        %get3A_416 = tpu.vector_load %arg10[%get3A_415] {strides = array<i32>} : memref<5120xi32, #tpu.memory_space<vmem>>, vector<16xi32>,
        %get3A_417 = vector.shape_cast %get3A_416 : vector<16xi32> to vector<16xi32>
        %get3A_418 = arith.index_cast %add3A_414 : i32 to index
        %get3A_419 = tpu.vector_load %arg8[%get3A_418] {strides = array<i32>} : memref<5120xi32, #tpu.memory_space<vmem>>, vector<16xi32>,
        %get3A_420 = vector.shape_cast %get3A_419 : vector<16xi32> to vector<16xi32>
        %get3A_421 = arith.index_cast %add3A_414 : i32 to index
        %get3A_422 = tpu.vector_load %arg9[%get3A_421] {strides = array<i32>} : memref<5120xi32, #tpu.memory_space<vmem>>, vector<16xi32>,
        %get3A_423 = vector.shape_cast %get3A_422 : vector<16xi32> to vector<16xi32>
        %add3A_424 = arith.constant 4 : i32
        %add3A_425 = vector.broadcast %add3A_424 : i32 to vector<16xi32>
        %add3A_426 = arith.addi %get3A_417, %add3A_425 : vector<16xi32>
        %mul3A_427 = arith.constant 10000 : i32
        %mul3A_428 = vector.broadcast %mul3A_427 : i32 to vector<16xi32>
        %mul3A_429 = arith.muli %add3A_426, %mul3A_428 : vector<16xi32>
        %add3A_430 = arith.addi %mul3A_429, %get3A_420 : vector<16xi32>
        %swap3A_431 = arith.constant 96 : index
        %swap3A_432 = tpu.vector_load %arg12[%swap3A_431] {strides = array<i32>} : memref<128xi32, #tpu.memory_space<vmem>>, vector<16xi32>,
        %swap3A_433 = vector.shape_cast %swap3A_432 : vector<16xi32> to vector<16xi32>
        %swap3A_434 = vector.shape_cast %add3A_430 : vector<16xi32> to vector<16xi32>
        tpu.vector_store %arg12[%swap3A_431], %swap3A_434 {strides = array<i32>} : memref<128xi32, #tpu.memory_space<vmem>>, vector<16xi32>,
        %swap3A_435 = arith.constant 96 : index
        %swap3A_436 = tpu.vector_load %arg14[%swap3A_435] {strides = array<i32>} : memref<128xi32, #tpu.memory_space<vmem>>, vector<16xi32>,
        %swap3A_437 = vector.shape_cast %swap3A_436 : vector<16xi32> to vector<16xi32>
        %swap3A_438 = vector.shape_cast %get3A_423 : vector<16xi32> to vector<16xi32>
        tpu.vector_store %arg14[%swap3A_435], %swap3A_438 {strides = array<i32>} : memref<128xi32, #tpu.memory_space<vmem>>, vector<16xi32>,
        %add3A_439 = arith.constant 112 : i32
        %add3A_440 = arith.addi %mul3A_256, %add3A_439 : i32
        %get3A_441 = arith.index_cast %add3A_440 : i32 to index
        %get3A_442 = tpu.vector_load %arg10[%get3A_441] {strides = array<i32>} : memref<5120xi32, #tpu.memory_space<vmem>>, vector<16xi32>,
        %get3A_443 = vector.shape_cast %get3A_442 : vector<16xi32> to vector<16xi32>
        %get3A_444 = arith.index_cast %add3A_440 : i32 to index
        %get3A_445 = tpu.vector_load %arg8[%get3A_444] {strides = array<i32>} : memref<5120xi32, #tpu.memory_space<vmem>>, vector<16xi32>,
        %get3A_446 = vector.shape_cast %get3A_445 : vector<16xi32> to vector<16xi32>
        %get3A_447 = arith.index_cast %add3A_440 : i32 to index
        %get3A_448 = tpu.vector_load %arg9[%get3A_447] {strides = array<i32>} : memref<5120xi32, #tpu.memory_space<vmem>>, vector<16xi32>,
        %get3A_449 = vector.shape_cast %get3A_448 : vector<16xi32> to vector<16xi32>
        %add3A_450 = arith.constant 4 : i32
        %add3A_451 = vector.broadcast %add3A_450 : i32 to vector<16xi32>
        %add3A_452 = arith.addi %get3A_443, %add3A_451 : vector<16xi32>
        %mul3A_453 = arith.constant 10000 : i32
        %mul3A_454 = vector.broadcast %mul3A_453 : i32 to vector<16xi32>
        %mul3A_455 = arith.muli %add3A_452, %mul3A_454 : vector<16xi32>
        %add3A_456 = arith.addi %mul3A_455, %get3A_446 : vector<16xi32>
        %swap3A_457 = arith.constant 112 : index
        %swap3A_458 = tpu.vector_load %arg12[%swap3A_457] {strides = array<i32>} : memref<128xi32, #tpu.memory_space<vmem>>, vector<16xi32>,
        %swap3A_459 = vector.shape_cast %swap3A_458 : vector<16xi32> to vector<16xi32>
        %swap3A_460 = vector.shape_cast %add3A_456 : vector<16xi32> to vector<16xi32>
        tpu.vector_store %arg12[%swap3A_457], %swap3A_460 {strides = array<i32>} : memref<128xi32, #tpu.memory_space<vmem>>, vector<16xi32>,
        %swap3A_461 = arith.constant 112 : index
        %swap3A_462 = tpu.vector_load %arg14[%swap3A_461] {strides = array<i32>} : memref<128xi32, #tpu.memory_space<vmem>>, vector<16xi32>,
        %swap3A_463 = vector.shape_cast %swap3A_462 : vector<16xi32> to vector<16xi32>
        %swap3A_464 = vector.shape_cast %get3A_449 : vector<16xi32> to vector<16xi32>
        tpu.vector_store %arg14[%swap3A_461], %swap3A_464 {strides = array<i32>} : memref<128xi32, #tpu.memory_space<vmem>>, vector<16xi32>,
        %dma_start3A_465 = arith.constant 0 : i32
        %dma_start3A_466 = arith.constant 0 : i32
        %dma_start3A_467 = tpu.memref_slice %arg2[%dma_start3A_465, %dma_start3A_466] : memref<80000x128xf32, #tpu.memory_space<hbm>> -> memref<80000x128xf32, #tpu.memory_space<hbm>>
        tpu.enqueue_indirect_dma source(%dma_start3A_467 : memref<80000x128xf32, #tpu.memory_space<hbm>>) target(%arg16 : memref<128x128xf32, #tpu.memory_space<vmem>>) offsets(%arg12 : memref<128xi32, #tpu.memory_space<vmem>>) semaphore(%arg18 : memref<!tpu.dma_semaphore, #tpu.memory_space<semaphore_mem>>)
      } else {
      }
      %lt3A_228 = arith.cmpi slt, %add3A_216, %mul3A_22 : i32
      %convert_element_type3A_229 = arith.extui %lt3A_228 : i1 to i32
      %cond3A_230 = arith.constant 0 : i32
      %cond3A_231 = arith.cmpi ne, %convert_element_type3A_229, %cond3A_230 : i32
      scf.if %cond3A_231 {
        %dma_wait3A_253 = arith.constant 0 : i32
        %dma_wait3A_254 = arith.constant 0 : i32
        %dma_wait3A_255 = tpu.memref_slice %arg2[%dma_wait3A_253, %dma_wait3A_254] : memref<80000x128xf32, #tpu.memory_space<hbm>> -> memref<80000x128xf32, #tpu.memory_space<hbm>>
        tpu.wait_indirect_dma semaphore(%arg18 : memref<!tpu.dma_semaphore, #tpu.memory_space<semaphore_mem>>) src(%dma_wait3A_255 : memref<80000x128xf32, #tpu.memory_space<hbm>>) dst(%arg15 : memref<128x128xf32, #tpu.memory_space<vmem>>)
        %dma_start3A_256 = arith.constant 0 : i32
        %dma_start3A_257 = arith.constant 0 : i32
        %dma_start3A_258 = tpu.memref_slice %arg17[%dma_start3A_256, %dma_start3A_257] : memref<10000x128xf32, #tpu.memory_space<vmem_shared>> -> memref<10000x128xf32, #tpu.memory_space<vmem_shared>>
        tpu.enqueue_indirect_dma source(%arg15 : memref<128x128xf32, #tpu.memory_space<vmem>>) target(%dma_start3A_258 : memref<10000x128xf32, #tpu.memory_space<vmem_shared>>) offsets(%arg13 : memref<128xi32, #tpu.memory_space<vmem>>) semaphore(%arg19 : memref<!tpu.dma_semaphore, #tpu.memory_space<semaphore_mem>>) {add = true}
      } else {
      }
      %mul3A_232 = arith.constant 2 : i32
      %mul3A_233 = arith.muli %mul3A_232, %scan3A_212 : i32
      %add3A_234 = arith.constant 1 : i32
      %add3A_235 = arith.addi %mul3A_233, %add3A_234 : i32
      %add3A_236 = arith.constant 1 : i32
      %add3A_237 = arith.addi %add3A_235, %add3A_236 : i32
      %lt3A_238 = arith.cmpi slt, %add3A_237, %mul3A_22 : i32
      %ge3A_239 = arith.constant 2 : i32
      %ge3A_240 = arith.cmpi sge, %add3A_237, %ge3A_239 : i32
      %and3A_241 = arith.andi %lt3A_238, %ge3A_240 : i1
      %convert_element_type3A_242 = arith.extui %and3A_241 : i1 to i32
      %cond3A_243 = arith.constant 0 : i32
      %cond3A_244 = arith.cmpi ne, %convert_element_type3A_242, %cond3A_243 : i32
      scf.if %cond3A_244 {
        %dma_wait3A_253 = arith.constant 0 : i32
        %dma_wait3A_254 = arith.constant 0 : i32
        %dma_wait3A_255 = tpu.memref_slice %arg17[%dma_wait3A_253, %dma_wait3A_254] : memref<10000x128xf32, #tpu.memory_space<vmem_shared>> -> memref<10000x128xf32, #tpu.memory_space<vmem_shared>>
        tpu.wait_indirect_dma semaphore(%arg19 : memref<!tpu.dma_semaphore, #tpu.memory_space<semaphore_mem>>) src(%arg15 : memref<128x128xf32, #tpu.memory_space<vmem>>) dst(%dma_wait3A_255 : memref<10000x128xf32, #tpu.memory_space<vmem_shared>>)
      } else {
      }
      %lt3A_245 = arith.cmpi slt, %add3A_237, %mul3A_22 : i32
      %convert_element_type3A_246 = arith.extui %lt3A_245 : i1 to i32
      %cond3A_247 = arith.constant 0 : i32
      %cond3A_248 = arith.cmpi ne, %convert_element_type3A_246, %cond3A_247 : i32
      scf.if %cond3A_248 {
        %add3A_253 = arith.constant 1 : i32
        %add3A_254 = arith.addi %scan3A_212, %add3A_253 : i32
        %mul3A_255 = arith.constant 128 : i32
        %mul3A_256 = arith.muli %add3A_254, %mul3A_255 : i32
        %add3A_257 = arith.constant 0 : i32
        %add3A_258 = arith.addi %mul3A_256, %add3A_257 : i32
        %get3A_259 = arith.index_cast %add3A_258 : i32 to index
        %get3A_260 = tpu.vector_load %arg10[%get3A_259] {strides = array<i32>} : memref<5120xi32, #tpu.memory_space<vmem>>, vector<16xi32>,
        %get3A_261 = vector.shape_cast %get3A_260 : vector<16xi32> to vector<16xi32>
        %get3A_262 = arith.index_cast %add3A_258 : i32 to index
        %get3A_263 = tpu.vector_load %arg8[%get3A_262] {strides = array<i32>} : memref<5120xi32, #tpu.memory_space<vmem>>, vector<16xi32>,
        %get3A_264 = vector.shape_cast %get3A_263 : vector<16xi32> to vector<16xi32>
        %get3A_265 = arith.index_cast %add3A_258 : i32 to index
        %get3A_266 = tpu.vector_load %arg9[%get3A_265] {strides = array<i32>} : memref<5120xi32, #tpu.memory_space<vmem>>, vector<16xi32>,
        %get3A_267 = vector.shape_cast %get3A_266 : vector<16xi32> to vector<16xi32>
        %mul3A_268 = arith.constant 10000 : i32
        %mul3A_269 = vector.broadcast %mul3A_268 : i32 to vector<16xi32>
        %mul3A_270 = arith.muli %get3A_261, %mul3A_269 : vector<16xi32>
        %add3A_271 = arith.addi %mul3A_270, %get3A_267 : vector<16xi32>
        %swap3A_272 = arith.constant 0 : index
        %swap3A_273 = tpu.vector_load %arg11[%swap3A_272] {strides = array<i32>} : memref<128xi32, #tpu.memory_space<vmem>>, vector<16xi32>,
        %swap3A_274 = vector.shape_cast %swap3A_273 : vector<16xi32> to vector<16xi32>
        %swap3A_275 = vector.shape_cast %add3A_271 : vector<16xi32> to vector<16xi32>
        tpu.vector_store %arg11[%swap3A_272], %swap3A_275 {strides = array<i32>} : memref<128xi32, #tpu.memory_space<vmem>>, vector<16xi32>,
        %swap3A_276 = arith.constant 0 : index
        %swap3A_277 = tpu.vector_load %arg13[%swap3A_276] {strides = array<i32>} : memref<128xi32, #tpu.memory_space<vmem>>, vector<16xi32>,
        %swap3A_278 = vector.shape_cast %swap3A_277 : vector<16xi32> to vector<16xi32>
        %swap3A_279 = vector.shape_cast %get3A_264 : vector<16xi32> to vector<16xi32>
        tpu.vector_store %arg13[%swap3A_276], %swap3A_279 {strides = array<i32>} : memref<128xi32, #tpu.memory_space<vmem>>, vector<16xi32>,
        %add3A_280 = arith.constant 16 : i32
        %add3A_281 = arith.addi %mul3A_256, %add3A_280 : i32
        %get3A_282 = arith.index_cast %add3A_281 : i32 to index
        %get3A_283 = tpu.vector_load %arg10[%get3A_282] {strides = array<i32>} : memref<5120xi32, #tpu.memory_space<vmem>>, vector<16xi32>,
        %get3A_284 = vector.shape_cast %get3A_283 : vector<16xi32> to vector<16xi32>
        %get3A_285 = arith.index_cast %add3A_281 : i32 to index
        %get3A_286 = tpu.vector_load %arg8[%get3A_285] {strides = array<i32>} : memref<5120xi32, #tpu.memory_space<vmem>>, vector<16xi32>,
        %get3A_287 = vector.shape_cast %get3A_286 : vector<16xi32> to vector<16xi32>
        %get3A_288 = arith.index_cast %add3A_281 : i32 to index
        %get3A_289 = tpu.vector_load %arg9[%get3A_288] {strides = array<i32>} : memref<5120xi32, #tpu.memory_space<vmem>>, vector<16xi32>,
        %get3A_290 = vector.shape_cast %get3A_289 : vector<16xi32> to vector<16xi32>
        %mul3A_291 = arith.constant 10000 : i32
        %mul3A_292 = vector.broadcast %mul3A_291 : i32 to vector<16xi32>
        %mul3A_293 = arith.muli %get3A_284, %mul3A_292 : vector<16xi32>
        %add3A_294 = arith.addi %mul3A_293, %get3A_290 : vector<16xi32>
        %swap3A_295 = arith.constant 16 : index
        %swap3A_296 = tpu.vector_load %arg11[%swap3A_295] {strides = array<i32>} : memref<128xi32, #tpu.memory_space<vmem>>, vector<16xi32>,
        %swap3A_297 = vector.shape_cast %swap3A_296 : vector<16xi32> to vector<16xi32>
        %swap3A_298 = vector.shape_cast %add3A_294 : vector<16xi32> to vector<16xi32>
        tpu.vector_store %arg11[%swap3A_295], %swap3A_298 {strides = array<i32>} : memref<128xi32, #tpu.memory_space<vmem>>, vector<16xi32>,
        %swap3A_299 = arith.constant 16 : index
        %swap3A_300 = tpu.vector_load %arg13[%swap3A_299] {strides = array<i32>} : memref<128xi32, #tpu.memory_space<vmem>>, vector<16xi32>,
        %swap3A_301 = vector.shape_cast %swap3A_300 : vector<16xi32> to vector<16xi32>
        %swap3A_302 = vector.shape_cast %get3A_287 : vector<16xi32> to vector<16xi32>
        tpu.vector_store %arg13[%swap3A_299], %swap3A_302 {strides = array<i32>} : memref<128xi32, #tpu.memory_space<vmem>>, vector<16xi32>,
        %add3A_303 = arith.constant 32 : i32
        %add3A_304 = arith.addi %mul3A_256, %add3A_303 : i32
        %get3A_305 = arith.index_cast %add3A_304 : i32 to index
        %get3A_306 = tpu.vector_load %arg10[%get3A_305] {strides = array<i32>} : memref<5120xi32, #tpu.memory_space<vmem>>, vector<16xi32>,
        %get3A_307 = vector.shape_cast %get3A_306 : vector<16xi32> to vector<16xi32>
        %get3A_308 = arith.index_cast %add3A_304 : i32 to index
        %get3A_309 = tpu.vector_load %arg8[%get3A_308] {strides = array<i32>} : memref<5120xi32, #tpu.memory_space<vmem>>, vector<16xi32>,
        %get3A_310 = vector.shape_cast %get3A_309 : vector<16xi32> to vector<16xi32>
        %get3A_311 = arith.index_cast %add3A_304 : i32 to index
        %get3A_312 = tpu.vector_load %arg9[%get3A_311] {strides = array<i32>} : memref<5120xi32, #tpu.memory_space<vmem>>, vector<16xi32>,
        %get3A_313 = vector.shape_cast %get3A_312 : vector<16xi32> to vector<16xi32>
        %mul3A_314 = arith.constant 10000 : i32
        %mul3A_315 = vector.broadcast %mul3A_314 : i32 to vector<16xi32>
        %mul3A_316 = arith.muli %get3A_307, %mul3A_315 : vector<16xi32>
        %add3A_317 = arith.addi %mul3A_316, %get3A_313 : vector<16xi32>
        %swap3A_318 = arith.constant 32 : index
        %swap3A_319 = tpu.vector_load %arg11[%swap3A_318] {strides = array<i32>} : memref<128xi32, #tpu.memory_space<vmem>>, vector<16xi32>,
        %swap3A_320 = vector.shape_cast %swap3A_319 : vector<16xi32> to vector<16xi32>
        %swap3A_321 = vector.shape_cast %add3A_317 : vector<16xi32> to vector<16xi32>
        tpu.vector_store %arg11[%swap3A_318], %swap3A_321 {strides = array<i32>} : memref<128xi32, #tpu.memory_space<vmem>>, vector<16xi32>,
        %swap3A_322 = arith.constant 32 : index
        %swap3A_323 = tpu.vector_load %arg13[%swap3A_322] {strides = array<i32>} : memref<128xi32, #tpu.memory_space<vmem>>, vector<16xi32>,
        %swap3A_324 = vector.shape_cast %swap3A_323 : vector<16xi32> to vector<16xi32>
        %swap3A_325 = vector.shape_cast %get3A_310 : vector<16xi32> to vector<16xi32>
        tpu.vector_store %arg13[%swap3A_322], %swap3A_325 {strides = array<i32>} : memref<128xi32, #tpu.memory_space<vmem>>, vector<16xi32>,
        %add3A_326 = arith.constant 48 : i32
        %add3A_327 = arith.addi %mul3A_256, %add3A_326 : i32
        %get3A_328 = arith.index_cast %add3A_327 : i32 to index
        %get3A_329 = tpu.vector_load %arg10[%get3A_328] {strides = array<i32>} : memref<5120xi32, #tpu.memory_space<vmem>>, vector<16xi32>,
        %get3A_330 = vector.shape_cast %get3A_329 : vector<16xi32> to vector<16xi32>
        %get3A_331 = arith.index_cast %add3A_327 : i32 to index
        %get3A_332 = tpu.vector_load %arg8[%get3A_331] {strides = array<i32>} : memref<5120xi32, #tpu.memory_space<vmem>>, vector<16xi32>,
        %get3A_333 = vector.shape_cast %get3A_332 : vector<16xi32> to vector<16xi32>
        %get3A_334 = arith.index_cast %add3A_327 : i32 to index
        %get3A_335 = tpu.vector_load %arg9[%get3A_334] {strides = array<i32>} : memref<5120xi32, #tpu.memory_space<vmem>>, vector<16xi32>,
        %get3A_336 = vector.shape_cast %get3A_335 : vector<16xi32> to vector<16xi32>
        %mul3A_337 = arith.constant 10000 : i32
        %mul3A_338 = vector.broadcast %mul3A_337 : i32 to vector<16xi32>
        %mul3A_339 = arith.muli %get3A_330, %mul3A_338 : vector<16xi32>
        %add3A_340 = arith.addi %mul3A_339, %get3A_336 : vector<16xi32>
        %swap3A_341 = arith.constant 48 : index
        %swap3A_342 = tpu.vector_load %arg11[%swap3A_341] {strides = array<i32>} : memref<128xi32, #tpu.memory_space<vmem>>, vector<16xi32>,
        %swap3A_343 = vector.shape_cast %swap3A_342 : vector<16xi32> to vector<16xi32>
        %swap3A_344 = vector.shape_cast %add3A_340 : vector<16xi32> to vector<16xi32>
        tpu.vector_store %arg11[%swap3A_341], %swap3A_344 {strides = array<i32>} : memref<128xi32, #tpu.memory_space<vmem>>, vector<16xi32>,
        %swap3A_345 = arith.constant 48 : index
        %swap3A_346 = tpu.vector_load %arg13[%swap3A_345] {strides = array<i32>} : memref<128xi32, #tpu.memory_space<vmem>>, vector<16xi32>,
        %swap3A_347 = vector.shape_cast %swap3A_346 : vector<16xi32> to vector<16xi32>
        %swap3A_348 = vector.shape_cast %get3A_333 : vector<16xi32> to vector<16xi32>
        tpu.vector_store %arg13[%swap3A_345], %swap3A_348 {strides = array<i32>} : memref<128xi32, #tpu.memory_space<vmem>>, vector<16xi32>,
        %add3A_349 = arith.constant 64 : i32
        %add3A_350 = arith.addi %mul3A_256, %add3A_349 : i32
        %get3A_351 = arith.index_cast %add3A_350 : i32 to index
        %get3A_352 = tpu.vector_load %arg10[%get3A_351] {strides = array<i32>} : memref<5120xi32, #tpu.memory_space<vmem>>, vector<16xi32>,
        %get3A_353 = vector.shape_cast %get3A_352 : vector<16xi32> to vector<16xi32>
        %get3A_354 = arith.index_cast %add3A_350 : i32 to index
        %get3A_355 = tpu.vector_load %arg8[%get3A_354] {strides = array<i32>} : memref<5120xi32, #tpu.memory_space<vmem>>, vector<16xi32>,
        %get3A_356 = vector.shape_cast %get3A_355 : vector<16xi32> to vector<16xi32>
        %get3A_357 = arith.index_cast %add3A_350 : i32 to index
        %get3A_358 = tpu.vector_load %arg9[%get3A_357] {strides = array<i32>} : memref<5120xi32, #tpu.memory_space<vmem>>, vector<16xi32>,
        %get3A_359 = vector.shape_cast %get3A_358 : vector<16xi32> to vector<16xi32>
        %mul3A_360 = arith.constant 10000 : i32
        %mul3A_361 = vector.broadcast %mul3A_360 : i32 to vector<16xi32>
        %mul3A_362 = arith.muli %get3A_353, %mul3A_361 : vector<16xi32>
        %add3A_363 = arith.addi %mul3A_362, %get3A_359 : vector<16xi32>
        %swap3A_364 = arith.constant 64 : index
        %swap3A_365 = tpu.vector_load %arg11[%swap3A_364] {strides = array<i32>} : memref<128xi32, #tpu.memory_space<vmem>>, vector<16xi32>,
        %swap3A_366 = vector.shape_cast %swap3A_365 : vector<16xi32> to vector<16xi32>
        %swap3A_367 = vector.shape_cast %add3A_363 : vector<16xi32> to vector<16xi32>
        tpu.vector_store %arg11[%swap3A_364], %swap3A_367 {strides = array<i32>} : memref<128xi32, #tpu.memory_space<vmem>>, vector<16xi32>,
        %swap3A_368 = arith.constant 64 : index
        %swap3A_369 = tpu.vector_load %arg13[%swap3A_368] {strides = array<i32>} : memref<128xi32, #tpu.memory_space<vmem>>, vector<16xi32>,
        %swap3A_370 = vector.shape_cast %swap3A_369 : vector<16xi32> to vector<16xi32>
        %swap3A_371 = vector.shape_cast %get3A_356 : vector<16xi32> to vector<16xi32>
        tpu.vector_store %arg13[%swap3A_368], %swap3A_371 {strides = array<i32>} : memref<128xi32, #tpu.memory_space<vmem>>, vector<16xi32>,
        %add3A_372 = arith.constant 80 : i32
        %add3A_373 = arith.addi %mul3A_256, %add3A_372 : i32
        %get3A_374 = arith.index_cast %add3A_373 : i32 to index
        %get3A_375 = tpu.vector_load %arg10[%get3A_374] {strides = array<i32>} : memref<5120xi32, #tpu.memory_space<vmem>>, vector<16xi32>,
        %get3A_376 = vector.shape_cast %get3A_375 : vector<16xi32> to vector<16xi32>
        %get3A_377 = arith.index_cast %add3A_373 : i32 to index
        %get3A_378 = tpu.vector_load %arg8[%get3A_377] {strides = array<i32>} : memref<5120xi32, #tpu.memory_space<vmem>>, vector<16xi32>,
        %get3A_379 = vector.shape_cast %get3A_378 : vector<16xi32> to vector<16xi32>
        %get3A_380 = arith.index_cast %add3A_373 : i32 to index
        %get3A_381 = tpu.vector_load %arg9[%get3A_380] {strides = array<i32>} : memref<5120xi32, #tpu.memory_space<vmem>>, vector<16xi32>,
        %get3A_382 = vector.shape_cast %get3A_381 : vector<16xi32> to vector<16xi32>
        %mul3A_383 = arith.constant 10000 : i32
        %mul3A_384 = vector.broadcast %mul3A_383 : i32 to vector<16xi32>
        %mul3A_385 = arith.muli %get3A_376, %mul3A_384 : vector<16xi32>
        %add3A_386 = arith.addi %mul3A_385, %get3A_382 : vector<16xi32>
        %swap3A_387 = arith.constant 80 : index
        %swap3A_388 = tpu.vector_load %arg11[%swap3A_387] {strides = array<i32>} : memref<128xi32, #tpu.memory_space<vmem>>, vector<16xi32>,
        %swap3A_389 = vector.shape_cast %swap3A_388 : vector<16xi32> to vector<16xi32>
        %swap3A_390 = vector.shape_cast %add3A_386 : vector<16xi32> to vector<16xi32>
        tpu.vector_store %arg11[%swap3A_387], %swap3A_390 {strides = array<i32>} : memref<128xi32, #tpu.memory_space<vmem>>, vector<16xi32>,
        %swap3A_391 = arith.constant 80 : index
        %swap3A_392 = tpu.vector_load %arg13[%swap3A_391] {strides = array<i32>} : memref<128xi32, #tpu.memory_space<vmem>>, vector<16xi32>,
        %swap3A_393 = vector.shape_cast %swap3A_392 : vector<16xi32> to vector<16xi32>
        %swap3A_394 = vector.shape_cast %get3A_379 : vector<16xi32> to vector<16xi32>
        tpu.vector_store %arg13[%swap3A_391], %swap3A_394 {strides = array<i32>} : memref<128xi32, #tpu.memory_space<vmem>>, vector<16xi32>,
        %add3A_395 = arith.constant 96 : i32
        %add3A_396 = arith.addi %mul3A_256, %add3A_395 : i32
        %get3A_397 = arith.index_cast %add3A_396 : i32 to index
        %get3A_398 = tpu.vector_load %arg10[%get3A_397] {strides = array<i32>} : memref<5120xi32, #tpu.memory_space<vmem>>, vector<16xi32>,
        %get3A_399 = vector.shape_cast %get3A_398 : vector<16xi32> to vector<16xi32>
        %get3A_400 = arith.index_cast %add3A_396 : i32 to index
        %get3A_401 = tpu.vector_load %arg8[%get3A_400] {strides = array<i32>} : memref<5120xi32, #tpu.memory_space<vmem>>, vector<16xi32>,
        %get3A_402 = vector.shape_cast %get3A_401 : vector<16xi32> to vector<16xi32>
        %get3A_403 = arith.index_cast %add3A_396 : i32 to index
        %get3A_404 = tpu.vector_load %arg9[%get3A_403] {strides = array<i32>} : memref<5120xi32, #tpu.memory_space<vmem>>, vector<16xi32>,
        %get3A_405 = vector.shape_cast %get3A_404 : vector<16xi32> to vector<16xi32>
        %mul3A_406 = arith.constant 10000 : i32
        %mul3A_407 = vector.broadcast %mul3A_406 : i32 to vector<16xi32>
        %mul3A_408 = arith.muli %get3A_399, %mul3A_407 : vector<16xi32>
        %add3A_409 = arith.addi %mul3A_408, %get3A_405 : vector<16xi32>
        %swap3A_410 = arith.constant 96 : index
        %swap3A_411 = tpu.vector_load %arg11[%swap3A_410] {strides = array<i32>} : memref<128xi32, #tpu.memory_space<vmem>>, vector<16xi32>,
        %swap3A_412 = vector.shape_cast %swap3A_411 : vector<16xi32> to vector<16xi32>
        %swap3A_413 = vector.shape_cast %add3A_409 : vector<16xi32> to vector<16xi32>
        tpu.vector_store %arg11[%swap3A_410], %swap3A_413 {strides = array<i32>} : memref<128xi32, #tpu.memory_space<vmem>>, vector<16xi32>,
        %swap3A_414 = arith.constant 96 : index
        %swap3A_415 = tpu.vector_load %arg13[%swap3A_414] {strides = array<i32>} : memref<128xi32, #tpu.memory_space<vmem>>, vector<16xi32>,
        %swap3A_416 = vector.shape_cast %swap3A_415 : vector<16xi32> to vector<16xi32>
        %swap3A_417 = vector.shape_cast %get3A_402 : vector<16xi32> to vector<16xi32>
        tpu.vector_store %arg13[%swap3A_414], %swap3A_417 {strides = array<i32>} : memref<128xi32, #tpu.memory_space<vmem>>, vector<16xi32>,
        %add3A_418 = arith.constant 112 : i32
        %add3A_419 = arith.addi %mul3A_256, %add3A_418 : i32
        %get3A_420 = arith.index_cast %add3A_419 : i32 to index
        %get3A_421 = tpu.vector_load %arg10[%get3A_420] {strides = array<i32>} : memref<5120xi32, #tpu.memory_space<vmem>>, vector<16xi32>,
        %get3A_422 = vector.shape_cast %get3A_421 : vector<16xi32> to vector<16xi32>
        %get3A_423 = arith.index_cast %add3A_419 : i32 to index
        %get3A_424 = tpu.vector_load %arg8[%get3A_423] {strides = array<i32>} : memref<5120xi32, #tpu.memory_space<vmem>>, vector<16xi32>,
        %get3A_425 = vector.shape_cast %get3A_424 : vector<16xi32> to vector<16xi32>
        %get3A_426 = arith.index_cast %add3A_419 : i32 to index
        %get3A_427 = tpu.vector_load %arg9[%get3A_426] {strides = array<i32>} : memref<5120xi32, #tpu.memory_space<vmem>>, vector<16xi32>,
        %get3A_428 = vector.shape_cast %get3A_427 : vector<16xi32> to vector<16xi32>
        %mul3A_429 = arith.constant 10000 : i32
        %mul3A_430 = vector.broadcast %mul3A_429 : i32 to vector<16xi32>
        %mul3A_431 = arith.muli %get3A_422, %mul3A_430 : vector<16xi32>
        %add3A_432 = arith.addi %mul3A_431, %get3A_428 : vector<16xi32>
        %swap3A_433 = arith.constant 112 : index
        %swap3A_434 = tpu.vector_load %arg11[%swap3A_433] {strides = array<i32>} : memref<128xi32, #tpu.memory_space<vmem>>, vector<16xi32>,
        %swap3A_435 = vector.shape_cast %swap3A_434 : vector<16xi32> to vector<16xi32>
        %swap3A_436 = vector.shape_cast %add3A_432 : vector<16xi32> to vector<16xi32>
        tpu.vector_store %arg11[%swap3A_433], %swap3A_436 {strides = array<i32>} : memref<128xi32, #tpu.memory_space<vmem>>, vector<16xi32>,
        %swap3A_437 = arith.constant 112 : index
        %swap3A_438 = tpu.vector_load %arg13[%swap3A_437] {strides = array<i32>} : memref<128xi32, #tpu.memory_space<vmem>>, vector<16xi32>,
        %swap3A_439 = vector.shape_cast %swap3A_438 : vector<16xi32> to vector<16xi32>
        %swap3A_440 = vector.shape_cast %get3A_425 : vector<16xi32> to vector<16xi32>
        tpu.vector_store %arg13[%swap3A_437], %swap3A_440 {strides = array<i32>} : memref<128xi32, #tpu.memory_space<vmem>>, vector<16xi32>,
        %dma_start3A_441 = arith.constant 0 : i32
        %dma_start3A_442 = arith.constant 0 : i32
        %dma_start3A_443 = tpu.memref_slice %arg2[%dma_start3A_441, %dma_start3A_442] : memref<80000x128xf32, #tpu.memory_space<hbm>> -> memref<80000x128xf32, #tpu.memory_space<hbm>>
        tpu.enqueue_indirect_dma source(%dma_start3A_443 : memref<80000x128xf32, #tpu.memory_space<hbm>>) target(%arg15 : memref<128x128xf32, #tpu.memory_space<vmem>>) offsets(%arg11 : memref<128xi32, #tpu.memory_space<vmem>>) semaphore(%arg18 : memref<!tpu.dma_semaphore, #tpu.memory_space<semaphore_mem>>)
      } else {
      }
      %lt3A_249 = arith.cmpi slt, %add3A_235, %mul3A_22 : i32
      %convert_element_type3A_250 = arith.extui %lt3A_249 : i1 to i32
      %cond3A_251 = arith.constant 0 : i32
      %cond3A_252 = arith.cmpi ne, %convert_element_type3A_250, %cond3A_251 : i32
      scf.if %cond3A_252 {
        %dma_wait3A_253 = arith.constant 0 : i32
        %dma_wait3A_254 = arith.constant 0 : i32
        %dma_wait3A_255 = tpu.memref_slice %arg2[%dma_wait3A_253, %dma_wait3A_254] : memref<80000x128xf32, #tpu.memory_space<hbm>> -> memref<80000x128xf32, #tpu.memory_space<hbm>>
        tpu.wait_indirect_dma semaphore(%arg18 : memref<!tpu.dma_semaphore, #tpu.memory_space<semaphore_mem>>) src(%dma_wait3A_255 : memref<80000x128xf32, #tpu.memory_space<hbm>>) dst(%arg16 : memref<128x128xf32, #tpu.memory_space<vmem>>)
        %dma_start3A_256 = arith.constant 0 : i32
        %dma_start3A_257 = arith.constant 0 : i32
        %dma_start3A_258 = tpu.memref_slice %arg17[%dma_start3A_256, %dma_start3A_257] : memref<10000x128xf32, #tpu.memory_space<vmem_shared>> -> memref<10000x128xf32, #tpu.memory_space<vmem_shared>>
        tpu.enqueue_indirect_dma source(%arg16 : memref<128x128xf32, #tpu.memory_space<vmem>>) target(%dma_start3A_258 : memref<10000x128xf32, #tpu.memory_space<vmem_shared>>) offsets(%arg14 : memref<128xi32, #tpu.memory_space<vmem>>) semaphore(%arg19 : memref<!tpu.dma_semaphore, #tpu.memory_space<semaphore_mem>>) {add = true}
      } else {
      }
    }
    %scan3A_195 = arith.constant 40 : i32
    %dma_wait3A = arith.constant 0 : i32
    %dma_wait3A_196 = arith.constant 0 : i32
    %dma_wait3A_197 = tpu.memref_slice %arg17[%dma_wait3A, %dma_wait3A_196] : memref<10000x128xf32, #tpu.memory_space<vmem_shared>> -> memref<10000x128xf32, #tpu.memory_space<vmem_shared>>
    tpu.wait_indirect_dma semaphore(%arg19 : memref<!tpu.dma_semaphore, #tpu.memory_space<semaphore_mem>>) src(%arg15 : memref<128x128xf32, #tpu.memory_space<vmem>>) dst(%dma_wait3A_197 : memref<10000x128xf32, #tpu.memory_space<vmem_shared>>)
    %dma_wait3A_198 = arith.constant 0 : i32
    %dma_wait3A_199 = arith.constant 0 : i32
    %dma_wait3A_200 = tpu.memref_slice %arg17[%dma_wait3A_198, %dma_wait3A_199] : memref<10000x128xf32, #tpu.memory_space<vmem_shared>> -> memref<10000x128xf32, #tpu.memory_space<vmem_shared>>
    tpu.wait_indirect_dma semaphore(%arg19 : memref<!tpu.dma_semaphore, #tpu.memory_space<semaphore_mem>>) src(%arg16 : memref<128x128xf32, #tpu.memory_space<vmem>>) dst(%dma_wait3A_200 : memref<10000x128xf32, #tpu.memory_space<vmem_shared>>)
    %barrier3A_201 = arith.constant 0 : index
    tpu.barrier barrier_id(%barrier3A_201)
    %eq3A_202 = arith.constant 0 : i32
    %eq3A_203 = arith.cmpi eq, %arg0, %eq3A_202 : i32
    %convert_element_type3A_204 = arith.extui %eq3A_203 : i1 to i32
    %cond3A_205 = arith.constant 0 : i32
    %cond3A_206 = arith.cmpi ne, %convert_element_type3A_204, %cond3A_205 : i32
    scf.if %cond3A_206 {
      "tpu.region"() ({
        %run_scoped3A_217 = tpu.sem_alloc : memref<!tpu.dma_semaphore, #tpu.memory_space<semaphore_mem>>
        %dma_start3A_218 = arith.constant 0 : i32
        %dma_start3A_219 = tpu.memref_slice %arg6[%mul3A_2, %dma_start3A_218] : memref<10000x128xf32, #tpu.memory_space<hbm>> -> memref<624x128xf32, #tpu.memory_space<hbm>>
        %dma_start3A_220 = arith.constant 0 : i32
        %dma_start3A_221 = tpu.memref_slice %arg17[%mul3A_2, %dma_start3A_220] : memref<10000x128xf32, #tpu.memory_space<vmem_shared>> -> memref<624x128xf32, #tpu.memory_space<vmem_shared>>
        tpu.enqueue_dma source(%dma_start3A_221 : memref<624x128xf32, #tpu.memory_space<vmem_shared>>) target(%dma_start3A_219 : memref<624x128xf32, #tpu.memory_space<hbm>>) target_semaphore(%run_scoped3A_217 : memref<!tpu.dma_semaphore, #tpu.memory_space<semaphore_mem>>)
        %dma_wait3A_222 = arith.constant 0 : i32
        %dma_wait3A_223 = tpu.memref_slice %arg6[%mul3A_2, %dma_wait3A_222] : memref<10000x128xf32, #tpu.memory_space<hbm>> -> memref<624x128xf32, #tpu.memory_space<hbm>>
        %dma_wait3A_224 = arith.constant 0 : i32
        %dma_wait3A_225 = tpu.memref_slice %arg17[%mul3A_2, %dma_wait3A_224] : memref<10000x128xf32, #tpu.memory_space<vmem_shared>> -> memref<624x128xf32, #tpu.memory_space<vmem_shared>>
        tpu.wait_dma2 semaphore(%run_scoped3A_217 : memref<!tpu.dma_semaphore, #tpu.memory_space<semaphore_mem>>) src(%dma_wait3A_225 : memref<624x128xf32, #tpu.memory_space<vmem_shared>>) dst(%dma_wait3A_223 : memref<624x128xf32, #tpu.memory_space<hbm>>)
        tpu.yield
      }) : () -> ()
      %eq3A_212 = arith.constant 15 : i32
      %eq3A_213 = arith.cmpi eq, %arg1, %eq3A_212 : i32
      %convert_element_type3A_214 = arith.extui %eq3A_213 : i1 to i32
      %cond3A_215 = arith.constant 0 : i32
      %cond3A_216 = arith.cmpi ne, %convert_element_type3A_214, %cond3A_215 : i32
      scf.if %cond3A_216 {
        "tpu.region"() ({
          %run_scoped3A_217 = tpu.sem_alloc : memref<!tpu.dma_semaphore, #tpu.memory_space<semaphore_mem>>
          %dma_start3A_218 = arith.constant 9984 : i32
          %dma_start3A_219 = arith.constant 0 : i32
          %dma_start3A_220 = tpu.memref_slice %arg6[%dma_start3A_218, %dma_start3A_219] : memref<10000x128xf32, #tpu.memory_space<hbm>> -> memref<16x128xf32, #tpu.memory_space<hbm>>
          %dma_start3A_221 = arith.constant 9984 : i32
          %dma_start3A_222 = arith.constant 0 : i32
          %dma_start3A_223 = tpu.memref_slice %arg17[%dma_start3A_221, %dma_start3A_222] : memref<10000x128xf32, #tpu.memory_space<vmem_shared>> -> memref<16x128xf32, #tpu.memory_space<vmem_shared>>
          tpu.enqueue_dma source(%dma_start3A_223 : memref<16x128xf32, #tpu.memory_space<vmem_shared>>) target(%dma_start3A_220 : memref<16x128xf32, #tpu.memory_space<hbm>>) target_semaphore(%run_scoped3A_217 : memref<!tpu.dma_semaphore, #tpu.memory_space<semaphore_mem>>)
          %dma_wait3A_224 = arith.constant 9984 : i32
          %dma_wait3A_225 = arith.constant 0 : i32
          %dma_wait3A_226 = tpu.memref_slice %arg6[%dma_wait3A_224, %dma_wait3A_225] : memref<10000x128xf32, #tpu.memory_space<hbm>> -> memref<16x128xf32, #tpu.memory_space<hbm>>
          %dma_wait3A_227 = arith.constant 9984 : i32
          %dma_wait3A_228 = arith.constant 0 : i32
          %dma_wait3A_229 = tpu.memref_slice %arg17[%dma_wait3A_227, %dma_wait3A_228] : memref<10000x128xf32, #tpu.memory_space<vmem_shared>> -> memref<16x128xf32, #tpu.memory_space<vmem_shared>>
          tpu.wait_dma2 semaphore(%run_scoped3A_217 : memref<!tpu.dma_semaphore, #tpu.memory_space<semaphore_mem>>) src(%dma_wait3A_229 : memref<16x128xf32, #tpu.memory_space<vmem_shared>>) dst(%dma_wait3A_226 : memref<16x128xf32, #tpu.memory_space<hbm>>)
          tpu.yield
        }) : () -> ()
      } else {
      }
    } else {
    }
    %eq3A_207 = arith.constant 1 : i32
    %eq3A_208 = arith.cmpi eq, %arg0, %eq3A_207 : i32
    %convert_element_type3A_209 = arith.extui %eq3A_208 : i1 to i32
    %cond3A_210 = arith.constant 0 : i32
    %cond3A_211 = arith.cmpi ne, %convert_element_type3A_209, %cond3A_210 : i32
    scf.if %cond3A_211 {
      "tpu.region"() ({
        %run_scoped3A_217 = tpu.sem_alloc : memref<!tpu.dma_semaphore, #tpu.memory_space<semaphore_mem>>
        %dma_start3A_218 = arith.constant 0 : i32
        %dma_start3A_219 = tpu.memref_slice %arg7[%mul3A_2, %dma_start3A_218] : memref<10000x128xf32, #tpu.memory_space<hbm>> -> memref<624x128xf32, #tpu.memory_space<hbm>>
        %dma_start3A_220 = arith.constant 0 : i32
        %dma_start3A_221 = tpu.memref_slice %arg17[%mul3A_2, %dma_start3A_220] : memref<10000x128xf32, #tpu.memory_space<vmem_shared>> -> memref<624x128xf32, #tpu.memory_space<vmem_shared>>
        tpu.enqueue_dma source(%dma_start3A_221 : memref<624x128xf32, #tpu.memory_space<vmem_shared>>) target(%dma_start3A_219 : memref<624x128xf32, #tpu.memory_space<hbm>>) target_semaphore(%run_scoped3A_217 : memref<!tpu.dma_semaphore, #tpu.memory_space<semaphore_mem>>)
        %dma_wait3A_222 = arith.constant 0 : i32
        %dma_wait3A_223 = tpu.memref_slice %arg7[%mul3A_2, %dma_wait3A_222] : memref<10000x128xf32, #tpu.memory_space<hbm>> -> memref<624x128xf32, #tpu.memory_space<hbm>>
        %dma_wait3A_224 = arith.constant 0 : i32
        %dma_wait3A_225 = tpu.memref_slice %arg17[%mul3A_2, %dma_wait3A_224] : memref<10000x128xf32, #tpu.memory_space<vmem_shared>> -> memref<624x128xf32, #tpu.memory_space<vmem_shared>>
        tpu.wait_dma2 semaphore(%run_scoped3A_217 : memref<!tpu.dma_semaphore, #tpu.memory_space<semaphore_mem>>) src(%dma_wait3A_225 : memref<624x128xf32, #tpu.memory_space<vmem_shared>>) dst(%dma_wait3A_223 : memref<624x128xf32, #tpu.memory_space<hbm>>)
        tpu.yield
      }) : () -> ()
      %eq3A_212 = arith.constant 15 : i32
      %eq3A_213 = arith.cmpi eq, %arg1, %eq3A_212 : i32
      %convert_element_type3A_214 = arith.extui %eq3A_213 : i1 to i32
      %cond3A_215 = arith.constant 0 : i32
      %cond3A_216 = arith.cmpi ne, %convert_element_type3A_214, %cond3A_215 : i32
      scf.if %cond3A_216 {
        "tpu.region"() ({
          %run_scoped3A_217 = tpu.sem_alloc : memref<!tpu.dma_semaphore, #tpu.memory_space<semaphore_mem>>
          %dma_start3A_218 = arith.constant 9984 : i32
          %dma_start3A_219 = arith.constant 0 : i32
          %dma_start3A_220 = tpu.memref_slice %arg7[%dma_start3A_218, %dma_start3A_219] : memref<10000x128xf32, #tpu.memory_space<hbm>> -> memref<16x128xf32, #tpu.memory_space<hbm>>
          %dma_start3A_221 = arith.constant 9984 : i32
          %dma_start3A_222 = arith.constant 0 : i32
          %dma_start3A_223 = tpu.memref_slice %arg17[%dma_start3A_221, %dma_start3A_222] : memref<10000x128xf32, #tpu.memory_space<vmem_shared>> -> memref<16x128xf32, #tpu.memory_space<vmem_shared>>
          tpu.enqueue_dma source(%dma_start3A_223 : memref<16x128xf32, #tpu.memory_space<vmem_shared>>) target(%dma_start3A_220 : memref<16x128xf32, #tpu.memory_space<hbm>>) target_semaphore(%run_scoped3A_217 : memref<!tpu.dma_semaphore, #tpu.memory_space<semaphore_mem>>)
          %dma_wait3A_224 = arith.constant 9984 : i32
          %dma_wait3A_225 = arith.constant 0 : i32
          %dma_wait3A_226 = tpu.memref_slice %arg7[%dma_wait3A_224, %dma_wait3A_225] : memref<10000x128xf32, #tpu.memory_space<hbm>> -> memref<16x128xf32, #tpu.memory_space<hbm>>
          %dma_wait3A_227 = arith.constant 9984 : i32
          %dma_wait3A_228 = arith.constant 0 : i32
          %dma_wait3A_229 = tpu.memref_slice %arg17[%dma_wait3A_227, %dma_wait3A_228] : memref<10000x128xf32, #tpu.memory_space<vmem_shared>> -> memref<16x128xf32, #tpu.memory_space<vmem_shared>>
          tpu.wait_dma2 semaphore(%run_scoped3A_217 : memref<!tpu.dma_semaphore, #tpu.memory_space<semaphore_mem>>) src(%dma_wait3A_229 : memref<16x128xf32, #tpu.memory_space<vmem_shared>>) dst(%dma_wait3A_226 : memref<16x128xf32, #tpu.memory_space<hbm>>)
          tpu.yield
        }) : () -> ()
      } else {
      }
    } else {
    }
    return
  }
}

module attributes {stable_mosaic.version = 14 : i64} {
  func.func @_add_body(%arg0: i32, %arg1: memref<10000x128xf32, #tpu.memory_space<vmem>>, %arg2: memref<10000x128xf32, #tpu.memory_space<vmem>>, %arg3: memref<10000x128xf32, #tpu.memory_space<vmem>>) attributes {dimension_semantics = [#tpu.dimension_semantics<arbitrary>], iteration_bounds = array<i64: 1>, scalar_prefetch = 0 : i64, scratch_operands = 0 : i64, tpu.core_type = #tpu.core_type<tc>, window_params = [{transform_indices = @transform_0, window_bounds = array<i64: 10000, 128>}, {transform_indices = @transform_1, window_bounds = array<i64: 10000, 128>}, {transform_indices = @transform_2, window_bounds = array<i64: 10000, 128>}]} {
    %get3A = arith.constant 0 : index
    %get3A_0 = arith.constant 0 : index
    %get3A_1 = vector.load %arg1[%get3A, %get3A_0] : memref<10000x128xf32, #tpu.memory_space<vmem>>, vector<10000x128xf32>
    %get3A_2 = arith.constant 0 : index
    %get3A_3 = arith.constant 0 : index
    %get3A_4 = vector.load %arg2[%get3A_2, %get3A_3] : memref<10000x128xf32, #tpu.memory_space<vmem>>, vector<10000x128xf32>
    %add3A = arith.addf %get3A_1, %get3A_4 : vector<10000x128xf32>
    %swap3A = arith.constant 0 : index
    %swap3A_5 = arith.constant 0 : index
    %swap3A_6 = vector.load %arg3[%swap3A, %swap3A_5] : memref<10000x128xf32, #tpu.memory_space<vmem>>, vector<10000x128xf32>
    tpu.vector_store %arg3[%swap3A, %swap3A_5], %add3A {strides = array<i32>} : memref<10000x128xf32, #tpu.memory_space<vmem>>, vector<10000x128xf32>,
    return
  }
  func.func @transform_0(%arg0: i32) -> (i32, i32) {
    %c0_i32 = arith.constant 0 : i32
    %c0_i32_0 = arith.constant 0 : i32
    return %arg0, %c0_i32 : i32, i32
  }
  func.func @transform_1(%arg0: i32) -> (i32, i32) {
    %c0_i32 = arith.constant 0 : i32
    %c0_i32_0 = arith.constant 0 : i32
    return %arg0, %c0_i32 : i32, i32
  }
  func.func @transform_2(%arg0: i32) -> (i32, i32) {
    %c0_i32 = arith.constant 0 : i32
    %c0_i32_0 = arith.constant 0 : i32
    return %arg0, %c0_i32 : i32, i32
  }
}

module attributes {stable_mosaic.version = 14 : i64} {
  func.func @_transform_body(%arg0: i32, %arg1: i32, %arg2: memref<10000x128xf32, #tpu.memory_space<vmem>>, %arg3: memref<1x1x128x128xf32, #tpu.memory_space<vmem>>, %arg4: memref<1x1x1x128xf32, #tpu.memory_space<vmem>>, %arg5: memref<1x10000x128xf32, #tpu.memory_space<vmem>>) attributes {dimension_semantics = [#tpu.dimension_semantics<arbitrary>, #tpu.dimension_semantics<arbitrary>], iteration_bounds = array<i64: 1, 8>, scalar_prefetch = 0 : i64, scratch_operands = 0 : i64, tpu.core_type = #tpu.core_type<tc>, window_params = [{transform_indices = @transform_0, window_bounds = array<i64: 10000, 128>}, {transform_indices = @transform_1, window_bounds = array<i64: 1, 1, 128, 128>}, {transform_indices = @transform_2, window_bounds = array<i64: 1, 1, 1, 128>}, {transform_indices = @transform_3, window_bounds = array<i64: 1, 10000, 128>}]} {
    %get3A = arith.constant 0 : index
    %get3A_0 = arith.constant 0 : index
    %get3A_1 = vector.load %arg2[%get3A, %get3A_0] : memref<10000x128xf32, #tpu.memory_space<vmem>>, vector<10000x128xf32>
    %get3A_2 = arith.constant 0 : index
    %get3A_3 = arith.constant 0 : index
    %get3A_4 = arith.constant 0 : index
    %get3A_5 = arith.constant 0 : index
    %get3A_6 = vector.load %arg3[%get3A_2, %get3A_3, %get3A_4, %get3A_5] : memref<1x1x128x128xf32, #tpu.memory_space<vmem>>, vector<1x1x128x128xf32>
    %get3A_7 = vector.shape_cast %get3A_6 : vector<1x1x128x128xf32> to vector<128x128xf32>
    %dot_general3A = arith.constant dense<0.000000e+00> : vector<10000x128xf32>
    %dot_general3A_8 = tpu.matmul %get3A_1, %get3A_7, %dot_general3A {dimension_numbers = #tpu.dot_dimension_numbers<[1], [0], [0], [1], [0, 0, 1, 1], [], []>, transpose_lhs_hint = false} : vector<10000x128xf32>, vector<128x128xf32>, vector<10000x128xf32> -> vector<10000x128xf32>
    %get3A_9 = arith.constant 0 : index
    %get3A_10 = arith.constant 0 : index
    %get3A_11 = arith.constant 0 : index
    %get3A_12 = arith.constant 0 : index
    %get3A_13 = vector.load %arg4[%get3A_9, %get3A_10, %get3A_11, %get3A_12] : memref<1x1x1x128xf32, #tpu.memory_space<vmem>>, vector<1x1x1x128xf32>
    %get3A_14 = vector.shape_cast %get3A_13 : vector<1x1x1x128xf32> to vector<128xf32>
    %broadcast_in_dim3A = vector.shape_cast %get3A_14 : vector<128xf32> to vector<1x128xf32>
    %add3A = vector.broadcast %broadcast_in_dim3A : vector<1x128xf32> to vector<10000x128xf32>
    %add3A_15 = arith.addf %dot_general3A_8, %add3A : vector<10000x128xf32>
    %jit3A = arith.constant 4 : i32
    %eq3A = arith.constant 0 : i32
    %eq3A_16 = arith.cmpi eq, %jit3A, %eq3A : i32
    %jit3A_17 = arith.constant 1 : i32
    %select_n3A = arith.select %eq3A_16, %jit3A_17, %jit3A : i32
    %rem3A = arith.remsi %arg1, %select_n3A : i32
    %ne3A = arith.constant 0 : i32
    %ne3A_18 = arith.cmpi ne, %rem3A, %ne3A : i32
    %lt3A = arith.constant 0 : i32
    %lt3A_19 = arith.cmpi slt, %rem3A, %lt3A : i32
    %lt3A_20 = arith.constant 0 : i32
    %lt3A_21 = arith.cmpi slt, %select_n3A, %lt3A_20 : i32
    %ne3A_22 = arith.xori %lt3A_19, %lt3A_21 : i1
    %and3A = arith.andi %ne3A_22, %ne3A_18 : i1
    %add3A_23 = arith.addi %rem3A, %select_n3A : i32
    %select_n3A_24 = arith.select %and3A, %add3A_23, %rem3A : i32
    %mul3A = arith.constant 2 : i32
    %mul3A_25 = arith.muli %mul3A, %select_n3A_24 : i32
    %sub3A = arith.constant 8 : i32
    %sub3A_26 = arith.subi %sub3A, %mul3A_25 : i32
    %jit3A_27 = arith.constant 4 : i32
    %div3A = arith.divsi %arg1, %jit3A_27 : i32
    %sign3A = arith.constant 0 : i32
    %sign3A_28 = arith.cmpi sgt, %arg1, %sign3A : i32
    %sign3A_29 = arith.extui %sign3A_28 : i1 to i32
    %sign3A_30 = arith.constant 0 : i32
    %sign3A_31 = arith.cmpi slt, %arg1, %sign3A_30 : i32
    %sign3A_32 = arith.extui %sign3A_31 : i1 to i32
    %sign3A_33 = arith.subi %sign3A_29, %sign3A_32 : i32
    %sign3A_34 = arith.constant 0 : i32
    %sign3A_35 = arith.cmpi sgt, %jit3A_27, %sign3A_34 : i32
    %sign3A_36 = arith.extui %sign3A_35 : i1 to i32
    %sign3A_37 = arith.constant 0 : i32
    %sign3A_38 = arith.cmpi slt, %jit3A_27, %sign3A_37 : i32
    %sign3A_39 = arith.extui %sign3A_38 : i1 to i32
    %sign3A_40 = arith.subi %sign3A_36, %sign3A_39 : i32
    %ne3A_41 = arith.cmpi ne, %sign3A_33, %sign3A_40 : i32
    %rem3A_42 = arith.remsi %arg1, %jit3A_27 : i32
    %ne3A_43 = arith.constant 0 : i32
    %ne3A_44 = arith.cmpi ne, %rem3A_42, %ne3A_43 : i32
    %and3A_45 = arith.andi %ne3A_41, %ne3A_44 : i1
    %sub3A_46 = arith.constant 1 : i32
    %sub3A_47 = arith.subi %div3A, %sub3A_46 : i32
    %select_n3A_48 = arith.select %and3A_45, %sub3A_47, %div3A : i32
    %sub3A_49 = arith.subi %sub3A_26, %select_n3A_48 : i32
    %shift_left3A = arith.constant 1 : i32
    %shift_left3A_50 = arith.shli %shift_left3A, %sub3A_49 : i32
    %convert_element_type3A = arith.sitofp %shift_left3A_50 : i32 to f32
    %mul3A_51 = vector.broadcast %convert_element_type3A : f32 to vector<10000x128xf32>
    %mul3A_52 = arith.mulf %add3A_15, %mul3A_51 : vector<10000x128xf32>
    %swap3A = arith.constant 0 : index
    %swap3A_53 = arith.constant 0 : index
    %swap3A_54 = arith.constant 0 : index
    %swap3A_55 = vector.load %arg5[%swap3A, %swap3A_53, %swap3A_54] : memref<1x10000x128xf32, #tpu.memory_space<vmem>>, vector<1x10000x128xf32>
    %swap3A_56 = vector.shape_cast %swap3A_55 : vector<1x10000x128xf32> to vector<10000x128xf32>
    %swap3A_57 = vector.shape_cast %mul3A_52 : vector<10000x128xf32> to vector<1x10000x128xf32>
    tpu.vector_store %arg5[%swap3A, %swap3A_53, %swap3A_54], %swap3A_57 {strides = array<i32>} : memref<1x10000x128xf32, #tpu.memory_space<vmem>>, vector<1x10000x128xf32>,
    return
  }
  func.func @transform_0(%arg0: i32, %arg1: i32) -> (i32, i32) {
    %c0_i32 = arith.constant 0 : i32
    %c0_i32_0 = arith.constant 0 : i32
    return %arg0, %c0_i32 : i32, i32
  }
  func.func @transform_1(%arg0: i32, %arg1: i32) -> (i32, i32, i32, i32) {
    %c0_i32 = arith.constant 0 : i32
    %c0_i32_0 = arith.constant 0 : i32
    %c0_i32_1 = arith.constant 0 : i32
    %c0_i32_2 = arith.constant 0 : i32
    return %c0_i32, %arg1, %c0_i32_0, %c0_i32_1 : i32, i32, i32, i32
  }
  func.func @transform_2(%arg0: i32, %arg1: i32) -> (i32, i32, i32, i32) {
    %c0_i32 = arith.constant 0 : i32
    %c0_i32_0 = arith.constant 0 : i32
    %c0_i32_1 = arith.constant 0 : i32
    %c0_i32_2 = arith.constant 0 : i32
    return %c0_i32, %arg1, %c0_i32_0, %c0_i32_1 : i32, i32, i32, i32
  }
  func.func @transform_3(%arg0: i32, %arg1: i32) -> (i32, i32, i32) {
    %c0_i32 = arith.constant 0 : i32
    %c0_i32_0 = arith.constant 0 : i32
    return %arg1, %arg0, %c0_i32 : i32, i32, i32
  }
}

module attributes {stable_mosaic.version = 14 : i64} {
  func.func @_transform_relu_body(%arg0: i32, %arg1: i32, %arg2: memref<10000x128xf32, #tpu.memory_space<vmem>>, %arg3: memref<10000x128xf32, #tpu.memory_space<vmem>>, %arg4: memref<1x1x128x128xf32, #tpu.memory_space<vmem>>, %arg5: memref<1x1x1x128xf32, #tpu.memory_space<vmem>>, %arg6: memref<1x10000x128xf32, #tpu.memory_space<vmem>>) attributes {dimension_semantics = [#tpu.dimension_semantics<arbitrary>, #tpu.dimension_semantics<arbitrary>], iteration_bounds = array<i64: 1, 8>, scalar_prefetch = 0 : i64, scratch_operands = 0 : i64, tpu.core_type = #tpu.core_type<tc>, window_params = [{transform_indices = @transform_0, window_bounds = array<i64: 10000, 128>}, {transform_indices = @transform_1, window_bounds = array<i64: 10000, 128>}, {transform_indices = @transform_2, window_bounds = array<i64: 1, 1, 128, 128>}, {transform_indices = @transform_3, window_bounds = array<i64: 1, 1, 1, 128>}, {transform_indices = @transform_4, window_bounds = array<i64: 1, 10000, 128>}]} {
    %get3A = arith.constant 0 : index
    %get3A_0 = arith.constant 0 : index
    %get3A_1 = vector.load %arg2[%get3A, %get3A_0] : memref<10000x128xf32, #tpu.memory_space<vmem>>, vector<10000x128xf32>
    %get3A_2 = arith.constant 0 : index
    %get3A_3 = arith.constant 0 : index
    %get3A_4 = vector.load %arg3[%get3A_2, %get3A_3] : memref<10000x128xf32, #tpu.memory_space<vmem>>, vector<10000x128xf32>
    %add3A = arith.addf %get3A_1, %get3A_4 : vector<10000x128xf32>
    %max3A = arith.constant 0.000000e+00 : f32
    %max3A_5 = vector.broadcast %max3A : f32 to vector<10000x128xf32>
    %max3A_6 = arith.maximumf %add3A, %max3A_5 : vector<10000x128xf32>
    %get3A_7 = arith.constant 0 : index
    %get3A_8 = arith.constant 0 : index
    %get3A_9 = arith.constant 0 : index
    %get3A_10 = arith.constant 0 : index
    %get3A_11 = vector.load %arg4[%get3A_7, %get3A_8, %get3A_9, %get3A_10] : memref<1x1x128x128xf32, #tpu.memory_space<vmem>>, vector<1x1x128x128xf32>
    %get3A_12 = vector.shape_cast %get3A_11 : vector<1x1x128x128xf32> to vector<128x128xf32>
    %dot_general3A = arith.constant dense<0.000000e+00> : vector<10000x128xf32>
    %dot_general3A_13 = tpu.matmul %max3A_6, %get3A_12, %dot_general3A {dimension_numbers = #tpu.dot_dimension_numbers<[1], [0], [0], [1], [0, 0, 1, 1], [], []>, transpose_lhs_hint = false} : vector<10000x128xf32>, vector<128x128xf32>, vector<10000x128xf32> -> vector<10000x128xf32>
    %get3A_14 = arith.constant 0 : index
    %get3A_15 = arith.constant 0 : index
    %get3A_16 = arith.constant 0 : index
    %get3A_17 = arith.constant 0 : index
    %get3A_18 = vector.load %arg5[%get3A_14, %get3A_15, %get3A_16, %get3A_17] : memref<1x1x1x128xf32, #tpu.memory_space<vmem>>, vector<1x1x1x128xf32>
    %get3A_19 = vector.shape_cast %get3A_18 : vector<1x1x1x128xf32> to vector<128xf32>
    %broadcast_in_dim3A = vector.shape_cast %get3A_19 : vector<128xf32> to vector<1x128xf32>
    %add3A_20 = vector.broadcast %broadcast_in_dim3A : vector<1x128xf32> to vector<10000x128xf32>
    %add3A_21 = arith.addf %dot_general3A_13, %add3A_20 : vector<10000x128xf32>
    %jit3A = arith.constant 4 : i32
    %eq3A = arith.constant 0 : i32
    %eq3A_22 = arith.cmpi eq, %jit3A, %eq3A : i32
    %jit3A_23 = arith.constant 1 : i32
    %select_n3A = arith.select %eq3A_22, %jit3A_23, %jit3A : i32
    %rem3A = arith.remsi %arg1, %select_n3A : i32
    %ne3A = arith.constant 0 : i32
    %ne3A_24 = arith.cmpi ne, %rem3A, %ne3A : i32
    %lt3A = arith.constant 0 : i32
    %lt3A_25 = arith.cmpi slt, %rem3A, %lt3A : i32
    %lt3A_26 = arith.constant 0 : i32
    %lt3A_27 = arith.cmpi slt, %select_n3A, %lt3A_26 : i32
    %ne3A_28 = arith.xori %lt3A_25, %lt3A_27 : i1
    %and3A = arith.andi %ne3A_28, %ne3A_24 : i1
    %add3A_29 = arith.addi %rem3A, %select_n3A : i32
    %select_n3A_30 = arith.select %and3A, %add3A_29, %rem3A : i32
    %mul3A = arith.constant 2 : i32
    %mul3A_31 = arith.muli %mul3A, %select_n3A_30 : i32
    %sub3A = arith.constant 8 : i32
    %sub3A_32 = arith.subi %sub3A, %mul3A_31 : i32
    %jit3A_33 = arith.constant 4 : i32
    %div3A = arith.divsi %arg1, %jit3A_33 : i32
    %sign3A = arith.constant 0 : i32
    %sign3A_34 = arith.cmpi sgt, %arg1, %sign3A : i32
    %sign3A_35 = arith.extui %sign3A_34 : i1 to i32
    %sign3A_36 = arith.constant 0 : i32
    %sign3A_37 = arith.cmpi slt, %arg1, %sign3A_36 : i32
    %sign3A_38 = arith.extui %sign3A_37 : i1 to i32
    %sign3A_39 = arith.subi %sign3A_35, %sign3A_38 : i32
    %sign3A_40 = arith.constant 0 : i32
    %sign3A_41 = arith.cmpi sgt, %jit3A_33, %sign3A_40 : i32
    %sign3A_42 = arith.extui %sign3A_41 : i1 to i32
    %sign3A_43 = arith.constant 0 : i32
    %sign3A_44 = arith.cmpi slt, %jit3A_33, %sign3A_43 : i32
    %sign3A_45 = arith.extui %sign3A_44 : i1 to i32
    %sign3A_46 = arith.subi %sign3A_42, %sign3A_45 : i32
    %ne3A_47 = arith.cmpi ne, %sign3A_39, %sign3A_46 : i32
    %rem3A_48 = arith.remsi %arg1, %jit3A_33 : i32
    %ne3A_49 = arith.constant 0 : i32
    %ne3A_50 = arith.cmpi ne, %rem3A_48, %ne3A_49 : i32
    %and3A_51 = arith.andi %ne3A_47, %ne3A_50 : i1
    %sub3A_52 = arith.constant 1 : i32
    %sub3A_53 = arith.subi %div3A, %sub3A_52 : i32
    %select_n3A_54 = arith.select %and3A_51, %sub3A_53, %div3A : i32
    %sub3A_55 = arith.subi %sub3A_32, %select_n3A_54 : i32
    %shift_left3A = arith.constant 1 : i32
    %shift_left3A_56 = arith.shli %shift_left3A, %sub3A_55 : i32
    %convert_element_type3A = arith.sitofp %shift_left3A_56 : i32 to f32
    %mul3A_57 = vector.broadcast %convert_element_type3A : f32 to vector<10000x128xf32>
    %mul3A_58 = arith.mulf %add3A_21, %mul3A_57 : vector<10000x128xf32>
    %swap3A = arith.constant 0 : index
    %swap3A_59 = arith.constant 0 : index
    %swap3A_60 = arith.constant 0 : index
    %swap3A_61 = vector.load %arg6[%swap3A, %swap3A_59, %swap3A_60] : memref<1x10000x128xf32, #tpu.memory_space<vmem>>, vector<1x10000x128xf32>
    %swap3A_62 = vector.shape_cast %swap3A_61 : vector<1x10000x128xf32> to vector<10000x128xf32>
    %swap3A_63 = vector.shape_cast %mul3A_58 : vector<10000x128xf32> to vector<1x10000x128xf32>
    tpu.vector_store %arg6[%swap3A, %swap3A_59, %swap3A_60], %swap3A_63 {strides = array<i32>} : memref<1x10000x128xf32, #tpu.memory_space<vmem>>, vector<1x10000x128xf32>,
    return
  }
  func.func @transform_0(%arg0: i32, %arg1: i32) -> (i32, i32) {
    %c0_i32 = arith.constant 0 : i32
    %c0_i32_0 = arith.constant 0 : i32
    return %arg0, %c0_i32 : i32, i32
  }
  func.func @transform_1(%arg0: i32, %arg1: i32) -> (i32, i32) {
    %c0_i32 = arith.constant 0 : i32
    %c0_i32_0 = arith.constant 0 : i32
    return %arg0, %c0_i32 : i32, i32
  }
  func.func @transform_2(%arg0: i32, %arg1: i32) -> (i32, i32, i32, i32) {
    %c1_i32 = arith.constant 1 : i32
    %c0_i32 = arith.constant 0 : i32
    %c0_i32_0 = arith.constant 0 : i32
    %c0_i32_1 = arith.constant 0 : i32
    return %c1_i32, %arg1, %c0_i32, %c0_i32_0 : i32, i32, i32, i32
  }
  func.func @transform_3(%arg0: i32, %arg1: i32) -> (i32, i32, i32, i32) {
    %c1_i32 = arith.constant 1 : i32
    %c0_i32 = arith.constant 0 : i32
    %c0_i32_0 = arith.constant 0 : i32
    %c0_i32_1 = arith.constant 0 : i32
    return %c1_i32, %arg1, %c0_i32, %c0_i32_0 : i32, i32, i32, i32
  }
  func.func @transform_4(%arg0: i32, %arg1: i32) -> (i32, i32, i32) {
    %c0_i32 = arith.constant 0 : i32
    %c0_i32_0 = arith.constant 0 : i32
    return %arg1, %arg0, %c0_i32 : i32, i32, i32
  }
}

</mosaic_0001>

<sc_bundles>
// kernel: kernel.10.cloned.1.call-start
scs
__scs_entry_jumppad:
0x0: {  	(pc) =	sbr.rel $0x88, $3  }
0x1: {  	(tag) =	ssettag $0x0;
	lr =	simm.s32 $0x1  }
0x2: {  	[smem:$0x3F9C] =	sst lr;
	_ =	strace $0xD0000000  }
0x3: {  	_ = 	snop  }
0x4: {  	_ = 	snop  }
0x5: {  	_ = 	snop  }
0x6: {  	_ = 	snop  }
0x7: {  	_ = 	snop  }
__scs_overlays_trampoline_lowered:
0x8: {  	[smem:$0x3FAB] =	sst s0  }
0x9: {  	[smem:$0x3FAC] =	sst s1  }
0xa: {  	[smem:$0x3FAD] =	sst s2  }
0xb: {  	[smem:$0x3FAE] =	sst s3  }
0xc: {  	[smem:$0x3FAF] =	sst s4  }
0xd: {  	[smem:$0x3FB0] =	sst s5  }
0xe: {  	[smem:$0x3FB1] =	sst s6  }
0xf: {  	[smem:$0x3FB2] =	sst s7  }
0x10: {  	[smem:$0x3FB3] =	sst s8  }
0x11: {  	[smem:$0x3FB4] =	sst s9;
	s0 =	simm.s32 @!p0 $0x0  }
0x12: {  	s1 =	sld [smem:$0x3F9A];
	s0 =	simm.s32 @p0 $0x1  }
0x13: {  	[smem:$0x3FB5] =	sst s0;
	s0 =	simm.s32 @!p1 $0x0  }
0x14: {  	s2 =	sld [smem:$0x3F99];
	s0 =	simm.s32 @p1 $0x1  }
0x15: {  	[smem:$0x3FB6] =	sst s0;
	s0 =	simm.s32 @!p2 $0x0  }
0x16: {  	s3 =	sld [smem:$0x3FDB];
	s0 =	simm.s32 @p2 $0x1  }
0x17: {  	s4 =	simm.s32 $0x1BF5;
	[smem:$0x3FB8] =	sst s0  }
0x18: {  	s0 =	sld [smem:$0x3F9B];
	_ =	swait.ge [sflag:s4], $0x0  }
0x19: {  	s7 =	sld [smem:$0x3F9C]  }
0x1a: {  	s8 =	sadd.s32 $0xFFFFE003, lr  }
0x1b: {  	s9 =	sadd.s32 $0xFFFFFEF7, lr;
	s5 =	simm.s32 $0xFFFFFFFF;
	p2 =	slt.u32 s8, $0xFFFFF086  }
0x1c: {  	p1 =	slt.u32 s9, $0xF7A;
	s5 =	simm.s32 @!p2 $0x0  }
0x1d: {  	s5 =	simm.s32 @p1 $0x1;
	p0 =	seq.s32 s7, s2  }
0x1e: {  	s7 =	smul.u32 @!p0 $0xF7A, s2;
	p2 =	seq.s32 @!p0 s5, $0x0  }
0x1f: {  	s9 =	smul.u32 $0xF7A, s1;
	s8 =	simm.s32 @!p0 $0x1BF5;
	p2 =	por !p2, p0  }
0x20: {  	[sflag:s8] =	ssyncset.s32 @!p0 $0xFFFFF086;
	s6 =	sadd.s32 @!p0 s3, s7;
	s7 =	simm.s32 @!p0 $0x108  }
0x21: {  	s3 =	sadd.s32 s3, s9;
	s6 =	sadd.s32 @!p0 $0x88, s6;
	s7 =	simm.s32 @p2 $0x1082  }
0x22: {  	[simem:s7], [sflag:s8] =	dma.local @!p0 [hbm:s6], $0xF7A  }
0x23: {  	s9 =	sor.u32 $0xD0000000, s2;
	s6 =	simm.s32 $0x108;
	_ =	swait.ge @!p0 [sflag:s8], $0x0  }
0x24: {  	s3 =	sadd.s32 $0x88, s3;
	s6 =	simm.s32 @!p1 $0x1082;
	[sflag:s4] =	ssyncset.s32 $0xFFFFF086  }
0x25: {  	[simem:s6], [sflag:s4] =	dma.local [hbm:s3], $0xF7A  }
0x26: {  	[smem:$0x3F9C] =	sst s1;
	(tag) =	ssettag s2;
	_ =	strace s9  }
0x27: {  	s1 =	sld [smem:$0x3FAC]  }
0x28: {  	s2 =	sld [smem:$0x3FAD]  }
0x29: {  	s4 =	sld [smem:$0x3FAF]  }
0x2a: {  	p0 =	seq.s32 s5, $0x0;
	s5 =	sld [smem:$0x3FB0]  }
0x2b: {  	s6 =	sld [smem:$0x3FB1]  }
0x2c: {  	s7 =	sld [smem:$0x3FB2]  }
0x2d: {  	s3 =	simm.s32 $0x108;
	s8 =	sld [smem:$0x3FB3]  }
0x2e: {  	s3 =	simm.s32 @!p0 $0x1082;
	s9 =	sld [smem:$0x3FB4]  }
0x2f: {  	lr =	sadd.s32 s0, s3;
	s0 =	sld [smem:$0x3FAB]  }
0x30: {  	s3 =	sld [smem:$0x3FAE]  }
0x31: {  	[smem:$0x3FB7] =	sst s10  }
0x32: {  	s10 =	sld [smem:$0x3FB5];
	_ =	sdelay $0x3  }
0x33: {  	p0 =	seq.s32 s10, $0x1;
	s10 =	sld [smem:$0x3FB7];
	_ =	sdelay $0x3  }
0x34: {  	[smem:$0x3FB7] =	sst s10  }
0x35: {  	s10 =	sld [smem:$0x3FB6];
	_ =	sdelay $0x3  }
0x36: {  	p1 =	seq.s32 s10, $0x1;
	s10 =	sld [smem:$0x3FB7];
	_ =	sdelay $0x3  }
0x37: {  	[smem:$0x3FB7] =	sst s10  }
0x38: {  	s10 =	sld [smem:$0x3FB8]  }
0x39: {  	_ = 	snop;
	(pc) =	sbr.ind lr, $3  }
0x3a: {  	_ = 	snop  }
0x3b: {  	_ = 	snop  }
0x3c: {  	p2 =	seq.s32 s10, $0x1;
	s10 =	sld [smem:$0x3FB7]  }
0x3d: {  	_ =	shalt  }
0x3e: {  	_ =	shalt  }
0x3f: {  	_ =	shalt  }
0x40: {  	_ =	shalt  }
0x41: {  	_ =	shalt  }
0x42: {  	_ =	shalt  }
0x43: {  	_ =	shalt  }
0x44: {  	_ =	shalt  }
0x45: {  	_ =	shalt  }
0x46: {  	_ =	shalt  }
0x47: {  	_ =	shalt  }
0x48: {  	_ =	shalt  }
0x49: {  	_ =	shalt  }
0x4a: {  	_ =	shalt  }
0x4b: {  	_ =	shalt  }
0x4c: {  	_ =	shalt  }
0x4d: {  	_ =	shalt  }
0x4e: {  	_ =	shalt  }
0x4f: {  	_ =	shalt  }
0x50: {  	_ =	shalt  }
0x51: {  	_ =	shalt  }
0x52: {  	_ =	shalt  }
0x53: {  	_ =	shalt  }
0x54: {  	_ =	shalt  }
0x55: {  	_ =	shalt  }
0x56: {  	_ =	shalt  }
0x57: {  	_ =	shalt  }
0x58: {  	_ =	shalt  }
0x59: {  	_ =	shalt  }
0x5a: {  	_ =	shalt  }
0x5b: {  	_ =	shalt  }
0x5c: {  	_ =	shalt  }
0x5d: {  	_ =	shalt  }
0x5e: {  	_ =	shalt  }
0x5f: {  	_ =	shalt  }
0x60: {  	_ =	shalt  }
0x61: {  	_ =	shalt  }
0x62: {  	_ =	shalt  }
0x63: {  	_ =	shalt  }
0x64: {  	_ =	shalt  }
0x65: {  	_ =	shalt  }
0x66: {  	_ =	shalt  }
0x67: {  	_ =	shalt  }
0x68: {  	_ =	shalt  }
0x69: {  	_ =	shalt  }
0x6a: {  	_ =	shalt  }
0x6b: {  	_ =	shalt  }
0x6c: {  	_ =	shalt  }
0x6d: {  	_ =	shalt  }
0x6e: {  	_ =	shalt  }
0x6f: {  	_ =	shalt  }
0x70: {  	_ =	shalt  }
0x71: {  	_ =	shalt  }
0x72: {  	_ =	shalt  }
0x73: {  	_ =	shalt  }
0x74: {  	_ =	shalt  }
0x75: {  	_ =	shalt  }
0x76: {  	_ =	shalt  }
0x77: {  	_ =	shalt  }
0x78: {  	_ =	shalt  }
0x79: {  	_ =	shalt  }
0x7a: {  	_ =	shalt  }
0x7b: {  	_ =	shalt  }
0x7c: {  	_ =	shalt  }
0x7d: {  	_ =	shalt  }
0x7e: {  	_ =	shalt  }
0x7f: {  	_ =	shalt  }
0x80: {  	_ =	shalt  }
0x81: {  	_ =	shalt  }
0x82: {  	_ =	shalt  }
0x83: {  	_ =	shalt  }
0x84: {  	_ =	shalt  }
0x85: {  	_ =	shalt  }
0x86: {  	_ =	shalt  }
0x87: {  	_ =	shalt  }
.Lfunc_end0:
.L_simem_size_0:
called_computation.1_lowered:
.L_overlay_start_0:
0x88: {  	s2 =	sld [smem:$0x3FD9]  }
0x89: {  	s3 =	sld [smem:$0x3FFE];
	_ =	sdelay $0x1  }
0x8a: {  	s1 =	srdreg.scid  }
0x8b: {  	s0 =	sand.u32 $0x1, s1  }
0x8c: {  	s17 =	sshll.u32 s0, $0xA;
	s2 =	sadd.s32 s3, s2  }
0x8d: {  	s2 =	sadd.s32 s2, s17  }
0x8e: {  	[smem:$0x3FC3] =	sst s2  }
0x8f: {  	_ = 	snop  }
0x90: {  	s2 =	sld [smem:$0x3FC9]  }
0x91: {  	s18 =	sld [smem:$0x3FC8]  }
0x92: {  	s4 =	sld [smem:$0x3FD0];
	(tm) =	ssettm $0x1  }
0x93: {  	s5 =	sld [smem:$0x3FFB];
	_ =	sdelay $0x3  }
0x94: {  	_ =	strace s5  }
0x95: {  	s5 =	sld [smem:$0x3FFC];
	_ =	sdelay $0x3  }
0x96: {  	_ =	strace s5  }
0x97: {  	s5 =	sld [smem:$0x3FFD];
	_ =	sdelay $0x3  }
0x98: {  	_ =	strace s5  }
0x99: {  	_ =	strace $0x8FFFFFFF  }
0x9a: {  	s19 =	sld [smem:$0x3FDB];
	_ =	sdelay $0x1  }
0x9b: {  	s6 =	simm.s32 $_scs_section_size  }
0x9c: {  	s7 =	simm.s32 $_size__tile_overlayer_lowered;
	s8 =	simm.s32 $_tile_overlayer_lowered  }
0x9d: {  	s22 =	simm.s32 $0x1BFF;
	s21 =	sshll.u32 s8, $0x1;
	s5 =	sadd.s32 s6, s19  }
0x9e: {  	s9 =	simm.s32 $0x0;
	s20 =	sshll.u32 s7, $0x1;
	s7 =	sadd.s32 s21, s5  }
0x9f: {  	[timem:s9], [sflag:s22] =	dma.local [hbm:s7], s20  }
0xa0: {  	_ =	swait.ge [sflag:s22], s20  }
0xa1: {  	s6 =	ssub.s32 $0x0, s20;
	[sflag:s22] =	ssyncset.done $0x0  }
0xa2: {  	[sflag:s22] =	ssyncadd.s32 s6;
	_ =	sdelay $0x1  }
0xa3: {  	s23 =	simm.s32 $0x1B8B  }
0xa4: {  	_ =	swait.ge [sflag:s23], $0x1  }
0xa5: {  	[sflag:s23] =	ssyncset.done $0x0  }
0xa6: {  	s25 =	simm.s32 $0x1B8E;
	s24 =	sld [smem:$0x3FFE];
	[sflag:s23] =	ssyncadd.s32 $0xFFFFFFFF  }
0xa7: {  	s26 =	simm.s32 $execute0_lowered;
	[smem:$0x3FD2] =	sst s25  }
0xa8: {  	s7 =	sshll.u32 s26, $0x1;
	_ =	strace $0x80000049;
	[dreg:$0x1] =	wrdreg $0xFFFFFFFF  }
0xa9: {  	s28 =	simm.s32 $_size_execute0_lowered;
	s5 =	sadd.s32 s5, s7;
	[dreg:$0x0] =	wrdreg $0x0  }
0xaa: {  	s7 =	sshll.u32 s28, $0x1;
	[dreg:$0x2] =	wrdreg s5  }
0xab: {  	[dreg:$0x3] =	wrdreg s7  }
0xac: {  	[dreg:$0x4] =	wrdreg $0xC0  }
0xad: {  	_ =	task [dreg:s9], $0x5FFFF  }
0xae: {  	[dreg:$0x1] =	wrdreg $0xFFFFFFFF  }
0xaf: {  	[dreg:$0x0] =	wrdreg $0x60  }
0xb0: {  	[dreg:$0x2] =	wrdreg s24  }
0xb1: {  	[dreg:$0x3] =	wrdreg s2  }
0xb2: {  	[dreg:$0x4] =	wrdreg s18  }
0xb3: {  	[dreg:$0x5] =	wrdreg s4  }
0xb4: {  	[dreg:$0x6] =	wrdreg $0xBE000  }
0xb5: {  	[dreg:$0x7] =	wrdreg $0x9  }
0xb6: {  	_ =	task.clear_ibuf [dreg:s9], $0x8FFFF;
	_ =	strace $0x90000049  }
0xb7: {  	s29 =	simm.s32 $0x9;
	_ =	strace $0x8000004B  }
0xb8: {  	_ =	swait.ge [sflag:s29], $0x1  }
0xb9: {  	[sflag:s29] =	ssyncadd.s32 $0xFFFFFFFF  }
0xba: {  	_ =	strace $0x9000004B  }
0xbb: {  	_ =	sfence  }
0xbc: {  	s30 =	sld [smem:$0x0];
	_ =	sdelay $0x2  }
0xbd: {  	s31 =	sshll.u32 s1, $0xD;
	s1 =	sshrl.u32 s1, $0x2  }
0xbe: {  	s3 =	sand.u32 $0x4000, s31;
	s1 =	sadd.s32 s1, s30  }
0xbf: {  	s0 =	sor.u32 s3, s0;
	s1 =	sshll.u32 s1, $0x11  }
0xc0: {  	s0 =	sor.u32 s1, s0  }
0xc1: {  	s0 =	sadd.s32 $0x8F2B, s0  }
0xc2: {  	[sflag:s0] =	ssyncadd.remote.s32 $0x1  }
0xc3: {  	_ =	sfence.sel $0xFFFF  }
0xc4: {  	[dreg:$0x0] =	wrdreg $0xFFFFFFFF;
	(pc) =	sbr.abs _section_cstart, $3  }
0xc5: {  	[dreg:$0x1] =	wrdreg $0xFFFFFFFF  }
0xc6: {  	_ =	task.clear_ibuf [dreg:s9], $0x2FFFF;
	_ =	strace $0x9FFFFFFF  }
0xc7: {  	(tm) =	ssettm $0x7FFFFFFF  }
tec
execute0_lowered:
.L_overlay_start_1:
0x0: {  	(tag) =	ssettag $0x1  }
0x1: {  	s0 =	rddreg [dreg:$0x0]  }
0x2: {  	s1 =	rddreg [dreg:$0x1]  }
0x3: {  	s6 =	rddreg [dreg:$0x2]  }
0x4: {  	s3 =	rddreg [dreg:$0x3]  }
0x5: {  	s2 =	rddreg [dreg:$0x4]  }
0x6: {  	s4 =	simm.s32 $0x0;
	s7 =	srdreg.scid;
	s16 =	stileid.u32  }
0x7: {  	s21 =	simm.s32 $0x100;
	s28 =	simm.s32 $0x7E00;
	s29 =	simm.s32 $0x2  }
0x8: {  	s30 =	simm.s32 $0x0;
	[smem:$0x7FF] =	sst s4;
	s4 =	sadd.s32 $0x2200, s0  }
0x9: {  	s5 =	sadd.s32 $0x13AA00, s0;
	s17 =	sand.u32 $0x1, s7;
	s22 =	sshll.u32 s16, $0x1  }
0xa: {  	s9 =	smul.u32 $0x4E000, s16;
	s20 =	sadd.s32 $0x13D200, s0;
	s25 =	sshll.u32 s16, $0x6  }
0xb: {  	p0 =	seq.s32 s16, $0x0;
	s14 =	sadd.s32 $0x10, s1;
	s19 =	smul.u32 $0x2700, s16  }
0xc: {  	p2 =	sne.s32 s16, $0xF;
	p3 =	seq.s32 s16, $0xF;
	_ =	strace $0x8000004A  }
0xd: {  	s8 =	ssub.s32 $0x2, s17;
	s7 =	sor.u32 s17, s22;
	p1 =	seq.s32 s17, $0x1  }
0xe: {  	[dreg:$0x6] =	wrdreg s20;
	s23 =	sshrl.u32 s8, $0x1;
	s10 =	smul.u32 $0x27, s7  }
0xf: {  	s24 =	sshrl.u32 s9, $0x2;
	s13 =	smul.u32 $0x28, s7;
	s9 =	sadd.s32 $0x138000, s2  }
0x10: {  	s26 =	sadd.s32 s3, s19;
	s31 =	sadd.s32 s20, s19;
	s19 =	simm.s32 $0x3  }
0x11: {  	s20 =	simm.s32 $0x80;
	s0 =	ssub.s32 s8, s23;
	s7 =	sadd.s32 s24, s2  }
0x12: {  	s8 =	sor.u32 $0x1C03, s25;
	[dreg:$0x7] =	wrdreg s26;
	s10 =	sadd.s32 $0x2, s10  }
0x13: {  	[dreg:$0x8] =	wrdreg s31;
	s26 =	simm.s32 $0x3C80;
	s10 =	smov.u32 @p0 s13  }
.Ltmp0:
0x14: {  	s13 =	sadd.s32 $0x27, s13;
	p0 =	sne.s32 s16, $0x0;
	(pc) =	sbr.rel .LBB2_1-.Ltmp0, $4  }
0x15: {  	s11 =	sshll.u32 s10, $0x5;
	s12 =	sshll.u32 s10, $0x4;
	s15 =	sshll.u32 s13, $0x5  }
0x16: {  	s18 =	sshll.u32 s13, $0x4;
	s10 =	sadd.s32 s1, s11;
	s12 =	sand.u32 $0x1FFFFFF0, s12  }
0x17: {  	s11 =	sadd.s32 s11, s14;
	s13 =	sadd.s32 s1, s15;
	s14 =	sadd.s32 s15, s14  }
0x18: {  	s15 =	sadd.s32 s6, s18;
	s18 =	smax.u32 s0, $0x1;
	s12 =	sadd.s32 s6, s12  }
.LBB2_8:
0x19: {  	s0 =	sadd.s32 $0x27000, s0;
	s1 =	sshrl.u32 s9, $0x3  }
0x1a: {  	[hbm:s0], [sflag:s8] =	dma.local [spmem:s1], $0x100  }
0x1b: {  	_ =	swait.ge [sflag:s19], $0x100  }
0x1c: {  	[sflag:s19] =	ssyncset.done $0x0  }
0x1d: {  	[sflag:s19] =	ssyncadd.s32 $0xFFFFFF00  }
.LBB2_9:
0x1e: {  	s30 =	sadd.s32 $0x1, s30  }
0x1f: {  	p4 =	sne.s32 s30, s18  }
.Ltmp1:
0x20: {  	_ = 	snop;
	(pc) =	sbr.rel @!p4 .LBB2_10-.Ltmp1, $1  }
0x21: {  	_ =	sdelay $0x3  }
.LBB2_1:
0x22: {  	s31 =	sshrl.u32 s7, $0x3  }
0x23: {  	[spmem:s31], [sflag:s8] =	dma.local [hbm:s5], $0x2700  }
0x24: {  	_ =	swait.ge [sflag:s19], $0x2700  }
0x25: {  	[sflag:s19] =	ssyncset.done $0x0  }
0x26: {  	s0 =	sshrl.u32 @!p2 s9, $0x3;
	[sflag:s19] =	ssyncadd.s32 $0xFFFFD900  }
0x27: {  	[spmem:s0], [sflag:s8] =	dma.local @!p2 [hbm:s5], $0x100  }
0x28: {  	s0 =	simm.s32 @!p2 $0x3  }
0x29: {  	_ =	swait.ge @!p2 [sflag:s0], $0x100  }
0x2a: {  	[sflag:s0] =	ssyncset.done @!p2 $0x0  }
0x2b: {  	s23 =	simm.s32 $0x0;
	[sflag:s0] =	ssyncadd.s32 @!p2 $0xFFFFFF00  }
0x2c: {  	[tilespmem:s23], [sflag:$0x3] =	stream.strided.gather [hbm4b:s10+s20], $0x1380, s21, s20, $0x38;
	[tilespmem:$0x1F680] =	vst v63  }
0x2d: {  	_ =	swait.ge [sflag:s19], $0x1380  }
0x2e: {  	[sflag:s19] =	ssyncset.done $0x0  }
0x2f: {  	s1 =	simm.s32 $0x1400;
	[sflag:s19] =	ssyncadd.s32 $0xFFFFEC80  }
0x30: {  	[tilespmem:s1], [sflag:$0x3] =	stream.strided.gather [hbm4b:s11+s20], $0x1380, s21, s20, $0x38;
	[tilespmem:$0x1F680] =	vst v63  }
0x31: {  	_ =	swait.ge [sflag:s19], $0x1380  }
0x32: {  	[sflag:s19] =	ssyncset.done $0x0  }
0x33: {  	s24 =	simm.s32 $0x2800;
	[sflag:s19] =	ssyncadd.s32 $0xFFFFEC80  }
0x34: {  	[tilespmem:s24], [sflag:$0x3] =	stream.linear.gather [hbm4b:s12+s23], $0x1380, $0x38;
	[tilespmem:$0x1F680] =	vst v63  }
0x35: {  	_ =	swait.ge [sflag:s19], $0x1380  }
0x36: {  	[sflag:s19] =	ssyncset.done $0x0  }
0x37: {  	s0 =	simm.s32 @!p0 $0x0;
	s1 =	simm.s32 @!p0 $0x1380;
	[sflag:s19] =	ssyncadd.s32 $0xFFFFEC80  }
0x38: {  	[tilespmem:s1], [sflag:$0x3] =	stream.linear.gather @!p0 [hbm4b:s13+s0], $0x80, $0x38;
	[tilespmem:$0x1F680] =	vst v63  }
0x39: {  	s1 =	simm.s32 @!p0 $0x3  }
0x3a: {  	_ =	swait.ge @!p0 [sflag:s1], $0x80  }
0x3b: {  	[sflag:s1] =	ssyncset.done @!p0 $0x0  }
0x3c: {  	s6 =	simm.s32 @!p0 $0x2780;
	[sflag:s1] =	ssyncadd.s32 @!p0 $0xFFFFFF80  }
0x3d: {  	[tilespmem:s6], [sflag:$0x3] =	stream.linear.gather @!p0 [hbm4b:s14+s0], $0x80, $0x38;
	[tilespmem:$0x1F680] =	vst v63  }
0x3e: {  	_ =	swait.ge @!p0 [sflag:s1], $0x80  }
0x3f: {  	[sflag:s1] =	ssyncset.done @!p0 $0x0  }
0x40: {  	s6 =	simm.s32 @!p0 $0x3B80;
	[sflag:s1] =	ssyncadd.s32 @!p0 $0xFFFFFF80  }
0x41: {  	[tilespmem:s6], [sflag:$0x3] =	stream.linear.gather @!p0 [hbm4b:s15+s0], $0x80, $0x38;
	[tilespmem:$0x1F680] =	vst v63  }
0x42: {  	_ =	swait.ge @!p0 [sflag:s1], $0x80  }
0x43: {  	[sflag:s1] =	ssyncset.done @!p0 $0x0  }
0x44: {  	[sflag:s1] =	ssyncadd.s32 @!p0 $0xFFFFFF80  }
0x45: {  	[bflag:$0x0] =	sbarrier.arrive $0xFFFF  }
0x46: {  	v0 =	vld [tilespmem:$0x2800]  }
0x47: {  	v1 =	vld [tilespmem:$0x0]  }
0x48: {  	v2 =	vld [tilespmem:$0x1400]  }
0x49: {  	v3 =	vld [tilespmem:$0x2810]  }
0x4a: {  	v4 =	vld [tilespmem:$0x10]  }
0x4b: {  	v5 =	vld [tilespmem:$0x1410]  }
0x4c: {  	v6 =	vld [tilespmem:$0x2820]  }
0x4d: {  	v7 =	vld [tilespmem:$0x20]  }
0x4e: {  	v8 =	vld [tilespmem:$0x1420]  }
0x4f: {  	v9 =	vld [tilespmem:$0x2830]  }
0x50: {  	v10 =	vld [tilespmem:$0x30]  }
0x51: {  	v11 =	vld [tilespmem:$0x1430]  }
0x52: {  	v12 =	vld [tilespmem:$0x2840]  }
0x53: {  	v46 =	vld [tilespmem:$0x40]  }
0x54: {  	v51 =	vld [tilespmem:$0x50];
	[tilespmem:$0x3D00] =	vst v1  }
0x55: {  	v58 =	vld [tilespmem:$0x60];
	[tilespmem:$0x3D10] =	vst v4  }
0x56: {  	v61 =	vld [tilespmem:$0x70];
	[tilespmem:$0x3D20] =	vst v7  }
0x57: {  	v47 =	vld [tilespmem:$0x1440];
	[tilespmem:$0x3D30] =	vst v10  }
0x58: {  	v50 =	vld [tilespmem:$0x2850];
	[tilespmem:$0x3D40] =	vst v46  }
0x59: {  	v53 =	vld [tilespmem:$0x1450];
	v0 =	vmul.u32 $0x2710, v0;
	[tilespmem:$0x3D50] =	vst v51  }
0x5a: {  	v57 =	vld [tilespmem:$0x2870];
	v45 =	vmul.u32 $0x2710, v3;
	[tilespmem:$0x3D60] =	vst v58  }
0x5b: {  	v54 =	vld [tilespmem:$0x2860];
	v49 =	vmul.u32 $0x2710, v6;
	[tilespmem:$0x3D70] =	vst v61;
	v0 =	vadd.s32 v0, v2  }
0x5c: {  	v59 =	vld [tilespmem:$0x1470];
	v52 =	vmul.u32 $0x2710, v9;
	v48 =	vadd.s32 v45, v5;
	[tilespmem:$0x3C00] =	vst v0  }
0x5d: {  	v56 =	vld [tilespmem:$0x1460];
	v55 =	vmul.u32 $0x2710, v12;
	v2 =	vadd.s32 v49, v8;
	[tilespmem:$0x3C10] =	vst v48  }
0x5e: {  	v4 =	vadd.s32 v52, v11;
	v5 =	vmul.u32 $0x2710, v50;
	[tilespmem:$0x3C20] =	vst v2  }
0x5f: {  	v63 =	vmul.u32 $0x2710, v57;
	[tilespmem:$0x3C30] =	vst v4;
	v0 =	vadd.s32 v55, v47  }
.Ltmp2:
0x60: {  	s25 =	simm.s32 $0x3C00;
	v2 =	vmul.u32 $0x2710, v54;
	[tilespmem:$0x3C40] =	vst v0;
	v60 =	vadd.s32 v5, v53;
	(pc) =	sbr.rel .LBB2_2-.Ltmp2, $4  }
0x61: {  	s3 =	simm.s32 $0x3E00;
	s22 =	simm.s32 $0x1480;
	s0 =	simm.s32 @!p0 $0x50;
	v0 =	vadd.s32 v63, v59;
	[tilespmem:$0x3C50] =	vst v60  }
0x62: {  	s16 =	simm.s32 $0x0;
	s23 =	simm.s32 $0x2880;
	s0 =	simm.s32 @p0 $0x4E;
	v62 =	vadd.s32 v2, v56;
	[tilespmem:$0x3C70] =	vst v0  }
0x63: {  	s24 =	simm.s32 $0x80;
	s6 =	sadd.s32 $0xFFFFFFFE, s0;
	s1 =	sadd.s32 $0xFFFFFFFF, s0;
	[tilespmem:$0x3C60] =	vst v62  }
0x64: {  	[tilespmem:s3], [sflag:$0x1] =	stream.indirect.gather [hbm4b:s4+s20], $0x80, s25, s20, $0xb8;
	[tilespmem:$0x1F680] =	vst v63  }
.LBB2_4:
0x65: {  	p5 =	sge.u32 s16, s0  }
0x66: {  	s17 =	simm.s32 @!p5 $0x1  }
0x67: {  	_ =	swait.ge @!p5 [sflag:s17], $0x4000  }
0x68: {  	s25 =	simm.s32 @!p5 $0x3D00;
	[sflag:s17] =	ssyncset.done @!p5 $0x0  }
0x69: {  	s3 =	simm.s32 @!p5 $0x3E00;
	[sflag:s17] =	ssyncadd.s32 @!p5 $0xFFFFC000;
	s17 =	simm.s32 @!p5 $0x80  }
0x6a: {  	[spmem:s2] =	stream.indirect.scatter.add.f32 @!p5 [tilespmem:s3], [sflag:$0x2], $0x80, s25, s17, $0xb8;
	[tilespmem:$0x1F680] =	vst v63  }
0x6b: {  	p5 =	sge.u32 s16, s6  }
0x6c: {  	s3 =	simm.s32 @!p5 $0x2  }
0x6d: {  	_ =	swait.ge @!p5 [sflag:s3], $0x4000  }
0x6e: {  	[sflag:s3] =	ssyncset.done @!p5 $0x0  }
0x6f: {  	[sflag:s3] =	ssyncadd.s32 @!p5 $0xFFFFC000  }
0x70: {  	v0 =	vld @!p5 [tilespmem:s23+$0x0]  }
0x71: {  	v1 =	vld @!p5 [tilespmem:s22+$0x0]  }
0x72: {  	v2 =	vld @!p5 [tilespmem:s24+$0x0];
	_ =	sdelay $0x2  }
0x73: {  	v0 =	vmul.u32 @!p5 $0x2710, v0;
	_ =	sdelay $0x1  }
0x74: {  	[tilespmem:$0x3D00] =	vst @!p5 v2;
	v0 =	vadd.s32 @!p5 v0, v1  }
0x75: {  	[tilespmem:$0x3C00] =	vst @!p5 v0  }
0x76: {  	v0 =	vld @!p5 [tilespmem:s23+$0x10]  }
0x77: {  	v1 =	vld @!p5 [tilespmem:s22+$0x10]  }
0x78: {  	v2 =	vld @!p5 [tilespmem:s24+$0x10];
	_ =	sdelay $0x2  }
0x79: {  	v0 =	vmul.u32 @!p5 $0x2710, v0;
	_ =	sdelay $0x1  }
0x7a: {  	[tilespmem:$0x3D10] =	vst @!p5 v2;
	v0 =	vadd.s32 @!p5 v0, v1  }
0x7b: {  	[tilespmem:$0x3C10] =	vst @!p5 v0  }
0x7c: {  	v0 =	vld @!p5 [tilespmem:s23+$0x20]  }
0x7d: {  	v1 =	vld @!p5 [tilespmem:s22+$0x20]  }
0x7e: {  	v2 =	vld @!p5 [tilespmem:s24+$0x20];
	_ =	sdelay $0x2  }
0x7f: {  	v0 =	vmul.u32 @!p5 $0x2710, v0;
	_ =	sdelay $0x1  }
0x80: {  	[tilespmem:$0x3D20] =	vst @!p5 v2;
	v0 =	vadd.s32 @!p5 v0, v1  }
0x81: {  	[tilespmem:$0x3C20] =	vst @!p5 v0  }
0x82: {  	v0 =	vld @!p5 [tilespmem:s23+$0x30]  }
0x83: {  	v1 =	vld @!p5 [tilespmem:s22+$0x30]  }
0x84: {  	v2 =	vld @!p5 [tilespmem:s24+$0x30];
	_ =	sdelay $0x2  }
0x85: {  	v0 =	vmul.u32 @!p5 $0x2710, v0;
	_ =	sdelay $0x1  }
0x86: {  	[tilespmem:$0x3D30] =	vst @!p5 v2;
	v0 =	vadd.s32 @!p5 v0, v1  }
0x87: {  	[tilespmem:$0x3C30] =	vst @!p5 v0  }
0x88: {  	v0 =	vld @!p5 [tilespmem:s23+$0x40]  }
0x89: {  	v1 =	vld @!p5 [tilespmem:s22+$0x40]  }
0x8a: {  	v2 =	vld @!p5 [tilespmem:s24+$0x40];
	_ =	sdelay $0x2  }
0x8b: {  	v0 =	vmul.u32 @!p5 $0x2710, v0;
	_ =	sdelay $0x1  }
0x8c: {  	[tilespmem:$0x3D40] =	vst @!p5 v2;
	v0 =	vadd.s32 @!p5 v0, v1  }
0x8d: {  	[tilespmem:$0x3C40] =	vst @!p5 v0  }
0x8e: {  	v0 =	vld @!p5 [tilespmem:s23+$0x50]  }
0x8f: {  	v1 =	vld @!p5 [tilespmem:s22+$0x50]  }
0x90: {  	v2 =	vld @!p5 [tilespmem:s24+$0x50];
	_ =	sdelay $0x2  }
0x91: {  	v0 =	vmul.u32 @!p5 $0x2710, v0;
	_ =	sdelay $0x1  }
0x92: {  	[tilespmem:$0x3D50] =	vst @!p5 v2;
	v0 =	vadd.s32 @!p5 v0, v1  }
0x93: {  	[tilespmem:$0x3C50] =	vst @!p5 v0  }
0x94: {  	v0 =	vld @!p5 [tilespmem:s23+$0x60]  }
0x95: {  	v1 =	vld @!p5 [tilespmem:s22+$0x60]  }
0x96: {  	v2 =	vld @!p5 [tilespmem:s24+$0x60];
	_ =	sdelay $0x2  }
0x97: {  	v0 =	vmul.u32 @!p5 $0x2710, v0;
	_ =	sdelay $0x1  }
0x98: {  	[tilespmem:$0x3D60] =	vst @!p5 v2;
	v0 =	vadd.s32 @!p5 v0, v1  }
0x99: {  	[tilespmem:$0x3C60] =	vst @!p5 v0  }
0x9a: {  	v0 =	vld @!p5 [tilespmem:s23+$0x70]  }
0x9b: {  	v1 =	vld @!p5 [tilespmem:s22+$0x70]  }
0x9c: {  	v2 =	vld @!p5 [tilespmem:s24+$0x70];
	_ =	sdelay $0x2  }
0x9d: {  	v0 =	vmul.u32 @!p5 $0x2710, v0;
	_ =	sdelay $0x1  }
0x9e: {  	[tilespmem:$0x3D70] =	vst @!p5 v2;
	v0 =	vadd.s32 @!p5 v0, v1  }
0x9f: {  	s17 =	simm.s32 @!p5 $0x3C00;
	s25 =	simm.s32 @!p5 $0x3E00;
	s3 =	simm.s32 @!p5 $0x80;
	[tilespmem:$0x3C70] =	vst @!p5 v0  }
0xa0: {  	[tilespmem:s25], [sflag:$0x1] =	stream.indirect.gather @!p5 [hbm4b:s4+s3], $0x80, s17, s3, $0xb8;
	[tilespmem:$0x1F680] =	vst v63  }
0xa1: {  	s3 =	simm.s32 @!p4 $0x1  }
0xa2: {  	_ =	swait.ge @!p4 [sflag:s3], $0x4000  }
0xa3: {  	s16 =	sadd.s32 $0x2, s16;
	s17 =	simm.s32 @!p4 $0x3D80;
	[sflag:s3] =	ssyncset.done @!p4 $0x0  }
0xa4: {  	s25 =	simm.s32 @!p4 $0x7E00;
	[sflag:s3] =	ssyncadd.s32 @!p4 $0xFFFFC000;
	s3 =	simm.s32 @!p4 $0x80  }
0xa5: {  	[spmem:s2] =	stream.indirect.scatter.add.f32 @!p4 [tilespmem:s25], [sflag:$0x2], $0x80, s17, s3, $0xb8;
	[tilespmem:$0x1F680] =	vst v63  }
0xa6: {  	p4 =	sne.s32 s16, $0x50  }
.Ltmp3:
0xa7: {  	_ = 	snop;
	(pc) =	sbr.rel @!p4 .LBB2_5-.Ltmp3, $2  }
0xa8: {  	_ =	sdelay $0x2  }
0xa9: {  	s22 =	sadd.s32 $0x80, s22;
	s24 =	sadd.s32 $0x80, s24;
	s23 =	sadd.s32 $0x80, s23  }
.LBB2_2:
0xaa: {  	p4 =	seq.s32 s16, $0x0  }
0xab: {  	p5 =	sge.u32 @!p4 s16, s1  }
0xac: {  	p5 =	por p5, p4;
	p4 =	sge.u32 s16, s1  }
.Ltmp4:
0xad: {  	_ = 	snop;
	(pc) =	sbr.rel @p4 .LBB2_4-.Ltmp4, $4  }
0xae: {  	s17 =	simm.s32 @!p5 $0x2  }
0xaf: {  	_ =	swait.ge @!p5 [sflag:s17], $0x4000  }
0xb0: {  	[sflag:s17] =	ssyncset.done @!p5 $0x0  }
0xb1: {  	[sflag:s17] =	ssyncadd.s32 @!p5 $0xFFFFC000  }
0xb2: {  	v0 =	vld [tilespmem:s23+$0xFFFFFF80];
	_ =	sdelay $0x1  }
0xb3: {  	v1 =	vld [tilespmem:s24+$0xFFFFFF80]  }
0xb4: {  	v2 =	vld [tilespmem:s22+$0xFFFFFF80];
	_ =	sdelay $0x1  }
0xb5: {  	v0 =	vmul.u32 $0x2710, v0;
	_ =	sdelay $0x1  }
0xb6: {  	v0 =	vadd.s32 v1, v0  }
0xb7: {  	[tilespmem:$0x3D80] =	vst v2;
	v0 =	vadd.s32 $0x9C40, v0  }
0xb8: {  	[tilespmem:$0x3C80] =	vst v0  }
0xb9: {  	v0 =	vld [tilespmem:s23+$0xFFFFFF90];
	_ =	sdelay $0x1  }
0xba: {  	v57 =	vld [tilespmem:s24+$0xFFFFFF90]  }
0xbb: {  	v2 =	vld [tilespmem:s22+$0xFFFFFF90];
	_ =	sdelay $0x1  }
0xbc: {  	v0 =	vmul.u32 $0x2710, v0;
	_ =	sdelay $0x1  }
0xbd: {  	v0 =	vadd.s32 v57, v0  }
0xbe: {  	[tilespmem:$0x3D90] =	vst v2;
	v0 =	vadd.s32 $0x9C40, v0  }
0xbf: {  	[tilespmem:$0x3C90] =	vst v0  }
0xc0: {  	v0 =	vld [tilespmem:s23+$0xFFFFFFA0];
	_ =	sdelay $0x1  }
0xc1: {  	v58 =	vld [tilespmem:s24+$0xFFFFFFA0]  }
0xc2: {  	v2 =	vld [tilespmem:s22+$0xFFFFFFA0];
	_ =	sdelay $0x1  }
0xc3: {  	v0 =	vmul.u32 $0x2710, v0;
	_ =	sdelay $0x1  }
0xc4: {  	v0 =	vadd.s32 v58, v0  }
0xc5: {  	[tilespmem:$0x3DA0] =	vst v2;
	v0 =	vadd.s32 $0x9C40, v0  }
0xc6: {  	[tilespmem:$0x3CA0] =	vst v0  }
0xc7: {  	v0 =	vld [tilespmem:s23+$0xFFFFFFB0];
	_ =	sdelay $0x1  }
0xc8: {  	v59 =	vld [tilespmem:s24+$0xFFFFFFB0]  }
0xc9: {  	v2 =	vld [tilespmem:s22+$0xFFFFFFB0];
	_ =	sdelay $0x1  }
0xca: {  	v0 =	vmul.u32 $0x2710, v0;
	_ =	sdelay $0x1  }
0xcb: {  	v0 =	vadd.s32 v59, v0  }
0xcc: {  	[tilespmem:$0x3DB0] =	vst v2;
	v0 =	vadd.s32 $0x9C40, v0  }
0xcd: {  	[tilespmem:$0x3CB0] =	vst v0  }
0xce: {  	v0 =	vld [tilespmem:s23+$0xFFFFFFC0];
	_ =	sdelay $0x1  }
0xcf: {  	v60 =	vld [tilespmem:s24+$0xFFFFFFC0]  }
0xd0: {  	v2 =	vld [tilespmem:s22+$0xFFFFFFC0];
	_ =	sdelay $0x1  }
0xd1: {  	v0 =	vmul.u32 $0x2710, v0;
	_ =	sdelay $0x1  }
0xd2: {  	v0 =	vadd.s32 v60, v0  }
0xd3: {  	[tilespmem:$0x3DC0] =	vst v2;
	v0 =	vadd.s32 $0x9C40, v0  }
0xd4: {  	[tilespmem:$0x3CC0] =	vst v0  }
0xd5: {  	v0 =	vld [tilespmem:s23+$0xFFFFFFD0];
	_ =	sdelay $0x1  }
0xd6: {  	v61 =	vld [tilespmem:s24+$0xFFFFFFD0]  }
0xd7: {  	v2 =	vld [tilespmem:s22+$0xFFFFFFD0];
	_ =	sdelay $0x1  }
0xd8: {  	v0 =	vmul.u32 $0x2710, v0;
	_ =	sdelay $0x1  }
0xd9: {  	v0 =	vadd.s32 v61, v0  }
0xda: {  	[tilespmem:$0x3DD0] =	vst v2;
	v0 =	vadd.s32 $0x9C40, v0  }
0xdb: {  	[tilespmem:$0x3CD0] =	vst v0  }
0xdc: {  	v0 =	vld [tilespmem:s23+$0xFFFFFFE0];
	_ =	sdelay $0x1  }
0xdd: {  	v62 =	vld [tilespmem:s24+$0xFFFFFFE0]  }
0xde: {  	v2 =	vld [tilespmem:s22+$0xFFFFFFE0];
	_ =	sdelay $0x1  }
0xdf: {  	v0 =	vmul.u32 $0x2710, v0;
	_ =	sdelay $0x1  }
0xe0: {  	v0 =	vadd.s32 v62, v0  }
0xe1: {  	[tilespmem:$0x3DE0] =	vst v2;
	v0 =	vadd.s32 $0x9C40, v0  }
0xe2: {  	[tilespmem:$0x3CE0] =	vst v0  }
0xe3: {  	v0 =	vld [tilespmem:s23+$0xFFFFFFF0];
	_ =	sdelay $0x1  }
0xe4: {  	v63 =	vld [tilespmem:s24+$0xFFFFFFF0]  }
0xe5: {  	v2 =	vld [tilespmem:s22+$0xFFFFFFF0];
	_ =	sdelay $0x1  }
0xe6: {  	v0 =	vmul.u32 $0x2710, v0  }
.Ltmp5:
0xe7: {  	_ = 	snop;
	(pc) =	sbr.rel .LBB2_4-.Ltmp5, $4  }
0xe8: {  	v0 =	vadd.s32 v63, v0  }
0xe9: {  	[tilespmem:$0x3DF0] =	vst v2;
	v0 =	vadd.s32 $0x9C40, v0  }
0xea: {  	[tilespmem:$0x3CF0] =	vst v0  }
0xeb: {  	[tilespmem:s28], [sflag:$0x1] =	stream.indirect.gather [hbm4b:s4+s20], $0x80, s26, s20, $0xb8;
	[tilespmem:$0x1F680] =	vst v63  }
.LBB2_5:
0xec: {  	_ =	swait.ge [sflag:s29], $0x4000  }
0xed: {  	[sflag:s29] =	ssyncset.done $0x0  }
0xee: {  	[sflag:s29] =	ssyncadd.s32 $0xFFFFC000  }
.Ltmp6:
0xef: {  	_ =	swait.ge [sflag:s29], $0x4000;
	(pc) =	sbr.rel @!p1 .LBB2_6-.Ltmp6, $3  }
0xf0: {  	[sflag:s29] =	ssyncset.done $0x0  }
0xf1: {  	[sflag:s29] =	ssyncadd.s32 $0xFFFFC000  }
0xf2: {  	[bflag:$0x0] =	sbarrier.arrive $0xFFFF;
	_ =	sdelay $0x1  }
0xf3: {  	s0 =	rddreg [dreg:$0x8]  }
0xf4: {  	[hbm:s0], [sflag:s8] =	dma.local [spmem:s31], $0x2700  }
.Ltmp7:
0xf5: {  	_ = 	snop;
	(pc) =	sbr.rel @p2 .LBB2_9-.Ltmp7, $4  }
.Ltmp8:
0xf6: {  	_ = 	snop;
	(pc) =	sbr.rel @!p2 .LBB2_8-.Ltmp8, $4  }
0xf7: {  	_ =	swait.ge [sflag:s19], $0x2700  }
0xf8: {  	[sflag:s19] =	ssyncset.done $0x0  }
0xf9: {  	s0 =	rddreg [dreg:$0x6];
	[sflag:s19] =	ssyncadd.s32 $0xFFFFD900  }
0xfa: {  	_ = 	snop  }
.LBB2_6:
0xfb: {  	s0 =	rddreg [dreg:$0x7]  }
0xfc: {  	[hbm:s0], [sflag:s8] =	dma.local [spmem:s31], $0x2700  }
.Ltmp9:
0xfd: {  	_ = 	snop;
	(pc) =	sbr.rel @p3 .LBB2_8-.Ltmp9, $4  }
.Ltmp10:
0xfe: {  	_ =	swait.ge [sflag:s19], $0x2700;
	(pc) =	sbr.rel @!p3 .LBB2_9-.Ltmp10, $4  }
0xff: {  	[sflag:s19] =	ssyncset.done $0x0  }
0x100: {  	[sflag:s19] =	ssyncadd.s32 $0xFFFFD900  }
0x101: {  	s0 =	rddreg [dreg:$0x3]  }
0x102: {  	_ = 	snop  }
.LBB2_10:
0x103: {  	_ =	sfence.sel $0x180000  }
0x104: {  	[bflag:$0x0] =	sbarrier.arrive $0xFFFF  }
0x105: {  	_ =	strace $0x9000004A  }
0x106: {  	[bflag:$0x2] =	sbarrier.arrive $0xFFFF  }
0x107: {  	s0 =	rddreg [dreg:$0x5]  }
0x108: {  	s0 =	sadd.s32 @!p0 $0x100000, s0  }
0x109: {  	[sflag:s0] =	ssyncadd.tile.s32 @!p0 $0x1;
	_ =	shalt  }
.Lfunc_end2:
_tile_overlayer_lowered:
.L_overlay_start_2:
0x10a: {  	(tag) =	ssettag $0x2  }
0x10b: {  	s0 =	rddreg [dreg:$0x0];
	s2 =	stileid.u32  }
0x10c: {  	s1 =	rddreg [dreg:$0x1];
	p0 =	sne.s32 s2, $0x0  }
0x10d: {  	s3 =	rddreg [dreg:$0x2];
	[bflag:$0x3] =	sbarrier.arrive $0xFFFF;
	s2 =	simm.s32 @!p0 $0x1C03  }
0x10e: {  	[timem:s3], [sflag:s2] =	dma.local @!p0 [hbm:s0], s1  }
0x10f: {  	s0 =	simm.s32 @!p0 $0x3  }
0x110: {  	_ =	swait.ge @!p0 [sflag:s0], s1  }
0x111: {  	s1 =	ssub.s32 @!p0 $0x0, s1;
	[sflag:s0] =	ssyncset.done @!p0 $0x0  }
0x112: {  	[sflag:s0] =	ssyncadd.s32 @!p0 s1  }
0x113: {  	[bflag:$0x3] =	sbarrier.arrive $0xFFFF  }
0x114: {  	_ =	shalt  }

// kernel: kernel.7.cloned.1.call-start
scs
__scs_entry_jumppad:
0x0: {  	(pc) =	sbr.rel $0x88, $3  }
0x1: {  	(tag) =	ssettag $0x0;
	lr =	simm.s32 $0x1  }
0x2: {  	[smem:$0x3F9C] =	sst lr;
	_ =	strace $0xD0000000  }
0x3: {  	_ = 	snop  }
0x4: {  	_ = 	snop  }
0x5: {  	_ = 	snop  }
0x6: {  	_ = 	snop  }
0x7: {  	_ = 	snop  }
__scs_overlays_trampoline_lowered:
0x8: {  	[smem:$0x3FAB] =	sst s0  }
0x9: {  	[smem:$0x3FAC] =	sst s1  }
0xa: {  	[smem:$0x3FAD] =	sst s2  }
0xb: {  	[smem:$0x3FAE] =	sst s3  }
0xc: {  	[smem:$0x3FAF] =	sst s4  }
0xd: {  	[smem:$0x3FB0] =	sst s5  }
0xe: {  	[smem:$0x3FB1] =	sst s6  }
0xf: {  	[smem:$0x3FB2] =	sst s7  }
0x10: {  	[smem:$0x3FB3] =	sst s8  }
0x11: {  	[smem:$0x3FB4] =	sst s9;
	s0 =	simm.s32 @!p0 $0x0  }
0x12: {  	s1 =	sld [smem:$0x3F9A];
	s0 =	simm.s32 @p0 $0x1  }
0x13: {  	[smem:$0x3FB5] =	sst s0;
	s0 =	simm.s32 @!p1 $0x0  }
0x14: {  	s2 =	sld [smem:$0x3F99];
	s0 =	simm.s32 @p1 $0x1  }
0x15: {  	[smem:$0x3FB6] =	sst s0;
	s0 =	simm.s32 @!p2 $0x0  }
0x16: {  	s3 =	sld [smem:$0x3FDB];
	s0 =	simm.s32 @p2 $0x1  }
0x17: {  	s4 =	simm.s32 $0x1BF5;
	[smem:$0x3FB8] =	sst s0  }
0x18: {  	s0 =	sld [smem:$0x3F9B];
	_ =	swait.ge [sflag:s4], $0x0  }
0x19: {  	s7 =	sld [smem:$0x3F9C]  }
0x1a: {  	s8 =	sadd.s32 $0xFFFFE003, lr  }
0x1b: {  	s9 =	sadd.s32 $0xFFFFFEF7, lr;
	s5 =	simm.s32 $0xFFFFFFFF;
	p2 =	slt.u32 s8, $0xFFFFF086  }
0x1c: {  	p1 =	slt.u32 s9, $0xF7A;
	s5 =	simm.s32 @!p2 $0x0  }
0x1d: {  	s5 =	simm.s32 @p1 $0x1;
	p0 =	seq.s32 s7, s2  }
0x1e: {  	s7 =	smul.u32 @!p0 $0xF7A, s2;
	p2 =	seq.s32 @!p0 s5, $0x0  }
0x1f: {  	s9 =	smul.u32 $0xF7A, s1;
	s8 =	simm.s32 @!p0 $0x1BF5;
	p2 =	por !p2, p0  }
0x20: {  	[sflag:s8] =	ssyncset.s32 @!p0 $0xFFFFF086;
	s6 =	sadd.s32 @!p0 s3, s7;
	s7 =	simm.s32 @!p0 $0x108  }
0x21: {  	s3 =	sadd.s32 s3, s9;
	s6 =	sadd.s32 @!p0 $0x88, s6;
	s7 =	simm.s32 @p2 $0x1082  }
0x22: {  	[simem:s7], [sflag:s8] =	dma.local @!p0 [hbm:s6], $0xF7A  }
0x23: {  	s9 =	sor.u32 $0xD0000000, s2;
	s6 =	simm.s32 $0x108;
	_ =	swait.ge @!p0 [sflag:s8], $0x0  }
0x24: {  	s3 =	sadd.s32 $0x88, s3;
	s6 =	simm.s32 @!p1 $0x1082;
	[sflag:s4] =	ssyncset.s32 $0xFFFFF086  }
0x25: {  	[simem:s6], [sflag:s4] =	dma.local [hbm:s3], $0xF7A  }
0x26: {  	[smem:$0x3F9C] =	sst s1;
	(tag) =	ssettag s2;
	_ =	strace s9  }
0x27: {  	s1 =	sld [smem:$0x3FAC]  }
0x28: {  	s2 =	sld [smem:$0x3FAD]  }
0x29: {  	s4 =	sld [smem:$0x3FAF]  }
0x2a: {  	p0 =	seq.s32 s5, $0x0;
	s5 =	sld [smem:$0x3FB0]  }
0x2b: {  	s6 =	sld [smem:$0x3FB1]  }
0x2c: {  	s7 =	sld [smem:$0x3FB2]  }
0x2d: {  	s3 =	simm.s32 $0x108;
	s8 =	sld [smem:$0x3FB3]  }
0x2e: {  	s3 =	simm.s32 @!p0 $0x1082;
	s9 =	sld [smem:$0x3FB4]  }
0x2f: {  	lr =	sadd.s32 s0, s3;
	s0 =	sld [smem:$0x3FAB]  }
0x30: {  	s3 =	sld [smem:$0x3FAE]  }
0x31: {  	[smem:$0x3FB7] =	sst s10  }
0x32: {  	s10 =	sld [smem:$0x3FB5];
	_ =	sdelay $0x3  }
0x33: {  	p0 =	seq.s32 s10, $0x1;
	s10 =	sld [smem:$0x3FB7];
	_ =	sdelay $0x3  }
0x34: {  	[smem:$0x3FB7] =	sst s10  }
0x35: {  	s10 =	sld [smem:$0x3FB6];
	_ =	sdelay $0x3  }
0x36: {  	p1 =	seq.s32 s10, $0x1;
	s10 =	sld [smem:$0x3FB7];
	_ =	sdelay $0x3  }
0x37: {  	[smem:$0x3FB7] =	sst s10  }
0x38: {  	s10 =	sld [smem:$0x3FB8]  }
0x39: {  	_ = 	snop;
	(pc) =	sbr.ind lr, $3  }
0x3a: {  	_ = 	snop  }
0x3b: {  	_ = 	snop  }
0x3c: {  	p2 =	seq.s32 s10, $0x1;
	s10 =	sld [smem:$0x3FB7]  }
0x3d: {  	_ =	shalt  }
0x3e: {  	_ =	shalt  }
0x3f: {  	_ =	shalt  }
0x40: {  	_ =	shalt  }
0x41: {  	_ =	shalt  }
0x42: {  	_ =	shalt  }
0x43: {  	_ =	shalt  }
0x44: {  	_ =	shalt  }
0x45: {  	_ =	shalt  }
0x46: {  	_ =	shalt  }
0x47: {  	_ =	shalt  }
0x48: {  	_ =	shalt  }
0x49: {  	_ =	shalt  }
0x4a: {  	_ =	shalt  }
0x4b: {  	_ =	shalt  }
0x4c: {  	_ =	shalt  }
0x4d: {  	_ =	shalt  }
0x4e: {  	_ =	shalt  }
0x4f: {  	_ =	shalt  }
0x50: {  	_ =	shalt  }
0x51: {  	_ =	shalt  }
0x52: {  	_ =	shalt  }
0x53: {  	_ =	shalt  }
0x54: {  	_ =	shalt  }
0x55: {  	_ =	shalt  }
0x56: {  	_ =	shalt  }
0x57: {  	_ =	shalt  }
0x58: {  	_ =	shalt  }
0x59: {  	_ =	shalt  }
0x5a: {  	_ =	shalt  }
0x5b: {  	_ =	shalt  }
0x5c: {  	_ =	shalt  }
0x5d: {  	_ =	shalt  }
0x5e: {  	_ =	shalt  }
0x5f: {  	_ =	shalt  }
0x60: {  	_ =	shalt  }
0x61: {  	_ =	shalt  }
0x62: {  	_ =	shalt  }
0x63: {  	_ =	shalt  }
0x64: {  	_ =	shalt  }
0x65: {  	_ =	shalt  }
0x66: {  	_ =	shalt  }
0x67: {  	_ =	shalt  }
0x68: {  	_ =	shalt  }
0x69: {  	_ =	shalt  }
0x6a: {  	_ =	shalt  }
0x6b: {  	_ =	shalt  }
0x6c: {  	_ =	shalt  }
0x6d: {  	_ =	shalt  }
0x6e: {  	_ =	shalt  }
0x6f: {  	_ =	shalt  }
0x70: {  	_ =	shalt  }
0x71: {  	_ =	shalt  }
0x72: {  	_ =	shalt  }
0x73: {  	_ =	shalt  }
0x74: {  	_ =	shalt  }
0x75: {  	_ =	shalt  }
0x76: {  	_ =	shalt  }
0x77: {  	_ =	shalt  }
0x78: {  	_ =	shalt  }
0x79: {  	_ =	shalt  }
0x7a: {  	_ =	shalt  }
0x7b: {  	_ =	shalt  }
0x7c: {  	_ =	shalt  }
0x7d: {  	_ =	shalt  }
0x7e: {  	_ =	shalt  }
0x7f: {  	_ =	shalt  }
0x80: {  	_ =	shalt  }
0x81: {  	_ =	shalt  }
0x82: {  	_ =	shalt  }
0x83: {  	_ =	shalt  }
0x84: {  	_ =	shalt  }
0x85: {  	_ =	shalt  }
0x86: {  	_ =	shalt  }
0x87: {  	_ =	shalt  }
.Lfunc_end0:
.L_simem_size_0:
called_computation_lowered:
.L_overlay_start_0:
0x88: {  	s2 =	sld [smem:$0x3FD9]  }
0x89: {  	s3 =	sld [smem:$0x3FFE];
	_ =	sdelay $0x1  }
0x8a: {  	s1 =	srdreg.scid  }
0x8b: {  	s0 =	sand.u32 $0x1, s1  }
0x8c: {  	s17 =	sshll.u32 s0, $0xA;
	s2 =	sadd.s32 s3, s2  }
0x8d: {  	s2 =	sadd.s32 s2, s17  }
0x8e: {  	[smem:$0x3FC3] =	sst s2  }
0x8f: {  	_ = 	snop  }
0x90: {  	s2 =	sld [smem:$0x3FC9]  }
0x91: {  	s18 =	sld [smem:$0x3FC8]  }
0x92: {  	s4 =	sld [smem:$0x3FD0];
	(tm) =	ssettm $0x1  }
0x93: {  	s5 =	sld [smem:$0x3FFB];
	_ =	sdelay $0x3  }
0x94: {  	_ =	strace s5  }
0x95: {  	s5 =	sld [smem:$0x3FFC];
	_ =	sdelay $0x3  }
0x96: {  	_ =	strace s5  }
0x97: {  	s5 =	sld [smem:$0x3FFD];
	_ =	sdelay $0x3  }
0x98: {  	_ =	strace s5  }
0x99: {  	_ =	strace $0x8FFFFFFF  }
0x9a: {  	s19 =	sld [smem:$0x3FDB];
	_ =	sdelay $0x1  }
0x9b: {  	s6 =	simm.s32 $_scs_section_size  }
0x9c: {  	s7 =	simm.s32 $_size__tile_overlayer_lowered;
	s8 =	simm.s32 $_tile_overlayer_lowered  }
0x9d: {  	s22 =	simm.s32 $0x1BFF;
	s21 =	sshll.u32 s8, $0x1;
	s5 =	sadd.s32 s6, s19  }
0x9e: {  	s9 =	simm.s32 $0x0;
	s20 =	sshll.u32 s7, $0x1;
	s7 =	sadd.s32 s21, s5  }
0x9f: {  	[timem:s9], [sflag:s22] =	dma.local [hbm:s7], s20  }
0xa0: {  	_ =	swait.ge [sflag:s22], s20  }
0xa1: {  	s6 =	ssub.s32 $0x0, s20;
	[sflag:s22] =	ssyncset.done $0x0  }
0xa2: {  	[sflag:s22] =	ssyncadd.s32 s6;
	_ =	sdelay $0x1  }
0xa3: {  	s23 =	simm.s32 $0x1B8B  }
0xa4: {  	_ =	swait.ge [sflag:s23], $0x1  }
0xa5: {  	[sflag:s23] =	ssyncset.done $0x0  }
0xa6: {  	s25 =	simm.s32 $0x1B8E;
	s24 =	sld [smem:$0x3FFE];
	[sflag:s23] =	ssyncadd.s32 $0xFFFFFFFF  }
0xa7: {  	s26 =	simm.s32 $execute0_lowered;
	[smem:$0x3FD2] =	sst s25  }
0xa8: {  	s7 =	sshll.u32 s26, $0x1;
	_ =	strace $0x80000046;
	[dreg:$0x1] =	wrdreg $0xFFFFFFFF  }
0xa9: {  	s28 =	simm.s32 $_size_execute0_lowered;
	s5 =	sadd.s32 s5, s7;
	[dreg:$0x0] =	wrdreg $0x0  }
0xaa: {  	s7 =	sshll.u32 s28, $0x1;
	[dreg:$0x2] =	wrdreg s5  }
0xab: {  	[dreg:$0x3] =	wrdreg s7  }
0xac: {  	[dreg:$0x4] =	wrdreg $0xC0  }
0xad: {  	_ =	task [dreg:s9], $0x5FFFF  }
0xae: {  	[dreg:$0x1] =	wrdreg $0xFFFFFFFF  }
0xaf: {  	[dreg:$0x0] =	wrdreg $0x60  }
0xb0: {  	[dreg:$0x2] =	wrdreg s24  }
0xb1: {  	[dreg:$0x3] =	wrdreg s2  }
0xb2: {  	[dreg:$0x4] =	wrdreg s18  }
0xb3: {  	[dreg:$0x5] =	wrdreg s4  }
0xb4: {  	[dreg:$0x6] =	wrdreg $0xBE000  }
0xb5: {  	[dreg:$0x7] =	wrdreg $0x9  }
0xb6: {  	_ =	task.clear_ibuf [dreg:s9], $0x8FFFF;
	_ =	strace $0x90000046  }
0xb7: {  	s29 =	simm.s32 $0x9;
	_ =	strace $0x80000048  }
0xb8: {  	_ =	swait.ge [sflag:s29], $0x1  }
0xb9: {  	[sflag:s29] =	ssyncadd.s32 $0xFFFFFFFF  }
0xba: {  	_ =	strace $0x90000048  }
0xbb: {  	_ =	sfence  }
0xbc: {  	s30 =	sld [smem:$0x0];
	_ =	sdelay $0x2  }
0xbd: {  	s31 =	sshll.u32 s1, $0xD;
	s1 =	sshrl.u32 s1, $0x2  }
0xbe: {  	s3 =	sand.u32 $0x4000, s31;
	s1 =	sadd.s32 s1, s30  }
0xbf: {  	s0 =	sor.u32 s3, s0;
	s1 =	sshll.u32 s1, $0x11  }
0xc0: {  	s0 =	sor.u32 s1, s0  }
0xc1: {  	s0 =	sadd.s32 $0x8F2B, s0  }
0xc2: {  	[sflag:s0] =	ssyncadd.remote.s32 $0x1  }
0xc3: {  	_ =	sfence.sel $0xFFFF  }
0xc4: {  	[dreg:$0x0] =	wrdreg $0xFFFFFFFF;
	(pc) =	sbr.abs _section_cstart, $3  }
0xc5: {  	[dreg:$0x1] =	wrdreg $0xFFFFFFFF  }
0xc6: {  	_ =	task.clear_ibuf [dreg:s9], $0x2FFFF;
	_ =	strace $0x9FFFFFFF  }
0xc7: {  	(tm) =	ssettm $0x7FFFFFFF  }
tec
execute0_lowered:
.L_overlay_start_1:
0x0: {  	(tag) =	ssettag $0x1  }
0x1: {  	s0 =	rddreg [dreg:$0x0]  }
0x2: {  	s1 =	rddreg [dreg:$0x1]  }
0x3: {  	s6 =	rddreg [dreg:$0x2]  }
0x4: {  	s3 =	rddreg [dreg:$0x3]  }
0x5: {  	s2 =	rddreg [dreg:$0x4]  }
0x6: {  	s4 =	simm.s32 $0x0;
	s7 =	srdreg.scid;
	s16 =	stileid.u32  }
0x7: {  	s21 =	simm.s32 $0x100;
	s28 =	simm.s32 $0x7E00;
	s29 =	simm.s32 $0x2  }
0x8: {  	s30 =	simm.s32 $0x0;
	[smem:$0x7FF] =	sst s4;
	s4 =	sadd.s32 $0x2200, s0  }
0x9: {  	s5 =	sadd.s32 $0x13AA00, s0;
	s17 =	sand.u32 $0x1, s7;
	s22 =	sshll.u32 s16, $0x1  }
0xa: {  	s9 =	smul.u32 $0x4E000, s16;
	s20 =	sadd.s32 $0x13D200, s0;
	s25 =	sshll.u32 s16, $0x6  }
0xb: {  	p0 =	seq.s32 s16, $0x0;
	s14 =	sadd.s32 $0x10, s1;
	s19 =	smul.u32 $0x2700, s16  }
0xc: {  	p2 =	sne.s32 s16, $0xF;
	p3 =	seq.s32 s16, $0xF;
	_ =	strace $0x80000047  }
0xd: {  	s8 =	ssub.s32 $0x2, s17;
	s7 =	sor.u32 s17, s22;
	p1 =	seq.s32 s17, $0x1  }
0xe: {  	[dreg:$0x6] =	wrdreg s20;
	s23 =	sshrl.u32 s8, $0x1;
	s10 =	smul.u32 $0x27, s7  }
0xf: {  	s24 =	sshrl.u32 s9, $0x2;
	s13 =	smul.u32 $0x28, s7;
	s9 =	sadd.s32 $0x138000, s2  }
0x10: {  	s26 =	sadd.s32 s3, s19;
	s31 =	sadd.s32 s20, s19;
	s19 =	simm.s32 $0x3  }
0x11: {  	s20 =	simm.s32 $0x80;
	s0 =	ssub.s32 s8, s23;
	s7 =	sadd.s32 s24, s2  }
0x12: {  	s8 =	sor.u32 $0x1C03, s25;
	[dreg:$0x7] =	wrdreg s26;
	s10 =	sadd.s32 $0x2, s10  }
0x13: {  	[dreg:$0x8] =	wrdreg s31;
	s26 =	simm.s32 $0x3C80;
	s10 =	smov.u32 @p0 s13  }
.Ltmp0:
0x14: {  	s13 =	sadd.s32 $0x27, s13;
	p0 =	sne.s32 s16, $0x0;
	(pc) =	sbr.rel .LBB2_1-.Ltmp0, $4  }
0x15: {  	s11 =	sshll.u32 s10, $0x5;
	s12 =	sshll.u32 s10, $0x4;
	s15 =	sshll.u32 s13, $0x5  }
0x16: {  	s18 =	sshll.u32 s13, $0x4;
	s10 =	sadd.s32 s1, s11;
	s12 =	sand.u32 $0x1FFFFFF0, s12  }
0x17: {  	s11 =	sadd.s32 s11, s14;
	s13 =	sadd.s32 s1, s15;
	s14 =	sadd.s32 s15, s14  }
0x18: {  	s15 =	sadd.s32 s6, s18;
	s18 =	smax.u32 s0, $0x1;
	s12 =	sadd.s32 s6, s12  }
.LBB2_8:
0x19: {  	s0 =	sadd.s32 $0x27000, s0;
	s1 =	sshrl.u32 s9, $0x3  }
0x1a: {  	[hbm:s0], [sflag:s8] =	dma.local [spmem:s1], $0x100  }
0x1b: {  	_ =	swait.ge [sflag:s19], $0x100  }
0x1c: {  	[sflag:s19] =	ssyncset.done $0x0  }
0x1d: {  	[sflag:s19] =	ssyncadd.s32 $0xFFFFFF00  }
.LBB2_9:
0x1e: {  	s30 =	sadd.s32 $0x1, s30  }
0x1f: {  	p4 =	sne.s32 s30, s18  }
.Ltmp1:
0x20: {  	_ = 	snop;
	(pc) =	sbr.rel @!p4 .LBB2_10-.Ltmp1, $1  }
0x21: {  	_ =	sdelay $0x3  }
.LBB2_1:
0x22: {  	s31 =	sshrl.u32 s7, $0x3  }
0x23: {  	[spmem:s31], [sflag:s8] =	dma.local [hbm:s5], $0x2700  }
0x24: {  	_ =	swait.ge [sflag:s19], $0x2700  }
0x25: {  	[sflag:s19] =	ssyncset.done $0x0  }
0x26: {  	s0 =	sshrl.u32 @!p2 s9, $0x3;
	[sflag:s19] =	ssyncadd.s32 $0xFFFFD900  }
0x27: {  	[spmem:s0], [sflag:s8] =	dma.local @!p2 [hbm:s5], $0x100  }
0x28: {  	s0 =	simm.s32 @!p2 $0x3  }
0x29: {  	_ =	swait.ge @!p2 [sflag:s0], $0x100  }
0x2a: {  	[sflag:s0] =	ssyncset.done @!p2 $0x0  }
0x2b: {  	s23 =	simm.s32 $0x0;
	[sflag:s0] =	ssyncadd.s32 @!p2 $0xFFFFFF00  }
0x2c: {  	[tilespmem:s23], [sflag:$0x3] =	stream.strided.gather [hbm4b:s10+s20], $0x1380, s21, s20, $0x38;
	[tilespmem:$0x1F680] =	vst v63  }
0x2d: {  	_ =	swait.ge [sflag:s19], $0x1380  }
0x2e: {  	[sflag:s19] =	ssyncset.done $0x0  }
0x2f: {  	s1 =	simm.s32 $0x1400;
	[sflag:s19] =	ssyncadd.s32 $0xFFFFEC80  }
0x30: {  	[tilespmem:s1], [sflag:$0x3] =	stream.strided.gather [hbm4b:s11+s20], $0x1380, s21, s20, $0x38;
	[tilespmem:$0x1F680] =	vst v63  }
0x31: {  	_ =	swait.ge [sflag:s19], $0x1380  }
0x32: {  	[sflag:s19] =	ssyncset.done $0x0  }
0x33: {  	s24 =	simm.s32 $0x2800;
	[sflag:s19] =	ssyncadd.s32 $0xFFFFEC80  }
0x34: {  	[tilespmem:s24], [sflag:$0x3] =	stream.linear.gather [hbm4b:s12+s23], $0x1380, $0x38;
	[tilespmem:$0x1F680] =	vst v63  }
0x35: {  	_ =	swait.ge [sflag:s19], $0x1380  }
0x36: {  	[sflag:s19] =	ssyncset.done $0x0  }
0x37: {  	s0 =	simm.s32 @!p0 $0x0;
	s1 =	simm.s32 @!p0 $0x1380;
	[sflag:s19] =	ssyncadd.s32 $0xFFFFEC80  }
0x38: {  	[tilespmem:s1], [sflag:$0x3] =	stream.linear.gather @!p0 [hbm4b:s13+s0], $0x80, $0x38;
	[tilespmem:$0x1F680] =	vst v63  }
0x39: {  	s1 =	simm.s32 @!p0 $0x3  }
0x3a: {  	_ =	swait.ge @!p0 [sflag:s1], $0x80  }
0x3b: {  	[sflag:s1] =	ssyncset.done @!p0 $0x0  }
0x3c: {  	s6 =	simm.s32 @!p0 $0x2780;
	[sflag:s1] =	ssyncadd.s32 @!p0 $0xFFFFFF80  }
0x3d: {  	[tilespmem:s6], [sflag:$0x3] =	stream.linear.gather @!p0 [hbm4b:s14+s0], $0x80, $0x38;
	[tilespmem:$0x1F680] =	vst v63  }
0x3e: {  	_ =	swait.ge @!p0 [sflag:s1], $0x80  }
0x3f: {  	[sflag:s1] =	ssyncset.done @!p0 $0x0  }
0x40: {  	s6 =	simm.s32 @!p0 $0x3B80;
	[sflag:s1] =	ssyncadd.s32 @!p0 $0xFFFFFF80  }
0x41: {  	[tilespmem:s6], [sflag:$0x3] =	stream.linear.gather @!p0 [hbm4b:s15+s0], $0x80, $0x38;
	[tilespmem:$0x1F680] =	vst v63  }
0x42: {  	_ =	swait.ge @!p0 [sflag:s1], $0x80  }
0x43: {  	[sflag:s1] =	ssyncset.done @!p0 $0x0  }
0x44: {  	[sflag:s1] =	ssyncadd.s32 @!p0 $0xFFFFFF80  }
0x45: {  	[bflag:$0x0] =	sbarrier.arrive $0xFFFF  }
0x46: {  	v0 =	vld [tilespmem:$0x2800]  }
0x47: {  	v1 =	vld [tilespmem:$0x0]  }
0x48: {  	v2 =	vld [tilespmem:$0x1400]  }
0x49: {  	v3 =	vld [tilespmem:$0x2810]  }
0x4a: {  	v4 =	vld [tilespmem:$0x10]  }
0x4b: {  	v5 =	vld [tilespmem:$0x1410]  }
0x4c: {  	v6 =	vld [tilespmem:$0x2820]  }
0x4d: {  	v7 =	vld [tilespmem:$0x20]  }
0x4e: {  	v8 =	vld [tilespmem:$0x1420]  }
0x4f: {  	v9 =	vld [tilespmem:$0x2830]  }
0x50: {  	v10 =	vld [tilespmem:$0x30]  }
0x51: {  	v11 =	vld [tilespmem:$0x1430]  }
0x52: {  	v12 =	vld [tilespmem:$0x2840]  }
0x53: {  	v46 =	vld [tilespmem:$0x40]  }
0x54: {  	v51 =	vld [tilespmem:$0x50];
	[tilespmem:$0x3D00] =	vst v1  }
0x55: {  	v58 =	vld [tilespmem:$0x60];
	[tilespmem:$0x3D10] =	vst v4  }
0x56: {  	v61 =	vld [tilespmem:$0x70];
	[tilespmem:$0x3D20] =	vst v7  }
0x57: {  	v47 =	vld [tilespmem:$0x1440];
	[tilespmem:$0x3D30] =	vst v10  }
0x58: {  	v50 =	vld [tilespmem:$0x2850];
	[tilespmem:$0x3D40] =	vst v46  }
0x59: {  	v53 =	vld [tilespmem:$0x1450];
	v0 =	vmul.u32 $0x2710, v0;
	[tilespmem:$0x3D50] =	vst v51  }
0x5a: {  	v57 =	vld [tilespmem:$0x2870];
	v45 =	vmul.u32 $0x2710, v3;
	[tilespmem:$0x3D60] =	vst v58  }
0x5b: {  	v54 =	vld [tilespmem:$0x2860];
	v49 =	vmul.u32 $0x2710, v6;
	[tilespmem:$0x3D70] =	vst v61;
	v0 =	vadd.s32 v0, v2  }
0x5c: {  	v59 =	vld [tilespmem:$0x1470];
	v52 =	vmul.u32 $0x2710, v9;
	v48 =	vadd.s32 v45, v5;
	[tilespmem:$0x3C00] =	vst v0  }
0x5d: {  	v56 =	vld [tilespmem:$0x1460];
	v55 =	vmul.u32 $0x2710, v12;
	v2 =	vadd.s32 v49, v8;
	[tilespmem:$0x3C10] =	vst v48  }
0x5e: {  	v4 =	vadd.s32 v52, v11;
	v5 =	vmul.u32 $0x2710, v50;
	[tilespmem:$0x3C20] =	vst v2  }
0x5f: {  	v63 =	vmul.u32 $0x2710, v57;
	[tilespmem:$0x3C30] =	vst v4;
	v0 =	vadd.s32 v55, v47  }
.Ltmp2:
0x60: {  	s25 =	simm.s32 $0x3C00;
	v2 =	vmul.u32 $0x2710, v54;
	[tilespmem:$0x3C40] =	vst v0;
	v60 =	vadd.s32 v5, v53;
	(pc) =	sbr.rel .LBB2_2-.Ltmp2, $4  }
0x61: {  	s3 =	simm.s32 $0x3E00;
	s22 =	simm.s32 $0x1480;
	s0 =	simm.s32 @!p0 $0x50;
	v0 =	vadd.s32 v63, v59;
	[tilespmem:$0x3C50] =	vst v60  }
0x62: {  	s16 =	simm.s32 $0x0;
	s23 =	simm.s32 $0x2880;
	s0 =	simm.s32 @p0 $0x4E;
	v62 =	vadd.s32 v2, v56;
	[tilespmem:$0x3C70] =	vst v0  }
0x63: {  	s24 =	simm.s32 $0x80;
	s6 =	sadd.s32 $0xFFFFFFFE, s0;
	s1 =	sadd.s32 $0xFFFFFFFF, s0;
	[tilespmem:$0x3C60] =	vst v62  }
0x64: {  	[tilespmem:s3], [sflag:$0x1] =	stream.indirect.gather [hbm4b:s4+s20], $0x80, s25, s20, $0xb8;
	[tilespmem:$0x1F680] =	vst v63  }
.LBB2_4:
0x65: {  	p5 =	sge.u32 s16, s0  }
0x66: {  	s17 =	simm.s32 @!p5 $0x1  }
0x67: {  	_ =	swait.ge @!p5 [sflag:s17], $0x4000  }
0x68: {  	s25 =	simm.s32 @!p5 $0x3D00;
	[sflag:s17] =	ssyncset.done @!p5 $0x0  }
0x69: {  	s3 =	simm.s32 @!p5 $0x3E00;
	[sflag:s17] =	ssyncadd.s32 @!p5 $0xFFFFC000;
	s17 =	simm.s32 @!p5 $0x80  }
0x6a: {  	[spmem:s2] =	stream.indirect.scatter.add.f32 @!p5 [tilespmem:s3], [sflag:$0x2], $0x80, s25, s17, $0xb8;
	[tilespmem:$0x1F680] =	vst v63  }
0x6b: {  	p5 =	sge.u32 s16, s6  }
0x6c: {  	s3 =	simm.s32 @!p5 $0x2  }
0x6d: {  	_ =	swait.ge @!p5 [sflag:s3], $0x4000  }
0x6e: {  	[sflag:s3] =	ssyncset.done @!p5 $0x0  }
0x6f: {  	[sflag:s3] =	ssyncadd.s32 @!p5 $0xFFFFC000  }
0x70: {  	v0 =	vld @!p5 [tilespmem:s23+$0x0]  }
0x71: {  	v1 =	vld @!p5 [tilespmem:s22+$0x0]  }
0x72: {  	v2 =	vld @!p5 [tilespmem:s24+$0x0];
	_ =	sdelay $0x2  }
0x73: {  	v0 =	vmul.u32 @!p5 $0x2710, v0;
	_ =	sdelay $0x1  }
0x74: {  	[tilespmem:$0x3D00] =	vst @!p5 v2;
	v0 =	vadd.s32 @!p5 v0, v1  }
0x75: {  	[tilespmem:$0x3C00] =	vst @!p5 v0  }
0x76: {  	v0 =	vld @!p5 [tilespmem:s23+$0x10]  }
0x77: {  	v1 =	vld @!p5 [tilespmem:s22+$0x10]  }
0x78: {  	v2 =	vld @!p5 [tilespmem:s24+$0x10];
	_ =	sdelay $0x2  }
0x79: {  	v0 =	vmul.u32 @!p5 $0x2710, v0;
	_ =	sdelay $0x1  }
0x7a: {  	[tilespmem:$0x3D10] =	vst @!p5 v2;
	v0 =	vadd.s32 @!p5 v0, v1  }
0x7b: {  	[tilespmem:$0x3C10] =	vst @!p5 v0  }
0x7c: {  	v0 =	vld @!p5 [tilespmem:s23+$0x20]  }
0x7d: {  	v1 =	vld @!p5 [tilespmem:s22+$0x20]  }
0x7e: {  	v2 =	vld @!p5 [tilespmem:s24+$0x20];
	_ =	sdelay $0x2  }
0x7f: {  	v0 =	vmul.u32 @!p5 $0x2710, v0;
	_ =	sdelay $0x1  }
0x80: {  	[tilespmem:$0x3D20] =	vst @!p5 v2;
	v0 =	vadd.s32 @!p5 v0, v1  }
0x81: {  	[tilespmem:$0x3C20] =	vst @!p5 v0  }
0x82: {  	v0 =	vld @!p5 [tilespmem:s23+$0x30]  }
0x83: {  	v1 =	vld @!p5 [tilespmem:s22+$0x30]  }
0x84: {  	v2 =	vld @!p5 [tilespmem:s24+$0x30];
	_ =	sdelay $0x2  }
0x85: {  	v0 =	vmul.u32 @!p5 $0x2710, v0;
	_ =	sdelay $0x1  }
0x86: {  	[tilespmem:$0x3D30] =	vst @!p5 v2;
	v0 =	vadd.s32 @!p5 v0, v1  }
0x87: {  	[tilespmem:$0x3C30] =	vst @!p5 v0  }
0x88: {  	v0 =	vld @!p5 [tilespmem:s23+$0x40]  }
0x89: {  	v1 =	vld @!p5 [tilespmem:s22+$0x40]  }
0x8a: {  	v2 =	vld @!p5 [tilespmem:s24+$0x40];
	_ =	sdelay $0x2  }
0x8b: {  	v0 =	vmul.u32 @!p5 $0x2710, v0;
	_ =	sdelay $0x1  }
0x8c: {  	[tilespmem:$0x3D40] =	vst @!p5 v2;
	v0 =	vadd.s32 @!p5 v0, v1  }
0x8d: {  	[tilespmem:$0x3C40] =	vst @!p5 v0  }
0x8e: {  	v0 =	vld @!p5 [tilespmem:s23+$0x50]  }
0x8f: {  	v1 =	vld @!p5 [tilespmem:s22+$0x50]  }
0x90: {  	v2 =	vld @!p5 [tilespmem:s24+$0x50];
	_ =	sdelay $0x2  }
0x91: {  	v0 =	vmul.u32 @!p5 $0x2710, v0;
	_ =	sdelay $0x1  }
0x92: {  	[tilespmem:$0x3D50] =	vst @!p5 v2;
	v0 =	vadd.s32 @!p5 v0, v1  }
0x93: {  	[tilespmem:$0x3C50] =	vst @!p5 v0  }
0x94: {  	v0 =	vld @!p5 [tilespmem:s23+$0x60]  }
0x95: {  	v1 =	vld @!p5 [tilespmem:s22+$0x60]  }
0x96: {  	v2 =	vld @!p5 [tilespmem:s24+$0x60];
	_ =	sdelay $0x2  }
0x97: {  	v0 =	vmul.u32 @!p5 $0x2710, v0;
	_ =	sdelay $0x1  }
0x98: {  	[tilespmem:$0x3D60] =	vst @!p5 v2;
	v0 =	vadd.s32 @!p5 v0, v1  }
0x99: {  	[tilespmem:$0x3C60] =	vst @!p5 v0  }
0x9a: {  	v0 =	vld @!p5 [tilespmem:s23+$0x70]  }
0x9b: {  	v1 =	vld @!p5 [tilespmem:s22+$0x70]  }
0x9c: {  	v2 =	vld @!p5 [tilespmem:s24+$0x70];
	_ =	sdelay $0x2  }
0x9d: {  	v0 =	vmul.u32 @!p5 $0x2710, v0;
	_ =	sdelay $0x1  }
0x9e: {  	[tilespmem:$0x3D70] =	vst @!p5 v2;
	v0 =	vadd.s32 @!p5 v0, v1  }
0x9f: {  	s17 =	simm.s32 @!p5 $0x3C00;
	s25 =	simm.s32 @!p5 $0x3E00;
	s3 =	simm.s32 @!p5 $0x80;
	[tilespmem:$0x3C70] =	vst @!p5 v0  }
0xa0: {  	[tilespmem:s25], [sflag:$0x1] =	stream.indirect.gather @!p5 [hbm4b:s4+s3], $0x80, s17, s3, $0xb8;
	[tilespmem:$0x1F680] =	vst v63  }
0xa1: {  	s3 =	simm.s32 @!p4 $0x1  }
0xa2: {  	_ =	swait.ge @!p4 [sflag:s3], $0x4000  }
0xa3: {  	s16 =	sadd.s32 $0x2, s16;
	s17 =	simm.s32 @!p4 $0x3D80;
	[sflag:s3] =	ssyncset.done @!p4 $0x0  }
0xa4: {  	s25 =	simm.s32 @!p4 $0x7E00;
	[sflag:s3] =	ssyncadd.s32 @!p4 $0xFFFFC000;
	s3 =	simm.s32 @!p4 $0x80  }
0xa5: {  	[spmem:s2] =	stream.indirect.scatter.add.f32 @!p4 [tilespmem:s25], [sflag:$0x2], $0x80, s17, s3, $0xb8;
	[tilespmem:$0x1F680] =	vst v63  }
0xa6: {  	p4 =	sne.s32 s16, $0x50  }
.Ltmp3:
0xa7: {  	_ = 	snop;
	(pc) =	sbr.rel @!p4 .LBB2_5-.Ltmp3, $2  }
0xa8: {  	_ =	sdelay $0x2  }
0xa9: {  	s22 =	sadd.s32 $0x80, s22;
	s24 =	sadd.s32 $0x80, s24;
	s23 =	sadd.s32 $0x80, s23  }
.LBB2_2:
0xaa: {  	p4 =	seq.s32 s16, $0x0  }
0xab: {  	p5 =	sge.u32 @!p4 s16, s1  }
0xac: {  	p5 =	por p5, p4;
	p4 =	sge.u32 s16, s1  }
.Ltmp4:
0xad: {  	_ = 	snop;
	(pc) =	sbr.rel @p4 .LBB2_4-.Ltmp4, $4  }
0xae: {  	s17 =	simm.s32 @!p5 $0x2  }
0xaf: {  	_ =	swait.ge @!p5 [sflag:s17], $0x4000  }
0xb0: {  	[sflag:s17] =	ssyncset.done @!p5 $0x0  }
0xb1: {  	[sflag:s17] =	ssyncadd.s32 @!p5 $0xFFFFC000  }
0xb2: {  	v0 =	vld [tilespmem:s23+$0xFFFFFF80];
	_ =	sdelay $0x1  }
0xb3: {  	v1 =	vld [tilespmem:s24+$0xFFFFFF80]  }
0xb4: {  	v2 =	vld [tilespmem:s22+$0xFFFFFF80];
	_ =	sdelay $0x1  }
0xb5: {  	v0 =	vmul.u32 $0x2710, v0;
	_ =	sdelay $0x1  }
0xb6: {  	v0 =	vadd.s32 v1, v0  }
0xb7: {  	[tilespmem:$0x3D80] =	vst v2;
	v0 =	vadd.s32 $0x9C40, v0  }
0xb8: {  	[tilespmem:$0x3C80] =	vst v0  }
0xb9: {  	v0 =	vld [tilespmem:s23+$0xFFFFFF90];
	_ =	sdelay $0x1  }
0xba: {  	v57 =	vld [tilespmem:s24+$0xFFFFFF90]  }
0xbb: {  	v2 =	vld [tilespmem:s22+$0xFFFFFF90];
	_ =	sdelay $0x1  }
0xbc: {  	v0 =	vmul.u32 $0x2710, v0;
	_ =	sdelay $0x1  }
0xbd: {  	v0 =	vadd.s32 v57, v0  }
0xbe: {  	[tilespmem:$0x3D90] =	vst v2;
	v0 =	vadd.s32 $0x9C40, v0  }
0xbf: {  	[tilespmem:$0x3C90] =	vst v0  }
0xc0: {  	v0 =	vld [tilespmem:s23+$0xFFFFFFA0];
	_ =	sdelay $0x1  }
0xc1: {  	v58 =	vld [tilespmem:s24+$0xFFFFFFA0]  }
0xc2: {  	v2 =	vld [tilespmem:s22+$0xFFFFFFA0];
	_ =	sdelay $0x1  }
0xc3: {  	v0 =	vmul.u32 $0x2710, v0;
	_ =	sdelay $0x1  }
0xc4: {  	v0 =	vadd.s32 v58, v0  }
0xc5: {  	[tilespmem:$0x3DA0] =	vst v2;
	v0 =	vadd.s32 $0x9C40, v0  }
0xc6: {  	[tilespmem:$0x3CA0] =	vst v0  }
0xc7: {  	v0 =	vld [tilespmem:s23+$0xFFFFFFB0];
	_ =	sdelay $0x1  }
0xc8: {  	v59 =	vld [tilespmem:s24+$0xFFFFFFB0]  }
0xc9: {  	v2 =	vld [tilespmem:s22+$0xFFFFFFB0];
	_ =	sdelay $0x1  }
0xca: {  	v0 =	vmul.u32 $0x2710, v0;
	_ =	sdelay $0x1  }
0xcb: {  	v0 =	vadd.s32 v59, v0  }
0xcc: {  	[tilespmem:$0x3DB0] =	vst v2;
	v0 =	vadd.s32 $0x9C40, v0  }
0xcd: {  	[tilespmem:$0x3CB0] =	vst v0  }
0xce: {  	v0 =	vld [tilespmem:s23+$0xFFFFFFC0];
	_ =	sdelay $0x1  }
0xcf: {  	v60 =	vld [tilespmem:s24+$0xFFFFFFC0]  }
0xd0: {  	v2 =	vld [tilespmem:s22+$0xFFFFFFC0];
	_ =	sdelay $0x1  }
0xd1: {  	v0 =	vmul.u32 $0x2710, v0;
	_ =	sdelay $0x1  }
0xd2: {  	v0 =	vadd.s32 v60, v0  }
0xd3: {  	[tilespmem:$0x3DC0] =	vst v2;
	v0 =	vadd.s32 $0x9C40, v0  }
0xd4: {  	[tilespmem:$0x3CC0] =	vst v0  }
0xd5: {  	v0 =	vld [tilespmem:s23+$0xFFFFFFD0];
	_ =	sdelay $0x1  }
0xd6: {  	v61 =	vld [tilespmem:s24+$0xFFFFFFD0]  }
0xd7: {  	v2 =	vld [tilespmem:s22+$0xFFFFFFD0];
	_ =	sdelay $0x1  }
0xd8: {  	v0 =	vmul.u32 $0x2710, v0;
	_ =	sdelay $0x1  }
0xd9: {  	v0 =	vadd.s32 v61, v0  }
0xda: {  	[tilespmem:$0x3DD0] =	vst v2;
	v0 =	vadd.s32 $0x9C40, v0  }
0xdb: {  	[tilespmem:$0x3CD0] =	vst v0  }
0xdc: {  	v0 =	vld [tilespmem:s23+$0xFFFFFFE0];
	_ =	sdelay $0x1  }
0xdd: {  	v62 =	vld [tilespmem:s24+$0xFFFFFFE0]  }
0xde: {  	v2 =	vld [tilespmem:s22+$0xFFFFFFE0];
	_ =	sdelay $0x1  }
0xdf: {  	v0 =	vmul.u32 $0x2710, v0;
	_ =	sdelay $0x1  }
0xe0: {  	v0 =	vadd.s32 v62, v0  }
0xe1: {  	[tilespmem:$0x3DE0] =	vst v2;
	v0 =	vadd.s32 $0x9C40, v0  }
0xe2: {  	[tilespmem:$0x3CE0] =	vst v0  }
0xe3: {  	v0 =	vld [tilespmem:s23+$0xFFFFFFF0];
	_ =	sdelay $0x1  }
0xe4: {  	v63 =	vld [tilespmem:s24+$0xFFFFFFF0]  }
0xe5: {  	v2 =	vld [tilespmem:s22+$0xFFFFFFF0];
	_ =	sdelay $0x1  }
0xe6: {  	v0 =	vmul.u32 $0x2710, v0  }
.Ltmp5:
0xe7: {  	_ = 	snop;
	(pc) =	sbr.rel .LBB2_4-.Ltmp5, $4  }
0xe8: {  	v0 =	vadd.s32 v63, v0  }
0xe9: {  	[tilespmem:$0x3DF0] =	vst v2;
	v0 =	vadd.s32 $0x9C40, v0  }
0xea: {  	[tilespmem:$0x3CF0] =	vst v0  }
0xeb: {  	[tilespmem:s28], [sflag:$0x1] =	stream.indirect.gather [hbm4b:s4+s20], $0x80, s26, s20, $0xb8;
	[tilespmem:$0x1F680] =	vst v63  }
.LBB2_5:
0xec: {  	_ =	swait.ge [sflag:s29], $0x4000  }
0xed: {  	[sflag:s29] =	ssyncset.done $0x0  }
0xee: {  	[sflag:s29] =	ssyncadd.s32 $0xFFFFC000  }
.Ltmp6:
0xef: {  	_ =	swait.ge [sflag:s29], $0x4000;
	(pc) =	sbr.rel @!p1 .LBB2_6-.Ltmp6, $3  }
0xf0: {  	[sflag:s29] =	ssyncset.done $0x0  }
0xf1: {  	[sflag:s29] =	ssyncadd.s32 $0xFFFFC000  }
0xf2: {  	[bflag:$0x0] =	sbarrier.arrive $0xFFFF;
	_ =	sdelay $0x1  }
0xf3: {  	s0 =	rddreg [dreg:$0x8]  }
0xf4: {  	[hbm:s0], [sflag:s8] =	dma.local [spmem:s31], $0x2700  }
.Ltmp7:
0xf5: {  	_ = 	snop;
	(pc) =	sbr.rel @p2 .LBB2_9-.Ltmp7, $4  }
.Ltmp8:
0xf6: {  	_ = 	snop;
	(pc) =	sbr.rel @!p2 .LBB2_8-.Ltmp8, $4  }
0xf7: {  	_ =	swait.ge [sflag:s19], $0x2700  }
0xf8: {  	[sflag:s19] =	ssyncset.done $0x0  }
0xf9: {  	s0 =	rddreg [dreg:$0x6];
	[sflag:s19] =	ssyncadd.s32 $0xFFFFD900  }
0xfa: {  	_ = 	snop  }
.LBB2_6:
0xfb: {  	s0 =	rddreg [dreg:$0x7]  }
0xfc: {  	[hbm:s0], [sflag:s8] =	dma.local [spmem:s31], $0x2700  }
.Ltmp9:
0xfd: {  	_ = 	snop;
	(pc) =	sbr.rel @p3 .LBB2_8-.Ltmp9, $4  }
.Ltmp10:
0xfe: {  	_ =	swait.ge [sflag:s19], $0x2700;
	(pc) =	sbr.rel @!p3 .LBB2_9-.Ltmp10, $4  }
0xff: {  	[sflag:s19] =	ssyncset.done $0x0  }
0x100: {  	[sflag:s19] =	ssyncadd.s32 $0xFFFFD900  }
0x101: {  	s0 =	rddreg [dreg:$0x3]  }
0x102: {  	_ = 	snop  }
.LBB2_10:
0x103: {  	_ =	sfence.sel $0x180000  }
0x104: {  	[bflag:$0x0] =	sbarrier.arrive $0xFFFF  }
0x105: {  	_ =	strace $0x90000047  }
0x106: {  	[bflag:$0x2] =	sbarrier.arrive $0xFFFF  }
0x107: {  	s0 =	rddreg [dreg:$0x5]  }
0x108: {  	s0 =	sadd.s32 @!p0 $0x100000, s0  }
0x109: {  	[sflag:s0] =	ssyncadd.tile.s32 @!p0 $0x1;
	_ =	shalt  }
.Lfunc_end2:
_tile_overlayer_lowered:
.L_overlay_start_2:
0x10a: {  	(tag) =	ssettag $0x2  }
0x10b: {  	s0 =	rddreg [dreg:$0x0];
	s2 =	stileid.u32  }
0x10c: {  	s1 =	rddreg [dreg:$0x1];
	p0 =	sne.s32 s2, $0x0  }
0x10d: {  	s3 =	rddreg [dreg:$0x2];
	[bflag:$0x3] =	sbarrier.arrive $0xFFFF;
	s2 =	simm.s32 @!p0 $0x1C03  }
0x10e: {  	[timem:s3], [sflag:s2] =	dma.local @!p0 [hbm:s0], s1  }
0x10f: {  	s0 =	simm.s32 @!p0 $0x3  }
0x110: {  	_ =	swait.ge @!p0 [sflag:s0], s1  }
0x111: {  	s1 =	ssub.s32 @!p0 $0x0, s1;
	[sflag:s0] =	ssyncset.done @!p0 $0x0  }
0x112: {  	[sflag:s0] =	ssyncadd.s32 @!p0 s1  }
0x113: {  	[bflag:$0x3] =	sbarrier.arrive $0xFFFF  }
0x114: {  	_ =	shalt  }

</sc_bundles>
